<compile_context>
chip_gen: v7x
topology: tpu7x:2x2x1
jax: 0.10.2.dev20260603
libtpu: 0.0.44.dev20260713+nightly
codegen_flags: <defaults>
</compile_context>

<pallas_src>
import functools

import jax
import jax.numpy as jnp
import numpy as np
from jax import lax
from jax.experimental import pallas as pl
from jax.experimental.pallas import tpu as pltpu
from jax.experimental.pallas import tpu_sc as plsc

NUM_EMB = 1000000
DIM = 64
QMAX = 127.0
BATCH = 16384
HIST = 50

_B = BATCH * HIST
_NW = 32
_B_PER_W = _B // _NW
_CHUNK = 400
_NCHUNK = _B_PER_W // _CHUNK

_SROWS = NUM_EMB // 16
_SCH = 156
_STAIL = _SROWS - _SCH * _CHUNK

_SIGN_MASK = np.uint32(0x80000000)
_MAGIC_BITS = np.uint32(0x4B000000)


def _gather_fq(table, idx_flat):
    mesh = plsc.VectorSubcoreMesh(core_axis_name="c", subcore_axis_name="s")

    @functools.partial(
        pl.kernel,
        mesh=mesh,
        out_type=jax.ShapeDtypeStruct((_B // 2, 2 * DIM), jnp.float32),
        scratch_types=[
            pltpu.VMEM((2, _CHUNK), jnp.int32),
            [pltpu.VMEM((_CHUNK, DIM), jnp.float32) for _ in range(2)],
            [pltpu.VMEM((_CHUNK // 2, 2 * DIM), jnp.float32)
             for _ in range(2)],
            pltpu.VMEM((16,), jnp.float32),
            pltpu.VMEM((16, 16), jnp.float32),
            pltpu.VMEM_SHARED((16, 16), jnp.float32),
            [pltpu.SemaphoreType.DMA for _ in range(2)],
            [pltpu.SemaphoreType.DMA for _ in range(2)],
        ],
        compiler_params=pltpu.CompilerParams(use_tc_tiling_on_sc=False,
                                             needs_layout_passes=False),
    )
    def k(table_hbm, idx_hbm, out_hbm, idx_v, rin, rout, red_v, redall_v,
          shared, sem_g, sem_o):
        cid = lax.axis_index("c")
        sid = lax.axis_index("s")
        wid = sid * 2 + cid
        base = wid * _B_PER_W
        base2 = wid * (_B_PER_W // 2)

        srow = sid * _SROWS

        def scan_rows(b, nrows, accs):
            def row_body(r2, accs):
                new = []
                for j in range(2):
                    for c in range(DIM // 16):
                        a = accs[j * 4 + c]
                        v = rin[b][2 * r2 + j, pl.ds(c * 16, 16)]
                        new.append(jnp.maximum(a, jnp.abs(v)))
                return tuple(new)

            return lax.fori_loop(0, nrows // 2, row_body, accs,
                                 unroll=False)

        for b in range(2):
            pltpu.async_copy(table_hbm.at[pl.ds(srow + b * _CHUNK, _CHUNK)],
                             rin[b], sem_g[b])

        accs = tuple(jnp.zeros((16,), jnp.float32) for _ in range(8))

        def scan_pair(p, accs):
            for b in range(2):
                j = 2 * p + b
                pltpu.make_async_copy(
                    table_hbm.at[pl.ds(srow, _CHUNK)], rin[b],
                    sem_g[b]).wait()
                accs = scan_rows(b, _CHUNK, accs)

                @pl.when(p < _SCH // 2 - 1)
                def _prefetch():
                    pltpu.async_copy(
                        table_hbm.at[pl.ds(srow + (j + 2) * _CHUNK, _CHUNK)],
                        rin[b], sem_g[b])

            return accs

        accs = lax.fori_loop(0, _SCH // 2, scan_pair, accs, unroll=False)

        pltpu.sync_copy(table_hbm.at[pl.ds(srow + _SCH * _CHUNK, _STAIL)],
                        rin[0].at[pl.ds(0, _STAIL)])
        accs = scan_rows(0, _STAIL, accs)
        m = accs[0]
        for a in accs[1:]:
            m = jnp.maximum(m, a)

        red_v[...] = m
        pltpu.sync_copy(red_v, shared.at[sid])
        plsc.subcore_barrier()
        pltpu.sync_copy(shared, redall_v)
        for t in range(16):
            m = jnp.maximum(m, redall_v[t, :])
        absmax_v = jnp.full((16,), jnp.max(m), jnp.float32)
        s = jnp.maximum(absmax_v / QMAX, 1e-8)
        rs = 1.0 / s

        def dequant(b):
            def row_body(rr, _):
                for u in range(2):
                    for j in range(2):
                        for c in range(DIM // 16):
                            v = rin[b][4 * rr + 2 * u + j,
                                       pl.ds(c * 16, 16)]
                            t = v * rs
                            tb = plsc.bitcast(t, jnp.uint32)
                            csign = plsc.bitcast(
                                (tb & _SIGN_MASK) | _MAGIC_BITS, jnp.float32)
                            q = (t + csign) - csign
                            rout[b][2 * rr + u,
                                    pl.ds(j * DIM + c * 16, 16)] = q * s
                return 0

            lax.fori_loop(0, _CHUNK // 4, row_body, 0, unroll=False)

        def start_gather(b, j):
            off = base + j * _CHUNK
            pltpu.sync_copy(idx_hbm.at[pl.ds(off, _CHUNK)], idx_v.at[b])
            pltpu.async_copy(table_hbm.at[idx_v.at[b]], rin[b], sem_g[b])

        for b in range(2):
            start_gather(b, b)

        def pair_body(p, _):
            for b in range(2):
                j = 2 * p + b
                off2 = base2 + j * (_CHUNK // 2)
                pltpu.make_async_copy(table_hbm.at[idx_v.at[b]], rin[b],
                                      sem_g[b]).wait()
                dequant(b)
                pltpu.async_copy(rout[b],
                                 out_hbm.at[pl.ds(off2, _CHUNK // 2)],
                                 sem_o[b])

                @pl.when(p < _NCHUNK // 2 - 1)
                def _prefetch():
                    pltpu.make_async_copy(
                        rout[b], out_hbm.at[pl.ds(base2, _CHUNK // 2)],
                        sem_o[b]).wait()
                    start_gather(b, j + 2)

            return 0

        lax.fori_loop(0, _NCHUNK // 2, pair_body, 0, unroll=False)

        for b in range(2):
            pltpu.make_async_copy(rout[b],
                                  out_hbm.at[pl.ds(base2, _CHUNK // 2)],
                                  sem_o[b]).wait()

    return k(table, idx_flat)


def kernel(x, weight):
    out = _gather_fq(weight, x.reshape(-1))
    return out.reshape(BATCH, HIST, DIM)

# --- scband reference (transcript-rebuilt; emitter-appended) ---
"""Pipeline reference for scband-fake-quant-embedding-27650999451941 (READ-ONLY COPY).

The authoritative reference and input builder live on the scoring server;
editing this copy changes nothing except your own understanding.
"""

import jax, jax.numpy as jnp
import numpy as np

NUM_EMBEDDINGS = 1000000
EMBEDDING_DIM = 64
BATCH = 16384
HIST_LEN = 50
BITS = 8


def fake_quant(w, bits=BITS):
    # ConstFakeQuant(8): per-tensor symmetric absmax fake quantization to int8 range
    qmax = float(2 ** (bits - 1) - 1)  # 127
    absmax = jnp.max(jnp.abs(w))
    scale = jnp.maximum(absmax / qmax, 1e-8)
    q = jnp.clip(jnp.round(w / scale), -qmax - 1.0, qmax)
    return q * scale


def setup_inputs(seed: int = 0) -> dict:
    key = jax.random.key(seed)
    k1, k2 = jax.random.split(key)
    weight = jax.random.normal(k1, (NUM_EMBEDDINGS, EMBEDDING_DIM), dtype=jnp.float32) * 0.02
    x = jax.random.randint(k2, (BATCH, HIST_LEN), 0, NUM_EMBEDDINGS, dtype=jnp.int32)
    return {"x": x, "weight": weight}


def reference(x, weight):
    # forward: fake-quantize the full embedding table, then gather rows
    weight_data = fake_quant(weight.astype(jnp.float32))
    inputs_embeds = jnp.take(weight_data, x, axis=0)
    return inputs_embeds

if __name__ == "__main__":
    import jax
    _d = setup_inputs()
    print(jax.jit(kernel)(*tuple(_d.values())))

</pallas_src>

<mosaic_0001>
#map = affine_map<(d0, d1) -> (0, 0)>
#map1 = affine_map<(d0, d1) -> (0)>
module attributes {stable_mosaic.version = 14 : i64} {
  func.func @k(%arg0: i32, %arg1: i32, %arg2: memref<1000000x64xf32, #tpu.memory_space<hbm>>, %arg3: memref<819200xi32, #tpu.memory_space<hbm>>, %arg4: memref<409600x128xf32, #tpu.memory_space<hbm>>, %arg5: memref<2x400xi32, #tpu.memory_space<vmem>>, %arg6: memref<400x64xf32, #tpu.memory_space<vmem>>, %arg7: memref<400x64xf32, #tpu.memory_space<vmem>>, %arg8: memref<200x128xf32, #tpu.memory_space<vmem>>, %arg9: memref<200x128xf32, #tpu.memory_space<vmem>>, %arg10: memref<16xf32, #tpu.memory_space<vmem>>, %arg11: memref<16x16xf32, #tpu.memory_space<vmem>>, %arg12: memref<16x16xf32, #tpu.memory_space<vmem_shared>>, %arg13: memref<!tpu.dma_semaphore, #tpu.memory_space<semaphore_mem>>, %arg14: memref<!tpu.dma_semaphore, #tpu.memory_space<semaphore_mem>>, %arg15: memref<!tpu.dma_semaphore, #tpu.memory_space<semaphore_mem>>, %arg16: memref<!tpu.dma_semaphore, #tpu.memory_space<semaphore_mem>>) attributes {dimension_semantics = [#tpu.dimension_semantics<core_parallel>, #tpu.dimension_semantics<subcore_parallel>], iteration_bounds = array<i64: 2, 16>, scalar_prefetch = 0 : i64, scratch_operands = 12 : i64, tpu.core_type = #tpu.core_type<sc_vector_subcore>, window_params = [{transform_indices = #map}, {transform_indices = #map1}, {transform_indices = #map}]} {
    %mul3A = arith.constant 2 : i32
    %mul3A_0 = arith.muli %arg1, %mul3A : i32
    %add3A = arith.addi %mul3A_0, %arg0 : i32
    %mul3A_1 = arith.constant 25600 : i32
    %mul3A_2 = arith.muli %add3A, %mul3A_1 : i32
    %mul3A_3 = arith.constant 12800 : i32
    %mul3A_4 = arith.muli %add3A, %mul3A_3 : i32
    %mul3A_5 = arith.constant 62500 : i32
    %mul3A_6 = arith.muli %arg1, %mul3A_5 : i32
    %add3A_7 = arith.constant 0 : i32
    %add3A_8 = arith.addi %mul3A_6, %add3A_7 : i32
    %dma_start3A = arith.constant 0 : i32
    %dma_start3A_9 = tpu.memref_slice %arg2[%add3A_8, %dma_start3A] : memref<1000000x64xf32, #tpu.memory_space<hbm>> -> memref<400x64xf32, #tpu.memory_space<hbm>>
    %dma_start3A_10 = arith.constant 0 : i32
    %dma_start3A_11 = tpu.memref_slice %arg2[%add3A_8, %dma_start3A_10] : memref<1000000x64xf32, #tpu.memory_space<hbm>> -> memref<400x64xf32, #tpu.memory_space<hbm>>
    tpu.enqueue_dma source(%dma_start3A_11 : memref<400x64xf32, #tpu.memory_space<hbm>>) target(%arg6 : memref<400x64xf32, #tpu.memory_space<vmem>>) target_semaphore(%arg13 : memref<!tpu.dma_semaphore, #tpu.memory_space<semaphore_mem>>)
    %add3A_12 = arith.constant 400 : i32
    %add3A_13 = arith.addi %mul3A_6, %add3A_12 : i32
    %dma_start3A_14 = arith.constant 0 : i32
    %dma_start3A_15 = tpu.memref_slice %arg2[%add3A_13, %dma_start3A_14] : memref<1000000x64xf32, #tpu.memory_space<hbm>> -> memref<400x64xf32, #tpu.memory_space<hbm>>
    %dma_start3A_16 = arith.constant 0 : i32
    %dma_start3A_17 = tpu.memref_slice %arg2[%add3A_13, %dma_start3A_16] : memref<1000000x64xf32, #tpu.memory_space<hbm>> -> memref<400x64xf32, #tpu.memory_space<hbm>>
    tpu.enqueue_dma source(%dma_start3A_17 : memref<400x64xf32, #tpu.memory_space<hbm>>) target(%arg7 : memref<400x64xf32, #tpu.memory_space<vmem>>) target_semaphore(%arg14 : memref<!tpu.dma_semaphore, #tpu.memory_space<semaphore_mem>>)
    %broadcast_in_dim3A = arith.constant 0.000000e+00 : f32
    %broadcast_in_dim3A_18 = vector.broadcast %broadcast_in_dim3A : f32 to vector<16xf32>
    %broadcast_in_dim3A_19 = arith.constant 0.000000e+00 : f32
    %broadcast_in_dim3A_20 = vector.broadcast %broadcast_in_dim3A_19 : f32 to vector<16xf32>
    %broadcast_in_dim3A_21 = arith.constant 0.000000e+00 : f32
    %broadcast_in_dim3A_22 = vector.broadcast %broadcast_in_dim3A_21 : f32 to vector<16xf32>
    %broadcast_in_dim3A_23 = arith.constant 0.000000e+00 : f32
    %broadcast_in_dim3A_24 = vector.broadcast %broadcast_in_dim3A_23 : f32 to vector<16xf32>
    %broadcast_in_dim3A_25 = arith.constant 0.000000e+00 : f32
    %broadcast_in_dim3A_26 = vector.broadcast %broadcast_in_dim3A_25 : f32 to vector<16xf32>
    %broadcast_in_dim3A_27 = arith.constant 0.000000e+00 : f32
    %broadcast_in_dim3A_28 = vector.broadcast %broadcast_in_dim3A_27 : f32 to vector<16xf32>
    %broadcast_in_dim3A_29 = arith.constant 0.000000e+00 : f32
    %broadcast_in_dim3A_30 = vector.broadcast %broadcast_in_dim3A_29 : f32 to vector<16xf32>
    %broadcast_in_dim3A_31 = arith.constant 0.000000e+00 : f32
    %broadcast_in_dim3A_32 = vector.broadcast %broadcast_in_dim3A_31 : f32 to vector<16xf32>
    %scan3A = arith.constant 0 : i32
    %scan3A_33 = arith.constant 78 : i32
    %scan3A_34 = arith.addi %scan3A, %scan3A_33 : i32
    %scan3A_35 = arith.constant 1 : i32
    %scan3A_36:8 = scf.for %scan3A_177 = %scan3A to %scan3A_34 step %scan3A_35 iter_args(%scan3A_178 = %broadcast_in_dim3A_18, %scan3A_179 = %broadcast_in_dim3A_20, %scan3A_180 = %broadcast_in_dim3A_22, %scan3A_181 = %broadcast_in_dim3A_24, %scan3A_182 = %broadcast_in_dim3A_26, %scan3A_183 = %broadcast_in_dim3A_28, %scan3A_184 = %broadcast_in_dim3A_30, %scan3A_185 = %broadcast_in_dim3A_32) -> (vector<16xf32>, vector<16xf32>, vector<16xf32>, vector<16xf32>, vector<16xf32>, vector<16xf32>, vector<16xf32>, vector<16xf32>)  : i32 {
      %mul3A_186 = arith.constant 2 : i32
      %mul3A_187 = arith.muli %mul3A_186, %scan3A_177 : i32
      %add3A_188 = arith.constant 0 : i32
      %add3A_189 = arith.addi %mul3A_187, %add3A_188 : i32
      %dma_wait3A_190 = arith.constant 0 : i32
      %dma_wait3A_191 = tpu.memref_slice %arg2[%mul3A_6, %dma_wait3A_190] : memref<1000000x64xf32, #tpu.memory_space<hbm>> -> memref<400x64xf32, #tpu.memory_space<hbm>>
      %dma_wait3A_192 = arith.constant 0 : i32
      %dma_wait3A_193 = tpu.memref_slice %arg2[%mul3A_6, %dma_wait3A_192] : memref<1000000x64xf32, #tpu.memory_space<hbm>> -> memref<400x64xf32, #tpu.memory_space<hbm>>
      tpu.wait_dma2 semaphore(%arg13 : memref<!tpu.dma_semaphore, #tpu.memory_space<semaphore_mem>>) src(%dma_wait3A_193 : memref<400x64xf32, #tpu.memory_space<hbm>>) dst(%arg6 : memref<400x64xf32, #tpu.memory_space<vmem>>)
      %scan3A_194 = arith.constant 0 : i32
      %scan3A_195 = arith.constant 200 : i32
      %scan3A_196 = arith.addi %scan3A_194, %scan3A_195 : i32
      %scan3A_197 = arith.constant 1 : i32
      %scan3A_198:8 = scf.for %scan3A_221 = %scan3A_194 to %scan3A_196 step %scan3A_197 iter_args(%scan3A_222 = %scan3A_178, %scan3A_223 = %scan3A_179, %scan3A_224 = %scan3A_180, %scan3A_225 = %scan3A_181, %scan3A_226 = %scan3A_182, %scan3A_227 = %scan3A_183, %scan3A_228 = %scan3A_184, %scan3A_229 = %scan3A_185) -> (vector<16xf32>, vector<16xf32>, vector<16xf32>, vector<16xf32>, vector<16xf32>, vector<16xf32>, vector<16xf32>, vector<16xf32>)  : i32 {
        %mul3A_230 = arith.constant 2 : i32
        %mul3A_231 = arith.muli %mul3A_230, %scan3A_221 : i32
        %add3A_232 = arith.constant 0 : i32
        %add3A_233 = arith.addi %mul3A_231, %add3A_232 : i32
        %get3A_234 = arith.index_cast %add3A_233 : i32 to index
        %get3A_235 = arith.constant 0 : index
        %get3A_236 = tpu.vector_load %arg6[%get3A_234, %get3A_235] {strides = array<i32>} : memref<400x64xf32, #tpu.memory_space<vmem>>, vector<16xf32>,
        %abs3A = math.absf %get3A_236 : vector<16xf32>
        %max3A_237 = arith.maximumf %scan3A_222, %abs3A : vector<16xf32>
        %mul3A_238 = arith.constant 2 : i32
        %mul3A_239 = arith.muli %mul3A_238, %scan3A_221 : i32
        %add3A_240 = arith.constant 0 : i32
        %add3A_241 = arith.addi %mul3A_239, %add3A_240 : i32
        %get3A_242 = arith.index_cast %add3A_241 : i32 to index
        %get3A_243 = arith.constant 16 : index
        %get3A_244 = tpu.vector_load %arg6[%get3A_242, %get3A_243] {strides = array<i32>} : memref<400x64xf32, #tpu.memory_space<vmem>>, vector<16xf32>,
        %abs3A_245 = math.absf %get3A_244 : vector<16xf32>
        %max3A_246 = arith.maximumf %scan3A_223, %abs3A_245 : vector<16xf32>
        %mul3A_247 = arith.constant 2 : i32
        %mul3A_248 = arith.muli %mul3A_247, %scan3A_221 : i32
        %add3A_249 = arith.constant 0 : i32
        %add3A_250 = arith.addi %mul3A_248, %add3A_249 : i32
        %get3A_251 = arith.index_cast %add3A_250 : i32 to index
        %get3A_252 = arith.constant 32 : index
        %get3A_253 = tpu.vector_load %arg6[%get3A_251, %get3A_252] {strides = array<i32>} : memref<400x64xf32, #tpu.memory_space<vmem>>, vector<16xf32>,
        %abs3A_254 = math.absf %get3A_253 : vector<16xf32>
        %max3A_255 = arith.maximumf %scan3A_224, %abs3A_254 : vector<16xf32>
        %mul3A_256 = arith.constant 2 : i32
        %mul3A_257 = arith.muli %mul3A_256, %scan3A_221 : i32
        %add3A_258 = arith.constant 0 : i32
        %add3A_259 = arith.addi %mul3A_257, %add3A_258 : i32
        %get3A_260 = arith.index_cast %add3A_259 : i32 to index
        %get3A_261 = arith.constant 48 : index
        %get3A_262 = tpu.vector_load %arg6[%get3A_260, %get3A_261] {strides = array<i32>} : memref<400x64xf32, #tpu.memory_space<vmem>>, vector<16xf32>,
        %abs3A_263 = math.absf %get3A_262 : vector<16xf32>
        %max3A_264 = arith.maximumf %scan3A_225, %abs3A_263 : vector<16xf32>
        %mul3A_265 = arith.constant 2 : i32
        %mul3A_266 = arith.muli %mul3A_265, %scan3A_221 : i32
        %add3A_267 = arith.constant 1 : i32
        %add3A_268 = arith.addi %mul3A_266, %add3A_267 : i32
        %get3A_269 = arith.index_cast %add3A_268 : i32 to index
        %get3A_270 = arith.constant 0 : index
        %get3A_271 = tpu.vector_load %arg6[%get3A_269, %get3A_270] {strides = array<i32>} : memref<400x64xf32, #tpu.memory_space<vmem>>, vector<16xf32>,
        %abs3A_272 = math.absf %get3A_271 : vector<16xf32>
        %max3A_273 = arith.maximumf %scan3A_226, %abs3A_272 : vector<16xf32>
        %mul3A_274 = arith.constant 2 : i32
        %mul3A_275 = arith.muli %mul3A_274, %scan3A_221 : i32
        %add3A_276 = arith.constant 1 : i32
        %add3A_277 = arith.addi %mul3A_275, %add3A_276 : i32
        %get3A_278 = arith.index_cast %add3A_277 : i32 to index
        %get3A_279 = arith.constant 16 : index
        %get3A_280 = tpu.vector_load %arg6[%get3A_278, %get3A_279] {strides = array<i32>} : memref<400x64xf32, #tpu.memory_space<vmem>>, vector<16xf32>,
        %abs3A_281 = math.absf %get3A_280 : vector<16xf32>
        %max3A_282 = arith.maximumf %scan3A_227, %abs3A_281 : vector<16xf32>
        %mul3A_283 = arith.constant 2 : i32
        %mul3A_284 = arith.muli %mul3A_283, %scan3A_221 : i32
        %add3A_285 = arith.constant 1 : i32
        %add3A_286 = arith.addi %mul3A_284, %add3A_285 : i32
        %get3A_287 = arith.index_cast %add3A_286 : i32 to index
        %get3A_288 = arith.constant 32 : index
        %get3A_289 = tpu.vector_load %arg6[%get3A_287, %get3A_288] {strides = array<i32>} : memref<400x64xf32, #tpu.memory_space<vmem>>, vector<16xf32>,
        %abs3A_290 = math.absf %get3A_289 : vector<16xf32>
        %max3A_291 = arith.maximumf %scan3A_228, %abs3A_290 : vector<16xf32>
        %mul3A_292 = arith.constant 2 : i32
        %mul3A_293 = arith.muli %mul3A_292, %scan3A_221 : i32
        %add3A_294 = arith.constant 1 : i32
        %add3A_295 = arith.addi %mul3A_293, %add3A_294 : i32
        %get3A_296 = arith.index_cast %add3A_295 : i32 to index
        %get3A_297 = arith.constant 48 : index
        %get3A_298 = tpu.vector_load %arg6[%get3A_296, %get3A_297] {strides = array<i32>} : memref<400x64xf32, #tpu.memory_space<vmem>>, vector<16xf32>,
        %abs3A_299 = math.absf %get3A_298 : vector<16xf32>
        %max3A_300 = arith.maximumf %scan3A_229, %abs3A_299 : vector<16xf32>
        scf.yield %max3A_237, %max3A_246, %max3A_255, %max3A_264, %max3A_273, %max3A_282, %max3A_291, %max3A_300 : vector<16xf32>, vector<16xf32>, vector<16xf32>, vector<16xf32>, vector<16xf32>, vector<16xf32>, vector<16xf32>, vector<16xf32>
      }
      %scan3A_199 = arith.constant 200 : i32
      %lt3A = arith.constant 77 : i32
      %lt3A_200 = arith.cmpi slt, %scan3A_177, %lt3A : i32
      %convert_element_type3A = arith.extui %lt3A_200 : i1 to i32
      %cond3A = arith.constant 0 : i32
      %cond3A_201 = arith.cmpi ne, %convert_element_type3A, %cond3A : i32
      scf.if %cond3A_201 {
        %add3A_221 = arith.constant 2 : i32
        %add3A_222 = arith.addi %add3A_189, %add3A_221 : i32
        %mul3A_223 = arith.constant 400 : i32
        %mul3A_224 = arith.muli %add3A_222, %mul3A_223 : i32
        %add3A_225 = arith.addi %mul3A_6, %mul3A_224 : i32
        %dma_start3A_226 = arith.constant 0 : i32
        %dma_start3A_227 = tpu.memref_slice %arg2[%add3A_225, %dma_start3A_226] : memref<1000000x64xf32, #tpu.memory_space<hbm>> -> memref<400x64xf32, #tpu.memory_space<hbm>>
        %dma_start3A_228 = arith.constant 0 : i32
        %dma_start3A_229 = tpu.memref_slice %arg2[%add3A_225, %dma_start3A_228] : memref<1000000x64xf32, #tpu.memory_space<hbm>> -> memref<400x64xf32, #tpu.memory_space<hbm>>
        tpu.enqueue_dma source(%dma_start3A_229 : memref<400x64xf32, #tpu.memory_space<hbm>>) target(%arg6 : memref<400x64xf32, #tpu.memory_space<vmem>>) target_semaphore(%arg13 : memref<!tpu.dma_semaphore, #tpu.memory_space<semaphore_mem>>)
      } else {
      }
      %mul3A_202 = arith.constant 2 : i32
      %mul3A_203 = arith.muli %mul3A_202, %scan3A_177 : i32
      %add3A_204 = arith.constant 1 : i32
      %add3A_205 = arith.addi %mul3A_203, %add3A_204 : i32
      %dma_wait3A_206 = arith.constant 0 : i32
      %dma_wait3A_207 = tpu.memref_slice %arg2[%mul3A_6, %dma_wait3A_206] : memref<1000000x64xf32, #tpu.memory_space<hbm>> -> memref<400x64xf32, #tpu.memory_space<hbm>>
      %dma_wait3A_208 = arith.constant 0 : i32
      %dma_wait3A_209 = tpu.memref_slice %arg2[%mul3A_6, %dma_wait3A_208] : memref<1000000x64xf32, #tpu.memory_space<hbm>> -> memref<400x64xf32, #tpu.memory_space<hbm>>
      tpu.wait_dma2 semaphore(%arg14 : memref<!tpu.dma_semaphore, #tpu.memory_space<semaphore_mem>>) src(%dma_wait3A_209 : memref<400x64xf32, #tpu.memory_space<hbm>>) dst(%arg7 : memref<400x64xf32, #tpu.memory_space<vmem>>)
      %scan3A_210 = arith.constant 0 : i32
      %scan3A_211 = arith.constant 200 : i32
      %scan3A_212 = arith.addi %scan3A_210, %scan3A_211 : i32
      %scan3A_213 = arith.constant 1 : i32
      %scan3A_214:8 = scf.for %scan3A_221 = %scan3A_210 to %scan3A_212 step %scan3A_213 iter_args(%scan3A_222 = %scan3A_198#0, %scan3A_223 = %scan3A_198#1, %scan3A_224 = %scan3A_198#2, %scan3A_225 = %scan3A_198#3, %scan3A_226 = %scan3A_198#4, %scan3A_227 = %scan3A_198#5, %scan3A_228 = %scan3A_198#6, %scan3A_229 = %scan3A_198#7) -> (vector<16xf32>, vector<16xf32>, vector<16xf32>, vector<16xf32>, vector<16xf32>, vector<16xf32>, vector<16xf32>, vector<16xf32>)  : i32 {
        %mul3A_230 = arith.constant 2 : i32
        %mul3A_231 = arith.muli %mul3A_230, %scan3A_221 : i32
        %add3A_232 = arith.constant 0 : i32
        %add3A_233 = arith.addi %mul3A_231, %add3A_232 : i32
        %get3A_234 = arith.index_cast %add3A_233 : i32 to index
        %get3A_235 = arith.constant 0 : index
        %get3A_236 = tpu.vector_load %arg7[%get3A_234, %get3A_235] {strides = array<i32>} : memref<400x64xf32, #tpu.memory_space<vmem>>, vector<16xf32>,
        %abs3A = math.absf %get3A_236 : vector<16xf32>
        %max3A_237 = arith.maximumf %scan3A_222, %abs3A : vector<16xf32>
        %mul3A_238 = arith.constant 2 : i32
        %mul3A_239 = arith.muli %mul3A_238, %scan3A_221 : i32
        %add3A_240 = arith.constant 0 : i32
        %add3A_241 = arith.addi %mul3A_239, %add3A_240 : i32
        %get3A_242 = arith.index_cast %add3A_241 : i32 to index
        %get3A_243 = arith.constant 16 : index
        %get3A_244 = tpu.vector_load %arg7[%get3A_242, %get3A_243] {strides = array<i32>} : memref<400x64xf32, #tpu.memory_space<vmem>>, vector<16xf32>,
        %abs3A_245 = math.absf %get3A_244 : vector<16xf32>
        %max3A_246 = arith.maximumf %scan3A_223, %abs3A_245 : vector<16xf32>
        %mul3A_247 = arith.constant 2 : i32
        %mul3A_248 = arith.muli %mul3A_247, %scan3A_221 : i32
        %add3A_249 = arith.constant 0 : i32
        %add3A_250 = arith.addi %mul3A_248, %add3A_249 : i32
        %get3A_251 = arith.index_cast %add3A_250 : i32 to index
        %get3A_252 = arith.constant 32 : index
        %get3A_253 = tpu.vector_load %arg7[%get3A_251, %get3A_252] {strides = array<i32>} : memref<400x64xf32, #tpu.memory_space<vmem>>, vector<16xf32>,
        %abs3A_254 = math.absf %get3A_253 : vector<16xf32>
        %max3A_255 = arith.maximumf %scan3A_224, %abs3A_254 : vector<16xf32>
        %mul3A_256 = arith.constant 2 : i32
        %mul3A_257 = arith.muli %mul3A_256, %scan3A_221 : i32
        %add3A_258 = arith.constant 0 : i32
        %add3A_259 = arith.addi %mul3A_257, %add3A_258 : i32
        %get3A_260 = arith.index_cast %add3A_259 : i32 to index
        %get3A_261 = arith.constant 48 : index
        %get3A_262 = tpu.vector_load %arg7[%get3A_260, %get3A_261] {strides = array<i32>} : memref<400x64xf32, #tpu.memory_space<vmem>>, vector<16xf32>,
        %abs3A_263 = math.absf %get3A_262 : vector<16xf32>
        %max3A_264 = arith.maximumf %scan3A_225, %abs3A_263 : vector<16xf32>
        %mul3A_265 = arith.constant 2 : i32
        %mul3A_266 = arith.muli %mul3A_265, %scan3A_221 : i32
        %add3A_267 = arith.constant 1 : i32
        %add3A_268 = arith.addi %mul3A_266, %add3A_267 : i32
        %get3A_269 = arith.index_cast %add3A_268 : i32 to index
        %get3A_270 = arith.constant 0 : index
        %get3A_271 = tpu.vector_load %arg7[%get3A_269, %get3A_270] {strides = array<i32>} : memref<400x64xf32, #tpu.memory_space<vmem>>, vector<16xf32>,
        %abs3A_272 = math.absf %get3A_271 : vector<16xf32>
        %max3A_273 = arith.maximumf %scan3A_226, %abs3A_272 : vector<16xf32>
        %mul3A_274 = arith.constant 2 : i32
        %mul3A_275 = arith.muli %mul3A_274, %scan3A_221 : i32
        %add3A_276 = arith.constant 1 : i32
        %add3A_277 = arith.addi %mul3A_275, %add3A_276 : i32
        %get3A_278 = arith.index_cast %add3A_277 : i32 to index
        %get3A_279 = arith.constant 16 : index
        %get3A_280 = tpu.vector_load %arg7[%get3A_278, %get3A_279] {strides = array<i32>} : memref<400x64xf32, #tpu.memory_space<vmem>>, vector<16xf32>,
        %abs3A_281 = math.absf %get3A_280 : vector<16xf32>
        %max3A_282 = arith.maximumf %scan3A_227, %abs3A_281 : vector<16xf32>
        %mul3A_283 = arith.constant 2 : i32
        %mul3A_284 = arith.muli %mul3A_283, %scan3A_221 : i32
        %add3A_285 = arith.constant 1 : i32
        %add3A_286 = arith.addi %mul3A_284, %add3A_285 : i32
        %get3A_287 = arith.index_cast %add3A_286 : i32 to index
        %get3A_288 = arith.constant 32 : index
        %get3A_289 = tpu.vector_load %arg7[%get3A_287, %get3A_288] {strides = array<i32>} : memref<400x64xf32, #tpu.memory_space<vmem>>, vector<16xf32>,
        %abs3A_290 = math.absf %get3A_289 : vector<16xf32>
        %max3A_291 = arith.maximumf %scan3A_228, %abs3A_290 : vector<16xf32>
        %mul3A_292 = arith.constant 2 : i32
        %mul3A_293 = arith.muli %mul3A_292, %scan3A_221 : i32
        %add3A_294 = arith.constant 1 : i32
        %add3A_295 = arith.addi %mul3A_293, %add3A_294 : i32
        %get3A_296 = arith.index_cast %add3A_295 : i32 to index
        %get3A_297 = arith.constant 48 : index
        %get3A_298 = tpu.vector_load %arg7[%get3A_296, %get3A_297] {strides = array<i32>} : memref<400x64xf32, #tpu.memory_space<vmem>>, vector<16xf32>,
        %abs3A_299 = math.absf %get3A_298 : vector<16xf32>
        %max3A_300 = arith.maximumf %scan3A_229, %abs3A_299 : vector<16xf32>
        scf.yield %max3A_237, %max3A_246, %max3A_255, %max3A_264, %max3A_273, %max3A_282, %max3A_291, %max3A_300 : vector<16xf32>, vector<16xf32>, vector<16xf32>, vector<16xf32>, vector<16xf32>, vector<16xf32>, vector<16xf32>, vector<16xf32>
      }
      %scan3A_215 = arith.constant 200 : i32
      %lt3A_216 = arith.constant 77 : i32
      %lt3A_217 = arith.cmpi slt, %scan3A_177, %lt3A_216 : i32
      %convert_element_type3A_218 = arith.extui %lt3A_217 : i1 to i32
      %cond3A_219 = arith.constant 0 : i32
      %cond3A_220 = arith.cmpi ne, %convert_element_type3A_218, %cond3A_219 : i32
      scf.if %cond3A_220 {
        %add3A_221 = arith.constant 2 : i32
        %add3A_222 = arith.addi %add3A_205, %add3A_221 : i32
        %mul3A_223 = arith.constant 400 : i32
        %mul3A_224 = arith.muli %add3A_222, %mul3A_223 : i32
        %add3A_225 = arith.addi %mul3A_6, %mul3A_224 : i32
        %dma_start3A_226 = arith.constant 0 : i32
        %dma_start3A_227 = tpu.memref_slice %arg2[%add3A_225, %dma_start3A_226] : memref<1000000x64xf32, #tpu.memory_space<hbm>> -> memref<400x64xf32, #tpu.memory_space<hbm>>
        %dma_start3A_228 = arith.constant 0 : i32
        %dma_start3A_229 = tpu.memref_slice %arg2[%add3A_225, %dma_start3A_228] : memref<1000000x64xf32, #tpu.memory_space<hbm>> -> memref<400x64xf32, #tpu.memory_space<hbm>>
        tpu.enqueue_dma source(%dma_start3A_229 : memref<400x64xf32, #tpu.memory_space<hbm>>) target(%arg7 : memref<400x64xf32, #tpu.memory_space<vmem>>) target_semaphore(%arg14 : memref<!tpu.dma_semaphore, #tpu.memory_space<semaphore_mem>>)
      } else {
      }
      scf.yield %scan3A_214#0, %scan3A_214#1, %scan3A_214#2, %scan3A_214#3, %scan3A_214#4, %scan3A_214#5, %scan3A_214#6, %scan3A_214#7 : vector<16xf32>, vector<16xf32>, vector<16xf32>, vector<16xf32>, vector<16xf32>, vector<16xf32>, vector<16xf32>, vector<16xf32>
    }
    %scan3A_37 = arith.constant 78 : i32
    %add3A_38 = arith.constant 62400 : i32
    %add3A_39 = arith.addi %mul3A_6, %add3A_38 : i32
    "tpu.region"() ({
      %run_scoped3A_177 = tpu.sem_alloc : memref<!tpu.dma_semaphore, #tpu.memory_space<semaphore_mem>>
      %dma_start3A_178 = arith.constant 0 : i32
      %dma_start3A_179 = arith.constant 0 : i32
      %dma_start3A_180 = tpu.memref_slice %arg6[%dma_start3A_178, %dma_start3A_179] : memref<400x64xf32, #tpu.memory_space<vmem>> -> memref<100x64xf32, #tpu.memory_space<vmem>>
      %dma_start3A_181 = arith.constant 0 : i32
      %dma_start3A_182 = tpu.memref_slice %arg2[%add3A_39, %dma_start3A_181] : memref<1000000x64xf32, #tpu.memory_space<hbm>> -> memref<100x64xf32, #tpu.memory_space<hbm>>
      %dma_start3A_183 = arith.constant 0 : i32
      %dma_start3A_184 = arith.constant 0 : i32
      %dma_start3A_185 = tpu.memref_slice %arg6[%dma_start3A_183, %dma_start3A_184] : memref<400x64xf32, #tpu.memory_space<vmem>> -> memref<100x64xf32, #tpu.memory_space<vmem>>
      %dma_start3A_186 = arith.constant 0 : i32
      %dma_start3A_187 = tpu.memref_slice %arg2[%add3A_39, %dma_start3A_186] : memref<1000000x64xf32, #tpu.memory_space<hbm>> -> memref<100x64xf32, #tpu.memory_space<hbm>>
      tpu.enqueue_dma source(%dma_start3A_187 : memref<100x64xf32, #tpu.memory_space<hbm>>) target(%dma_start3A_185 : memref<100x64xf32, #tpu.memory_space<vmem>>) target_semaphore(%run_scoped3A_177 : memref<!tpu.dma_semaphore, #tpu.memory_space<semaphore_mem>>)
      %dma_wait3A_188 = arith.constant 0 : i32
      %dma_wait3A_189 = arith.constant 0 : i32
      %dma_wait3A_190 = tpu.memref_slice %arg6[%dma_wait3A_188, %dma_wait3A_189] : memref<400x64xf32, #tpu.memory_space<vmem>> -> memref<100x64xf32, #tpu.memory_space<vmem>>
      %dma_wait3A_191 = arith.constant 0 : i32
      %dma_wait3A_192 = tpu.memref_slice %arg2[%add3A_39, %dma_wait3A_191] : memref<1000000x64xf32, #tpu.memory_space<hbm>> -> memref<100x64xf32, #tpu.memory_space<hbm>>
      %dma_wait3A_193 = arith.constant 0 : i32
      %dma_wait3A_194 = arith.constant 0 : i32
      %dma_wait3A_195 = tpu.memref_slice %arg6[%dma_wait3A_193, %dma_wait3A_194] : memref<400x64xf32, #tpu.memory_space<vmem>> -> memref<100x64xf32, #tpu.memory_space<vmem>>
      %dma_wait3A_196 = arith.constant 0 : i32
      %dma_wait3A_197 = tpu.memref_slice %arg2[%add3A_39, %dma_wait3A_196] : memref<1000000x64xf32, #tpu.memory_space<hbm>> -> memref<100x64xf32, #tpu.memory_space<hbm>>
      tpu.wait_dma2 semaphore(%run_scoped3A_177 : memref<!tpu.dma_semaphore, #tpu.memory_space<semaphore_mem>>) src(%dma_wait3A_197 : memref<100x64xf32, #tpu.memory_space<hbm>>) dst(%dma_wait3A_195 : memref<100x64xf32, #tpu.memory_space<vmem>>)
      tpu.yield
    }) : () -> ()
    %scan3A_40 = arith.constant 0 : i32
    %scan3A_41 = arith.constant 50 : i32
    %scan3A_42 = arith.addi %scan3A_40, %scan3A_41 : i32
    %scan3A_43 = arith.constant 1 : i32
    %scan3A_44:8 = scf.for %scan3A_177 = %scan3A_40 to %scan3A_42 step %scan3A_43 iter_args(%scan3A_178 = %scan3A_36#0, %scan3A_179 = %scan3A_36#1, %scan3A_180 = %scan3A_36#2, %scan3A_181 = %scan3A_36#3, %scan3A_182 = %scan3A_36#4, %scan3A_183 = %scan3A_36#5, %scan3A_184 = %scan3A_36#6, %scan3A_185 = %scan3A_36#7) -> (vector<16xf32>, vector<16xf32>, vector<16xf32>, vector<16xf32>, vector<16xf32>, vector<16xf32>, vector<16xf32>, vector<16xf32>)  : i32 {
      %mul3A_186 = arith.constant 2 : i32
      %mul3A_187 = arith.muli %mul3A_186, %scan3A_177 : i32
      %add3A_188 = arith.constant 0 : i32
      %add3A_189 = arith.addi %mul3A_187, %add3A_188 : i32
      %get3A_190 = arith.index_cast %add3A_189 : i32 to index
      %get3A_191 = arith.constant 0 : index
      %get3A_192 = tpu.vector_load %arg6[%get3A_190, %get3A_191] {strides = array<i32>} : memref<400x64xf32, #tpu.memory_space<vmem>>, vector<16xf32>,
      %abs3A = math.absf %get3A_192 : vector<16xf32>
      %max3A_193 = arith.maximumf %scan3A_178, %abs3A : vector<16xf32>
      %mul3A_194 = arith.constant 2 : i32
      %mul3A_195 = arith.muli %mul3A_194, %scan3A_177 : i32
      %add3A_196 = arith.constant 0 : i32
      %add3A_197 = arith.addi %mul3A_195, %add3A_196 : i32
      %get3A_198 = arith.index_cast %add3A_197 : i32 to index
      %get3A_199 = arith.constant 16 : index
      %get3A_200 = tpu.vector_load %arg6[%get3A_198, %get3A_199] {strides = array<i32>} : memref<400x64xf32, #tpu.memory_space<vmem>>, vector<16xf32>,
      %abs3A_201 = math.absf %get3A_200 : vector<16xf32>
      %max3A_202 = arith.maximumf %scan3A_179, %abs3A_201 : vector<16xf32>
      %mul3A_203 = arith.constant 2 : i32
      %mul3A_204 = arith.muli %mul3A_203, %scan3A_177 : i32
      %add3A_205 = arith.constant 0 : i32
      %add3A_206 = arith.addi %mul3A_204, %add3A_205 : i32
      %get3A_207 = arith.index_cast %add3A_206 : i32 to index
      %get3A_208 = arith.constant 32 : index
      %get3A_209 = tpu.vector_load %arg6[%get3A_207, %get3A_208] {strides = array<i32>} : memref<400x64xf32, #tpu.memory_space<vmem>>, vector<16xf32>,
      %abs3A_210 = math.absf %get3A_209 : vector<16xf32>
      %max3A_211 = arith.maximumf %scan3A_180, %abs3A_210 : vector<16xf32>
      %mul3A_212 = arith.constant 2 : i32
      %mul3A_213 = arith.muli %mul3A_212, %scan3A_177 : i32
      %add3A_214 = arith.constant 0 : i32
      %add3A_215 = arith.addi %mul3A_213, %add3A_214 : i32
      %get3A_216 = arith.index_cast %add3A_215 : i32 to index
      %get3A_217 = arith.constant 48 : index
      %get3A_218 = tpu.vector_load %arg6[%get3A_216, %get3A_217] {strides = array<i32>} : memref<400x64xf32, #tpu.memory_space<vmem>>, vector<16xf32>,
      %abs3A_219 = math.absf %get3A_218 : vector<16xf32>
      %max3A_220 = arith.maximumf %scan3A_181, %abs3A_219 : vector<16xf32>
      %mul3A_221 = arith.constant 2 : i32
      %mul3A_222 = arith.muli %mul3A_221, %scan3A_177 : i32
      %add3A_223 = arith.constant 1 : i32
      %add3A_224 = arith.addi %mul3A_222, %add3A_223 : i32
      %get3A_225 = arith.index_cast %add3A_224 : i32 to index
      %get3A_226 = arith.constant 0 : index
      %get3A_227 = tpu.vector_load %arg6[%get3A_225, %get3A_226] {strides = array<i32>} : memref<400x64xf32, #tpu.memory_space<vmem>>, vector<16xf32>,
      %abs3A_228 = math.absf %get3A_227 : vector<16xf32>
      %max3A_229 = arith.maximumf %scan3A_182, %abs3A_228 : vector<16xf32>
      %mul3A_230 = arith.constant 2 : i32
      %mul3A_231 = arith.muli %mul3A_230, %scan3A_177 : i32
      %add3A_232 = arith.constant 1 : i32
      %add3A_233 = arith.addi %mul3A_231, %add3A_232 : i32
      %get3A_234 = arith.index_cast %add3A_233 : i32 to index
      %get3A_235 = arith.constant 16 : index
      %get3A_236 = tpu.vector_load %arg6[%get3A_234, %get3A_235] {strides = array<i32>} : memref<400x64xf32, #tpu.memory_space<vmem>>, vector<16xf32>,
      %abs3A_237 = math.absf %get3A_236 : vector<16xf32>
      %max3A_238 = arith.maximumf %scan3A_183, %abs3A_237 : vector<16xf32>
      %mul3A_239 = arith.constant 2 : i32
      %mul3A_240 = arith.muli %mul3A_239, %scan3A_177 : i32
      %add3A_241 = arith.constant 1 : i32
      %add3A_242 = arith.addi %mul3A_240, %add3A_241 : i32
      %get3A_243 = arith.index_cast %add3A_242 : i32 to index
      %get3A_244 = arith.constant 32 : index
      %get3A_245 = tpu.vector_load %arg6[%get3A_243, %get3A_244] {strides = array<i32>} : memref<400x64xf32, #tpu.memory_space<vmem>>, vector<16xf32>,
      %abs3A_246 = math.absf %get3A_245 : vector<16xf32>
      %max3A_247 = arith.maximumf %scan3A_184, %abs3A_246 : vector<16xf32>
      %mul3A_248 = arith.constant 2 : i32
      %mul3A_249 = arith.muli %mul3A_248, %scan3A_177 : i32
      %add3A_250 = arith.constant 1 : i32
      %add3A_251 = arith.addi %mul3A_249, %add3A_250 : i32
      %get3A_252 = arith.index_cast %add3A_251 : i32 to index
      %get3A_253 = arith.constant 48 : index
      %get3A_254 = tpu.vector_load %arg6[%get3A_252, %get3A_253] {strides = array<i32>} : memref<400x64xf32, #tpu.memory_space<vmem>>, vector<16xf32>,
      %abs3A_255 = math.absf %get3A_254 : vector<16xf32>
      %max3A_256 = arith.maximumf %scan3A_185, %abs3A_255 : vector<16xf32>
      scf.yield %max3A_193, %max3A_202, %max3A_211, %max3A_220, %max3A_229, %max3A_238, %max3A_247, %max3A_256 : vector<16xf32>, vector<16xf32>, vector<16xf32>, vector<16xf32>, vector<16xf32>, vector<16xf32>, vector<16xf32>, vector<16xf32>
    }
    %scan3A_45 = arith.constant 50 : i32
    %max3A = arith.maximumf %scan3A_44#0, %scan3A_44#1 : vector<16xf32>
    %max3A_46 = arith.maximumf %max3A, %scan3A_44#2 : vector<16xf32>
    %max3A_47 = arith.maximumf %max3A_46, %scan3A_44#3 : vector<16xf32>
    %max3A_48 = arith.maximumf %max3A_47, %scan3A_44#4 : vector<16xf32>
    %max3A_49 = arith.maximumf %max3A_48, %scan3A_44#5 : vector<16xf32>
    %max3A_50 = arith.maximumf %max3A_49, %scan3A_44#6 : vector<16xf32>
    %max3A_51 = arith.maximumf %max3A_50, %scan3A_44#7 : vector<16xf32>
    %swap3A = arith.constant 0 : index
    %swap3A_52 = tpu.vector_load %arg10[%swap3A] {strides = array<i32>} : memref<16xf32, #tpu.memory_space<vmem>>, vector<16xf32>,
    tpu.vector_store %arg10[%swap3A], %max3A_51 {strides = array<i32>} : memref<16xf32, #tpu.memory_space<vmem>>, vector<16xf32>,
    "tpu.region"() ({
      %run_scoped3A_177 = tpu.sem_alloc : memref<!tpu.dma_semaphore, #tpu.memory_space<semaphore_mem>>
      %dma_start3A_178 = arith.constant 0 : i32
      %dma_start3A_179 = tpu.memref_slice %arg12[%arg1, %dma_start3A_178] : memref<16x16xf32, #tpu.memory_space<vmem_shared>> -> memref<1x16xf32, #tpu.memory_space<vmem_shared>>
      %dma_start3A_180 = tpu.memref_squeeze %dma_start3A_179 : memref<1x16xf32, #tpu.memory_space<vmem_shared>> -> memref<16xf32, #tpu.memory_space<vmem_shared>>
      %dma_start3A_181 = arith.constant 0 : i32
      %dma_start3A_182 = tpu.memref_slice %arg12[%arg1, %dma_start3A_181] : memref<16x16xf32, #tpu.memory_space<vmem_shared>> -> memref<1x16xf32, #tpu.memory_space<vmem_shared>>
      %dma_start3A_183 = tpu.memref_squeeze %dma_start3A_182 : memref<1x16xf32, #tpu.memory_space<vmem_shared>> -> memref<16xf32, #tpu.memory_space<vmem_shared>>
      tpu.enqueue_dma source(%arg10 : memref<16xf32, #tpu.memory_space<vmem>>) target(%dma_start3A_183 : memref<16xf32, #tpu.memory_space<vmem_shared>>) target_semaphore(%run_scoped3A_177 : memref<!tpu.dma_semaphore, #tpu.memory_space<semaphore_mem>>)
      %dma_wait3A_184 = arith.constant 0 : i32
      %dma_wait3A_185 = tpu.memref_slice %arg12[%arg1, %dma_wait3A_184] : memref<16x16xf32, #tpu.memory_space<vmem_shared>> -> memref<1x16xf32, #tpu.memory_space<vmem_shared>>
      %dma_wait3A_186 = tpu.memref_squeeze %dma_wait3A_185 : memref<1x16xf32, #tpu.memory_space<vmem_shared>> -> memref<16xf32, #tpu.memory_space<vmem_shared>>
      %dma_wait3A_187 = arith.constant 0 : i32
      %dma_wait3A_188 = tpu.memref_slice %arg12[%arg1, %dma_wait3A_187] : memref<16x16xf32, #tpu.memory_space<vmem_shared>> -> memref<1x16xf32, #tpu.memory_space<vmem_shared>>
      %dma_wait3A_189 = tpu.memref_squeeze %dma_wait3A_188 : memref<1x16xf32, #tpu.memory_space<vmem_shared>> -> memref<16xf32, #tpu.memory_space<vmem_shared>>
      tpu.wait_dma2 semaphore(%run_scoped3A_177 : memref<!tpu.dma_semaphore, #tpu.memory_space<semaphore_mem>>) src(%arg10 : memref<16xf32, #tpu.memory_space<vmem>>) dst(%dma_wait3A_189 : memref<16xf32, #tpu.memory_space<vmem_shared>>)
      tpu.yield
    }) : () -> ()
    %barrier3A = arith.constant 0 : index
    tpu.barrier barrier_id(%barrier3A)
    "tpu.region"() ({
      %run_scoped3A_177 = tpu.sem_alloc : memref<!tpu.dma_semaphore, #tpu.memory_space<semaphore_mem>>
      tpu.enqueue_dma source(%arg12 : memref<16x16xf32, #tpu.memory_space<vmem_shared>>) target(%arg11 : memref<16x16xf32, #tpu.memory_space<vmem>>) target_semaphore(%run_scoped3A_177 : memref<!tpu.dma_semaphore, #tpu.memory_space<semaphore_mem>>)
      tpu.wait_dma2 semaphore(%run_scoped3A_177 : memref<!tpu.dma_semaphore, #tpu.memory_space<semaphore_mem>>) src(%arg12 : memref<16x16xf32, #tpu.memory_space<vmem_shared>>) dst(%arg11 : memref<16x16xf32, #tpu.memory_space<vmem>>)
      tpu.yield
    }) : () -> ()
    %get3A = arith.constant 0 : i32
    %get3A_53 = arith.index_cast %get3A : i32 to index
    %get3A_54 = arith.constant 0 : index
    %get3A_55 = tpu.vector_load %arg11[%get3A_53, %get3A_54] {strides = array<i32>} : memref<16x16xf32, #tpu.memory_space<vmem>>, vector<16xf32>,
    %max3A_56 = arith.maximumf %max3A_51, %get3A_55 : vector<16xf32>
    %get3A_57 = arith.constant 1 : i32
    %get3A_58 = arith.index_cast %get3A_57 : i32 to index
    %get3A_59 = arith.constant 0 : index
    %get3A_60 = tpu.vector_load %arg11[%get3A_58, %get3A_59] {strides = array<i32>} : memref<16x16xf32, #tpu.memory_space<vmem>>, vector<16xf32>,
    %max3A_61 = arith.maximumf %max3A_56, %get3A_60 : vector<16xf32>
    %get3A_62 = arith.constant 2 : i32
    %get3A_63 = arith.index_cast %get3A_62 : i32 to index
    %get3A_64 = arith.constant 0 : index
    %get3A_65 = tpu.vector_load %arg11[%get3A_63, %get3A_64] {strides = array<i32>} : memref<16x16xf32, #tpu.memory_space<vmem>>, vector<16xf32>,
    %max3A_66 = arith.maximumf %max3A_61, %get3A_65 : vector<16xf32>
    %get3A_67 = arith.constant 3 : i32
    %get3A_68 = arith.index_cast %get3A_67 : i32 to index
    %get3A_69 = arith.constant 0 : index
    %get3A_70 = tpu.vector_load %arg11[%get3A_68, %get3A_69] {strides = array<i32>} : memref<16x16xf32, #tpu.memory_space<vmem>>, vector<16xf32>,
    %max3A_71 = arith.maximumf %max3A_66, %get3A_70 : vector<16xf32>
    %get3A_72 = arith.constant 4 : i32
    %get3A_73 = arith.index_cast %get3A_72 : i32 to index
    %get3A_74 = arith.constant 0 : index
    %get3A_75 = tpu.vector_load %arg11[%get3A_73, %get3A_74] {strides = array<i32>} : memref<16x16xf32, #tpu.memory_space<vmem>>, vector<16xf32>,
    %max3A_76 = arith.maximumf %max3A_71, %get3A_75 : vector<16xf32>
    %get3A_77 = arith.constant 5 : i32
    %get3A_78 = arith.index_cast %get3A_77 : i32 to index
    %get3A_79 = arith.constant 0 : index
    %get3A_80 = tpu.vector_load %arg11[%get3A_78, %get3A_79] {strides = array<i32>} : memref<16x16xf32, #tpu.memory_space<vmem>>, vector<16xf32>,
    %max3A_81 = arith.maximumf %max3A_76, %get3A_80 : vector<16xf32>
    %get3A_82 = arith.constant 6 : i32
    %get3A_83 = arith.index_cast %get3A_82 : i32 to index
    %get3A_84 = arith.constant 0 : index
    %get3A_85 = tpu.vector_load %arg11[%get3A_83, %get3A_84] {strides = array<i32>} : memref<16x16xf32, #tpu.memory_space<vmem>>, vector<16xf32>,
    %max3A_86 = arith.maximumf %max3A_81, %get3A_85 : vector<16xf32>
    %get3A_87 = arith.constant 7 : i32
    %get3A_88 = arith.index_cast %get3A_87 : i32 to index
    %get3A_89 = arith.constant 0 : index
    %get3A_90 = tpu.vector_load %arg11[%get3A_88, %get3A_89] {strides = array<i32>} : memref<16x16xf32, #tpu.memory_space<vmem>>, vector<16xf32>,
    %max3A_91 = arith.maximumf %max3A_86, %get3A_90 : vector<16xf32>
    %get3A_92 = arith.constant 8 : i32
    %get3A_93 = arith.index_cast %get3A_92 : i32 to index
    %get3A_94 = arith.constant 0 : index
    %get3A_95 = tpu.vector_load %arg11[%get3A_93, %get3A_94] {strides = array<i32>} : memref<16x16xf32, #tpu.memory_space<vmem>>, vector<16xf32>,
    %max3A_96 = arith.maximumf %max3A_91, %get3A_95 : vector<16xf32>
    %get3A_97 = arith.constant 9 : i32
    %get3A_98 = arith.index_cast %get3A_97 : i32 to index
    %get3A_99 = arith.constant 0 : index
    %get3A_100 = tpu.vector_load %arg11[%get3A_98, %get3A_99] {strides = array<i32>} : memref<16x16xf32, #tpu.memory_space<vmem>>, vector<16xf32>,
    %max3A_101 = arith.maximumf %max3A_96, %get3A_100 : vector<16xf32>
    %get3A_102 = arith.constant 10 : i32
    %get3A_103 = arith.index_cast %get3A_102 : i32 to index
    %get3A_104 = arith.constant 0 : index
    %get3A_105 = tpu.vector_load %arg11[%get3A_103, %get3A_104] {strides = array<i32>} : memref<16x16xf32, #tpu.memory_space<vmem>>, vector<16xf32>,
    %max3A_106 = arith.maximumf %max3A_101, %get3A_105 : vector<16xf32>
    %get3A_107 = arith.constant 11 : i32
    %get3A_108 = arith.index_cast %get3A_107 : i32 to index
    %get3A_109 = arith.constant 0 : index
    %get3A_110 = tpu.vector_load %arg11[%get3A_108, %get3A_109] {strides = array<i32>} : memref<16x16xf32, #tpu.memory_space<vmem>>, vector<16xf32>,
    %max3A_111 = arith.maximumf %max3A_106, %get3A_110 : vector<16xf32>
    %get3A_112 = arith.constant 12 : i32
    %get3A_113 = arith.index_cast %get3A_112 : i32 to index
    %get3A_114 = arith.constant 0 : index
    %get3A_115 = tpu.vector_load %arg11[%get3A_113, %get3A_114] {strides = array<i32>} : memref<16x16xf32, #tpu.memory_space<vmem>>, vector<16xf32>,
    %max3A_116 = arith.maximumf %max3A_111, %get3A_115 : vector<16xf32>
    %get3A_117 = arith.constant 13 : i32
    %get3A_118 = arith.index_cast %get3A_117 : i32 to index
    %get3A_119 = arith.constant 0 : index
    %get3A_120 = tpu.vector_load %arg11[%get3A_118, %get3A_119] {strides = array<i32>} : memref<16x16xf32, #tpu.memory_space<vmem>>, vector<16xf32>,
    %max3A_121 = arith.maximumf %max3A_116, %get3A_120 : vector<16xf32>
    %get3A_122 = arith.constant 14 : i32
    %get3A_123 = arith.index_cast %get3A_122 : i32 to index
    %get3A_124 = arith.constant 0 : index
    %get3A_125 = tpu.vector_load %arg11[%get3A_123, %get3A_124] {strides = array<i32>} : memref<16x16xf32, #tpu.memory_space<vmem>>, vector<16xf32>,
    %max3A_126 = arith.maximumf %max3A_121, %get3A_125 : vector<16xf32>
    %get3A_127 = arith.constant 15 : i32
    %get3A_128 = arith.index_cast %get3A_127 : i32 to index
    %get3A_129 = arith.constant 0 : index
    %get3A_130 = tpu.vector_load %arg11[%get3A_128, %get3A_129] {strides = array<i32>} : memref<16x16xf32, #tpu.memory_space<vmem>>, vector<16xf32>,
    %max3A_131 = arith.maximumf %max3A_126, %get3A_130 : vector<16xf32>
    %reduce_max3A = arith.constant true
    %reduce_max3A_132 = vector.broadcast %reduce_max3A : i1 to vector<16xi1>
    %reduce_max3A_133 = tpu.scan <max>, %max3A_131 masked %reduce_max3A_132 : vector<16xf32>, vector<16xi1> -> vector<16xf32>
    %reduce_max3A_134 = vector.extract %reduce_max3A_133[15] : f32 from vector<16xf32>
    %broadcast_in_dim3A_135 = vector.broadcast %reduce_max3A_134 : f32 to vector<16xf32>
    %div3A = arith.constant 1.270000e+02 : f32
    %div3A_136 = vector.broadcast %div3A : f32 to vector<16xf32>
    %div3A_137 = arith.divf %broadcast_in_dim3A_135, %div3A_136 : vector<16xf32>
    %max3A_138 = arith.constant 9.99999993E-9 : f32
    %max3A_139 = vector.broadcast %max3A_138 : f32 to vector<16xf32>
    %max3A_140 = arith.maximumf %div3A_137, %max3A_139 : vector<16xf32>
    %div3A_141 = arith.constant 1.000000e+00 : f32
    %div3A_142 = vector.broadcast %div3A_141 : f32 to vector<16xf32>
    %div3A_143 = arith.divf %div3A_142, %max3A_140 : vector<16xf32>
    %add3A_144 = arith.constant 0 : i32
    %add3A_145 = arith.addi %mul3A_2, %add3A_144 : i32
    %run_scoped3A = arith.constant 0 : i32
    "tpu.region"() ({
      %run_scoped3A_177 = tpu.sem_alloc : memref<!tpu.dma_semaphore, #tpu.memory_space<semaphore_mem>>
      %dma_start3A_178 = arith.constant 0 : i32
      %dma_start3A_179 = tpu.memref_slice %arg5[%run_scoped3A, %dma_start3A_178] : memref<2x400xi32, #tpu.memory_space<vmem>> -> memref<1x400xi32, #tpu.memory_space<vmem>>
      %dma_start3A_180 = tpu.memref_squeeze %dma_start3A_179 : memref<1x400xi32, #tpu.memory_space<vmem>> -> memref<400xi32, #tpu.memory_space<vmem>>
      %dma_start3A_181 = tpu.memref_slice %arg3[%add3A_145] : memref<819200xi32, #tpu.memory_space<hbm>> -> memref<400xi32, #tpu.memory_space<hbm>>
      %dma_start3A_182 = arith.constant 0 : i32
      %dma_start3A_183 = tpu.memref_slice %arg5[%run_scoped3A, %dma_start3A_182] : memref<2x400xi32, #tpu.memory_space<vmem>> -> memref<1x400xi32, #tpu.memory_space<vmem>>
      %dma_start3A_184 = tpu.memref_squeeze %dma_start3A_183 : memref<1x400xi32, #tpu.memory_space<vmem>> -> memref<400xi32, #tpu.memory_space<vmem>>
      %dma_start3A_185 = tpu.memref_slice %arg3[%add3A_145] : memref<819200xi32, #tpu.memory_space<hbm>> -> memref<400xi32, #tpu.memory_space<hbm>>
      tpu.enqueue_dma source(%dma_start3A_185 : memref<400xi32, #tpu.memory_space<hbm>>) target(%dma_start3A_184 : memref<400xi32, #tpu.memory_space<vmem>>) target_semaphore(%run_scoped3A_177 : memref<!tpu.dma_semaphore, #tpu.memory_space<semaphore_mem>>)
      %dma_wait3A_186 = arith.constant 0 : i32
      %dma_wait3A_187 = tpu.memref_slice %arg5[%run_scoped3A, %dma_wait3A_186] : memref<2x400xi32, #tpu.memory_space<vmem>> -> memref<1x400xi32, #tpu.memory_space<vmem>>
      %dma_wait3A_188 = tpu.memref_squeeze %dma_wait3A_187 : memref<1x400xi32, #tpu.memory_space<vmem>> -> memref<400xi32, #tpu.memory_space<vmem>>
      %dma_wait3A_189 = tpu.memref_slice %arg3[%add3A_145] : memref<819200xi32, #tpu.memory_space<hbm>> -> memref<400xi32, #tpu.memory_space<hbm>>
      %dma_wait3A_190 = arith.constant 0 : i32
      %dma_wait3A_191 = tpu.memref_slice %arg5[%run_scoped3A, %dma_wait3A_190] : memref<2x400xi32, #tpu.memory_space<vmem>> -> memref<1x400xi32, #tpu.memory_space<vmem>>
      %dma_wait3A_192 = tpu.memref_squeeze %dma_wait3A_191 : memref<1x400xi32, #tpu.memory_space<vmem>> -> memref<400xi32, #tpu.memory_space<vmem>>
      %dma_wait3A_193 = tpu.memref_slice %arg3[%add3A_145] : memref<819200xi32, #tpu.memory_space<hbm>> -> memref<400xi32, #tpu.memory_space<hbm>>
      tpu.wait_dma2 semaphore(%run_scoped3A_177 : memref<!tpu.dma_semaphore, #tpu.memory_space<semaphore_mem>>) src(%dma_wait3A_193 : memref<400xi32, #tpu.memory_space<hbm>>) dst(%dma_wait3A_192 : memref<400xi32, #tpu.memory_space<vmem>>)
      tpu.yield
    }) : () -> ()
    %dma_start3A_146 = arith.constant 0 : i32
    %dma_start3A_147 = arith.constant 0 : i32
    %dma_start3A_148 = tpu.memref_slice %arg5[%dma_start3A_146, %dma_start3A_147] : memref<2x400xi32, #tpu.memory_space<vmem>> -> memref<1x400xi32, #tpu.memory_space<vmem>>
    %dma_start3A_149 = tpu.memref_squeeze %dma_start3A_148 : memref<1x400xi32, #tpu.memory_space<vmem>> -> memref<400xi32, #tpu.memory_space<vmem>>
    %dma_start3A_150 = arith.constant 0 : i32
    %dma_start3A_151 = arith.constant 0 : i32
    %dma_start3A_152 = tpu.memref_slice %arg2[%dma_start3A_150, %dma_start3A_151] : memref<1000000x64xf32, #tpu.memory_space<hbm>> -> memref<1000000x64xf32, #tpu.memory_space<hbm>>
    tpu.enqueue_indirect_dma source(%dma_start3A_152 : memref<1000000x64xf32, #tpu.memory_space<hbm>>) target(%arg6 : memref<400x64xf32, #tpu.memory_space<vmem>>) offsets(%dma_start3A_149 : memref<400xi32, #tpu.memory_space<vmem>>) semaphore(%arg13 : memref<!tpu.dma_semaphore, #tpu.memory_space<semaphore_mem>>)
    %add3A_153 = arith.constant 400 : i32
    %add3A_154 = arith.addi %mul3A_2, %add3A_153 : i32
    %run_scoped3A_155 = arith.constant 1 : i32
    "tpu.region"() ({
      %run_scoped3A_177 = tpu.sem_alloc : memref<!tpu.dma_semaphore, #tpu.memory_space<semaphore_mem>>
      %dma_start3A_178 = arith.constant 0 : i32
      %dma_start3A_179 = tpu.memref_slice %arg5[%run_scoped3A_155, %dma_start3A_178] : memref<2x400xi32, #tpu.memory_space<vmem>> -> memref<1x400xi32, #tpu.memory_space<vmem>>
      %dma_start3A_180 = tpu.memref_squeeze %dma_start3A_179 : memref<1x400xi32, #tpu.memory_space<vmem>> -> memref<400xi32, #tpu.memory_space<vmem>>
      %dma_start3A_181 = tpu.memref_slice %arg3[%add3A_154] : memref<819200xi32, #tpu.memory_space<hbm>> -> memref<400xi32, #tpu.memory_space<hbm>>
      %dma_start3A_182 = arith.constant 0 : i32
      %dma_start3A_183 = tpu.memref_slice %arg5[%run_scoped3A_155, %dma_start3A_182] : memref<2x400xi32, #tpu.memory_space<vmem>> -> memref<1x400xi32, #tpu.memory_space<vmem>>
      %dma_start3A_184 = tpu.memref_squeeze %dma_start3A_183 : memref<1x400xi32, #tpu.memory_space<vmem>> -> memref<400xi32, #tpu.memory_space<vmem>>
      %dma_start3A_185 = tpu.memref_slice %arg3[%add3A_154] : memref<819200xi32, #tpu.memory_space<hbm>> -> memref<400xi32, #tpu.memory_space<hbm>>
      tpu.enqueue_dma source(%dma_start3A_185 : memref<400xi32, #tpu.memory_space<hbm>>) target(%dma_start3A_184 : memref<400xi32, #tpu.memory_space<vmem>>) target_semaphore(%run_scoped3A_177 : memref<!tpu.dma_semaphore, #tpu.memory_space<semaphore_mem>>)
      %dma_wait3A_186 = arith.constant 0 : i32
      %dma_wait3A_187 = tpu.memref_slice %arg5[%run_scoped3A_155, %dma_wait3A_186] : memref<2x400xi32, #tpu.memory_space<vmem>> -> memref<1x400xi32, #tpu.memory_space<vmem>>
      %dma_wait3A_188 = tpu.memref_squeeze %dma_wait3A_187 : memref<1x400xi32, #tpu.memory_space<vmem>> -> memref<400xi32, #tpu.memory_space<vmem>>
      %dma_wait3A_189 = tpu.memref_slice %arg3[%add3A_154] : memref<819200xi32, #tpu.memory_space<hbm>> -> memref<400xi32, #tpu.memory_space<hbm>>
      %dma_wait3A_190 = arith.constant 0 : i32
      %dma_wait3A_191 = tpu.memref_slice %arg5[%run_scoped3A_155, %dma_wait3A_190] : memref<2x400xi32, #tpu.memory_space<vmem>> -> memref<1x400xi32, #tpu.memory_space<vmem>>
      %dma_wait3A_192 = tpu.memref_squeeze %dma_wait3A_191 : memref<1x400xi32, #tpu.memory_space<vmem>> -> memref<400xi32, #tpu.memory_space<vmem>>
      %dma_wait3A_193 = tpu.memref_slice %arg3[%add3A_154] : memref<819200xi32, #tpu.memory_space<hbm>> -> memref<400xi32, #tpu.memory_space<hbm>>
      tpu.wait_dma2 semaphore(%run_scoped3A_177 : memref<!tpu.dma_semaphore, #tpu.memory_space<semaphore_mem>>) src(%dma_wait3A_193 : memref<400xi32, #tpu.memory_space<hbm>>) dst(%dma_wait3A_192 : memref<400xi32, #tpu.memory_space<vmem>>)
      tpu.yield
    }) : () -> ()
    %dma_start3A_156 = arith.constant 1 : i32
    %dma_start3A_157 = arith.constant 0 : i32
    %dma_start3A_158 = tpu.memref_slice %arg5[%dma_start3A_156, %dma_start3A_157] : memref<2x400xi32, #tpu.memory_space<vmem>> -> memref<1x400xi32, #tpu.memory_space<vmem>>
    %dma_start3A_159 = tpu.memref_squeeze %dma_start3A_158 : memref<1x400xi32, #tpu.memory_space<vmem>> -> memref<400xi32, #tpu.memory_space<vmem>>
    %dma_start3A_160 = arith.constant 0 : i32
    %dma_start3A_161 = arith.constant 0 : i32
    %dma_start3A_162 = tpu.memref_slice %arg2[%dma_start3A_160, %dma_start3A_161] : memref<1000000x64xf32, #tpu.memory_space<hbm>> -> memref<1000000x64xf32, #tpu.memory_space<hbm>>
    tpu.enqueue_indirect_dma source(%dma_start3A_162 : memref<1000000x64xf32, #tpu.memory_space<hbm>>) target(%arg7 : memref<400x64xf32, #tpu.memory_space<vmem>>) offsets(%dma_start3A_159 : memref<400xi32, #tpu.memory_space<vmem>>) semaphore(%arg14 : memref<!tpu.dma_semaphore, #tpu.memory_space<semaphore_mem>>)
    %scan3A_163 = arith.constant 0 : i32
    %scan3A_164 = arith.constant 0 : i32
    %scan3A_165 = arith.constant 32 : i32
    %scan3A_166 = arith.addi %scan3A_164, %scan3A_165 : i32
    %scan3A_167 = arith.constant 1 : i32
    %scan3A_168 = scf.for %scan3A_177 = %scan3A_164 to %scan3A_166 step %scan3A_167 iter_args(%scan3A_178 = %scan3A_163) -> (i32)  : i32 {
      %mul3A_179 = arith.constant 2 : i32
      %mul3A_180 = arith.muli %mul3A_179, %scan3A_177 : i32
      %add3A_181 = arith.constant 0 : i32
      %add3A_182 = arith.addi %mul3A_180, %add3A_181 : i32
      %mul3A_183 = arith.constant 200 : i32
      %mul3A_184 = arith.muli %add3A_182, %mul3A_183 : i32
      %add3A_185 = arith.addi %mul3A_4, %mul3A_184 : i32
      %dma_wait3A_186 = arith.constant 0 : i32
      %dma_wait3A_187 = arith.constant 0 : i32
      %dma_wait3A_188 = tpu.memref_slice %arg5[%dma_wait3A_186, %dma_wait3A_187] : memref<2x400xi32, #tpu.memory_space<vmem>> -> memref<1x400xi32, #tpu.memory_space<vmem>>
      %dma_wait3A_189 = tpu.memref_squeeze %dma_wait3A_188 : memref<1x400xi32, #tpu.memory_space<vmem>> -> memref<400xi32, #tpu.memory_space<vmem>>
      %dma_wait3A_190 = arith.constant 0 : i32
      %dma_wait3A_191 = arith.constant 0 : i32
      %dma_wait3A_192 = tpu.memref_slice %arg2[%dma_wait3A_190, %dma_wait3A_191] : memref<1000000x64xf32, #tpu.memory_space<hbm>> -> memref<1000000x64xf32, #tpu.memory_space<hbm>>
      tpu.wait_indirect_dma semaphore(%arg13 : memref<!tpu.dma_semaphore, #tpu.memory_space<semaphore_mem>>) src(%dma_wait3A_192 : memref<1000000x64xf32, #tpu.memory_space<hbm>>) dst(%arg6 : memref<400x64xf32, #tpu.memory_space<vmem>>)
      %scan3A_193 = arith.constant 0 : i32
      %scan3A_194 = arith.constant 0 : i32
      %scan3A_195 = arith.constant 100 : i32
      %scan3A_196 = arith.addi %scan3A_194, %scan3A_195 : i32
      %scan3A_197 = arith.constant 1 : i32
      %scan3A_198 = scf.for %scan3A_237 = %scan3A_194 to %scan3A_196 step %scan3A_197 iter_args(%scan3A_238 = %scan3A_193) -> (i32)  : i32 {
        %mul3A_239 = arith.constant 4 : i32
        %mul3A_240 = arith.muli %mul3A_239, %scan3A_237 : i32
        %add3A_241 = arith.constant 0 : i32
        %add3A_242 = arith.addi %mul3A_240, %add3A_241 : i32
        %add3A_243 = arith.constant 0 : i32
        %add3A_244 = arith.addi %add3A_242, %add3A_243 : i32
        %get3A_245 = arith.index_cast %add3A_244 : i32 to index
        %get3A_246 = arith.constant 0 : index
        %get3A_247 = tpu.vector_load %arg6[%get3A_245, %get3A_246] {strides = array<i32>} : memref<400x64xf32, #tpu.memory_space<vmem>>, vector<16xf32>,
        %mul3A_248 = arith.mulf %get3A_247, %div3A_143 : vector<16xf32>
        %bitcast3A = vector.bitcast %mul3A_248 : vector<16xf32> to vector<16xi32>
        %and3A = arith.constant -2147483648 : i32
        %and3A_249 = vector.broadcast %and3A : i32 to vector<16xi32>
        %and3A_250 = arith.andi %bitcast3A, %and3A_249 : vector<16xi32>
        %or3A = arith.constant 1258291200 : i32
        %or3A_251 = vector.broadcast %or3A : i32 to vector<16xi32>
        %or3A_252 = arith.ori %and3A_250, %or3A_251 : vector<16xi32>
        %bitcast3A_253 = vector.bitcast %or3A_252 : vector<16xi32> to vector<16xf32>
        %add3A_254 = arith.addf %mul3A_248, %bitcast3A_253 : vector<16xf32>
        %sub3A = arith.subf %add3A_254, %bitcast3A_253 : vector<16xf32>
        %mul3A_255 = arith.mulf %sub3A, %max3A_140 : vector<16xf32>
        %mul3A_256 = arith.constant 2 : i32
        %mul3A_257 = arith.muli %mul3A_256, %scan3A_237 : i32
        %add3A_258 = arith.constant 0 : i32
        %add3A_259 = arith.addi %mul3A_257, %add3A_258 : i32
        %swap3A_260 = arith.index_cast %add3A_259 : i32 to index
        %swap3A_261 = arith.constant 0 : index
        %swap3A_262 = tpu.vector_load %arg8[%swap3A_260, %swap3A_261] {strides = array<i32>} : memref<200x128xf32, #tpu.memory_space<vmem>>, vector<16xf32>,
        tpu.vector_store %arg8[%swap3A_260, %swap3A_261], %mul3A_255 {strides = array<i32>} : memref<200x128xf32, #tpu.memory_space<vmem>>, vector<16xf32>,
        %mul3A_263 = arith.constant 4 : i32
        %mul3A_264 = arith.muli %mul3A_263, %scan3A_237 : i32
        %add3A_265 = arith.constant 0 : i32
        %add3A_266 = arith.addi %mul3A_264, %add3A_265 : i32
        %add3A_267 = arith.constant 0 : i32
        %add3A_268 = arith.addi %add3A_266, %add3A_267 : i32
        %get3A_269 = arith.index_cast %add3A_268 : i32 to index
        %get3A_270 = arith.constant 16 : index
        %get3A_271 = tpu.vector_load %arg6[%get3A_269, %get3A_270] {strides = array<i32>} : memref<400x64xf32, #tpu.memory_space<vmem>>, vector<16xf32>,
        %mul3A_272 = arith.mulf %get3A_271, %div3A_143 : vector<16xf32>
        %bitcast3A_273 = vector.bitcast %mul3A_272 : vector<16xf32> to vector<16xi32>
        %and3A_274 = arith.constant -2147483648 : i32
        %and3A_275 = vector.broadcast %and3A_274 : i32 to vector<16xi32>
        %and3A_276 = arith.andi %bitcast3A_273, %and3A_275 : vector<16xi32>
        %or3A_277 = arith.constant 1258291200 : i32
        %or3A_278 = vector.broadcast %or3A_277 : i32 to vector<16xi32>
        %or3A_279 = arith.ori %and3A_276, %or3A_278 : vector<16xi32>
        %bitcast3A_280 = vector.bitcast %or3A_279 : vector<16xi32> to vector<16xf32>
        %add3A_281 = arith.addf %mul3A_272, %bitcast3A_280 : vector<16xf32>
        %sub3A_282 = arith.subf %add3A_281, %bitcast3A_280 : vector<16xf32>
        %mul3A_283 = arith.mulf %sub3A_282, %max3A_140 : vector<16xf32>
        %mul3A_284 = arith.constant 2 : i32
        %mul3A_285 = arith.muli %mul3A_284, %scan3A_237 : i32
        %add3A_286 = arith.constant 0 : i32
        %add3A_287 = arith.addi %mul3A_285, %add3A_286 : i32
        %swap3A_288 = arith.index_cast %add3A_287 : i32 to index
        %swap3A_289 = arith.constant 16 : index
        %swap3A_290 = tpu.vector_load %arg8[%swap3A_288, %swap3A_289] {strides = array<i32>} : memref<200x128xf32, #tpu.memory_space<vmem>>, vector<16xf32>,
        tpu.vector_store %arg8[%swap3A_288, %swap3A_289], %mul3A_283 {strides = array<i32>} : memref<200x128xf32, #tpu.memory_space<vmem>>, vector<16xf32>,
        %mul3A_291 = arith.constant 4 : i32
        %mul3A_292 = arith.muli %mul3A_291, %scan3A_237 : i32
        %add3A_293 = arith.constant 0 : i32
        %add3A_294 = arith.addi %mul3A_292, %add3A_293 : i32
        %add3A_295 = arith.constant 0 : i32
        %add3A_296 = arith.addi %add3A_294, %add3A_295 : i32
        %get3A_297 = arith.index_cast %add3A_296 : i32 to index
        %get3A_298 = arith.constant 32 : index
        %get3A_299 = tpu.vector_load %arg6[%get3A_297, %get3A_298] {strides = array<i32>} : memref<400x64xf32, #tpu.memory_space<vmem>>, vector<16xf32>,
        %mul3A_300 = arith.mulf %get3A_299, %div3A_143 : vector<16xf32>
        %bitcast3A_301 = vector.bitcast %mul3A_300 : vector<16xf32> to vector<16xi32>
        %and3A_302 = arith.constant -2147483648 : i32
        %and3A_303 = vector.broadcast %and3A_302 : i32 to vector<16xi32>
        %and3A_304 = arith.andi %bitcast3A_301, %and3A_303 : vector<16xi32>
        %or3A_305 = arith.constant 1258291200 : i32
        %or3A_306 = vector.broadcast %or3A_305 : i32 to vector<16xi32>
        %or3A_307 = arith.ori %and3A_304, %or3A_306 : vector<16xi32>
        %bitcast3A_308 = vector.bitcast %or3A_307 : vector<16xi32> to vector<16xf32>
        %add3A_309 = arith.addf %mul3A_300, %bitcast3A_308 : vector<16xf32>
        %sub3A_310 = arith.subf %add3A_309, %bitcast3A_308 : vector<16xf32>
        %mul3A_311 = arith.mulf %sub3A_310, %max3A_140 : vector<16xf32>
        %mul3A_312 = arith.constant 2 : i32
        %mul3A_313 = arith.muli %mul3A_312, %scan3A_237 : i32
        %add3A_314 = arith.constant 0 : i32
        %add3A_315 = arith.addi %mul3A_313, %add3A_314 : i32
        %swap3A_316 = arith.index_cast %add3A_315 : i32 to index
        %swap3A_317 = arith.constant 32 : index
        %swap3A_318 = tpu.vector_load %arg8[%swap3A_316, %swap3A_317] {strides = array<i32>} : memref<200x128xf32, #tpu.memory_space<vmem>>, vector<16xf32>,
        tpu.vector_store %arg8[%swap3A_316, %swap3A_317], %mul3A_311 {strides = array<i32>} : memref<200x128xf32, #tpu.memory_space<vmem>>, vector<16xf32>,
        %mul3A_319 = arith.constant 4 : i32
        %mul3A_320 = arith.muli %mul3A_319, %scan3A_237 : i32
        %add3A_321 = arith.constant 0 : i32
        %add3A_322 = arith.addi %mul3A_320, %add3A_321 : i32
        %add3A_323 = arith.constant 0 : i32
        %add3A_324 = arith.addi %add3A_322, %add3A_323 : i32
        %get3A_325 = arith.index_cast %add3A_324 : i32 to index
        %get3A_326 = arith.constant 48 : index
        %get3A_327 = tpu.vector_load %arg6[%get3A_325, %get3A_326] {strides = array<i32>} : memref<400x64xf32, #tpu.memory_space<vmem>>, vector<16xf32>,
        %mul3A_328 = arith.mulf %get3A_327, %div3A_143 : vector<16xf32>
        %bitcast3A_329 = vector.bitcast %mul3A_328 : vector<16xf32> to vector<16xi32>
        %and3A_330 = arith.constant -2147483648 : i32
        %and3A_331 = vector.broadcast %and3A_330 : i32 to vector<16xi32>
        %and3A_332 = arith.andi %bitcast3A_329, %and3A_331 : vector<16xi32>
        %or3A_333 = arith.constant 1258291200 : i32
        %or3A_334 = vector.broadcast %or3A_333 : i32 to vector<16xi32>
        %or3A_335 = arith.ori %and3A_332, %or3A_334 : vector<16xi32>
        %bitcast3A_336 = vector.bitcast %or3A_335 : vector<16xi32> to vector<16xf32>
        %add3A_337 = arith.addf %mul3A_328, %bitcast3A_336 : vector<16xf32>
        %sub3A_338 = arith.subf %add3A_337, %bitcast3A_336 : vector<16xf32>
        %mul3A_339 = arith.mulf %sub3A_338, %max3A_140 : vector<16xf32>
        %mul3A_340 = arith.constant 2 : i32
        %mul3A_341 = arith.muli %mul3A_340, %scan3A_237 : i32
        %add3A_342 = arith.constant 0 : i32
        %add3A_343 = arith.addi %mul3A_341, %add3A_342 : i32
        %swap3A_344 = arith.index_cast %add3A_343 : i32 to index
        %swap3A_345 = arith.constant 48 : index
        %swap3A_346 = tpu.vector_load %arg8[%swap3A_344, %swap3A_345] {strides = array<i32>} : memref<200x128xf32, #tpu.memory_space<vmem>>, vector<16xf32>,
        tpu.vector_store %arg8[%swap3A_344, %swap3A_345], %mul3A_339 {strides = array<i32>} : memref<200x128xf32, #tpu.memory_space<vmem>>, vector<16xf32>,
        %mul3A_347 = arith.constant 4 : i32
        %mul3A_348 = arith.muli %mul3A_347, %scan3A_237 : i32
        %add3A_349 = arith.constant 0 : i32
        %add3A_350 = arith.addi %mul3A_348, %add3A_349 : i32
        %add3A_351 = arith.constant 1 : i32
        %add3A_352 = arith.addi %add3A_350, %add3A_351 : i32
        %get3A_353 = arith.index_cast %add3A_352 : i32 to index
        %get3A_354 = arith.constant 0 : index
        %get3A_355 = tpu.vector_load %arg6[%get3A_353, %get3A_354] {strides = array<i32>} : memref<400x64xf32, #tpu.memory_space<vmem>>, vector<16xf32>,
        %mul3A_356 = arith.mulf %get3A_355, %div3A_143 : vector<16xf32>
        %bitcast3A_357 = vector.bitcast %mul3A_356 : vector<16xf32> to vector<16xi32>
        %and3A_358 = arith.constant -2147483648 : i32
        %and3A_359 = vector.broadcast %and3A_358 : i32 to vector<16xi32>
        %and3A_360 = arith.andi %bitcast3A_357, %and3A_359 : vector<16xi32>
        %or3A_361 = arith.constant 1258291200 : i32
        %or3A_362 = vector.broadcast %or3A_361 : i32 to vector<16xi32>
        %or3A_363 = arith.ori %and3A_360, %or3A_362 : vector<16xi32>
        %bitcast3A_364 = vector.bitcast %or3A_363 : vector<16xi32> to vector<16xf32>
        %add3A_365 = arith.addf %mul3A_356, %bitcast3A_364 : vector<16xf32>
        %sub3A_366 = arith.subf %add3A_365, %bitcast3A_364 : vector<16xf32>
        %mul3A_367 = arith.mulf %sub3A_366, %max3A_140 : vector<16xf32>
        %mul3A_368 = arith.constant 2 : i32
        %mul3A_369 = arith.muli %mul3A_368, %scan3A_237 : i32
        %add3A_370 = arith.constant 0 : i32
        %add3A_371 = arith.addi %mul3A_369, %add3A_370 : i32
        %swap3A_372 = arith.index_cast %add3A_371 : i32 to index
        %swap3A_373 = arith.constant 64 : index
        %swap3A_374 = tpu.vector_load %arg8[%swap3A_372, %swap3A_373] {strides = array<i32>} : memref<200x128xf32, #tpu.memory_space<vmem>>, vector<16xf32>,
        tpu.vector_store %arg8[%swap3A_372, %swap3A_373], %mul3A_367 {strides = array<i32>} : memref<200x128xf32, #tpu.memory_space<vmem>>, vector<16xf32>,
        %mul3A_375 = arith.constant 4 : i32
        %mul3A_376 = arith.muli %mul3A_375, %scan3A_237 : i32
        %add3A_377 = arith.constant 0 : i32
        %add3A_378 = arith.addi %mul3A_376, %add3A_377 : i32
        %add3A_379 = arith.constant 1 : i32
        %add3A_380 = arith.addi %add3A_378, %add3A_379 : i32
        %get3A_381 = arith.index_cast %add3A_380 : i32 to index
        %get3A_382 = arith.constant 16 : index
        %get3A_383 = tpu.vector_load %arg6[%get3A_381, %get3A_382] {strides = array<i32>} : memref<400x64xf32, #tpu.memory_space<vmem>>, vector<16xf32>,
        %mul3A_384 = arith.mulf %get3A_383, %div3A_143 : vector<16xf32>
        %bitcast3A_385 = vector.bitcast %mul3A_384 : vector<16xf32> to vector<16xi32>
        %and3A_386 = arith.constant -2147483648 : i32
        %and3A_387 = vector.broadcast %and3A_386 : i32 to vector<16xi32>
        %and3A_388 = arith.andi %bitcast3A_385, %and3A_387 : vector<16xi32>
        %or3A_389 = arith.constant 1258291200 : i32
        %or3A_390 = vector.broadcast %or3A_389 : i32 to vector<16xi32>
        %or3A_391 = arith.ori %and3A_388, %or3A_390 : vector<16xi32>
        %bitcast3A_392 = vector.bitcast %or3A_391 : vector<16xi32> to vector<16xf32>
        %add3A_393 = arith.addf %mul3A_384, %bitcast3A_392 : vector<16xf32>
        %sub3A_394 = arith.subf %add3A_393, %bitcast3A_392 : vector<16xf32>
        %mul3A_395 = arith.mulf %sub3A_394, %max3A_140 : vector<16xf32>
        %mul3A_396 = arith.constant 2 : i32
        %mul3A_397 = arith.muli %mul3A_396, %scan3A_237 : i32
        %add3A_398 = arith.constant 0 : i32
        %add3A_399 = arith.addi %mul3A_397, %add3A_398 : i32
        %swap3A_400 = arith.index_cast %add3A_399 : i32 to index
        %swap3A_401 = arith.constant 80 : index
        %swap3A_402 = tpu.vector_load %arg8[%swap3A_400, %swap3A_401] {strides = array<i32>} : memref<200x128xf32, #tpu.memory_space<vmem>>, vector<16xf32>,
        tpu.vector_store %arg8[%swap3A_400, %swap3A_401], %mul3A_395 {strides = array<i32>} : memref<200x128xf32, #tpu.memory_space<vmem>>, vector<16xf32>,
        %mul3A_403 = arith.constant 4 : i32
        %mul3A_404 = arith.muli %mul3A_403, %scan3A_237 : i32
        %add3A_405 = arith.constant 0 : i32
        %add3A_406 = arith.addi %mul3A_404, %add3A_405 : i32
        %add3A_407 = arith.constant 1 : i32
        %add3A_408 = arith.addi %add3A_406, %add3A_407 : i32
        %get3A_409 = arith.index_cast %add3A_408 : i32 to index
        %get3A_410 = arith.constant 32 : index
        %get3A_411 = tpu.vector_load %arg6[%get3A_409, %get3A_410] {strides = array<i32>} : memref<400x64xf32, #tpu.memory_space<vmem>>, vector<16xf32>,
        %mul3A_412 = arith.mulf %get3A_411, %div3A_143 : vector<16xf32>
        %bitcast3A_413 = vector.bitcast %mul3A_412 : vector<16xf32> to vector<16xi32>
        %and3A_414 = arith.constant -2147483648 : i32
        %and3A_415 = vector.broadcast %and3A_414 : i32 to vector<16xi32>
        %and3A_416 = arith.andi %bitcast3A_413, %and3A_415 : vector<16xi32>
        %or3A_417 = arith.constant 1258291200 : i32
        %or3A_418 = vector.broadcast %or3A_417 : i32 to vector<16xi32>
        %or3A_419 = arith.ori %and3A_416, %or3A_418 : vector<16xi32>
        %bitcast3A_420 = vector.bitcast %or3A_419 : vector<16xi32> to vector<16xf32>
        %add3A_421 = arith.addf %mul3A_412, %bitcast3A_420 : vector<16xf32>
        %sub3A_422 = arith.subf %add3A_421, %bitcast3A_420 : vector<16xf32>
        %mul3A_423 = arith.mulf %sub3A_422, %max3A_140 : vector<16xf32>
        %mul3A_424 = arith.constant 2 : i32
        %mul3A_425 = arith.muli %mul3A_424, %scan3A_237 : i32
        %add3A_426 = arith.constant 0 : i32
        %add3A_427 = arith.addi %mul3A_425, %add3A_426 : i32
        %swap3A_428 = arith.index_cast %add3A_427 : i32 to index
        %swap3A_429 = arith.constant 96 : index
        %swap3A_430 = tpu.vector_load %arg8[%swap3A_428, %swap3A_429] {strides = array<i32>} : memref<200x128xf32, #tpu.memory_space<vmem>>, vector<16xf32>,
        tpu.vector_store %arg8[%swap3A_428, %swap3A_429], %mul3A_423 {strides = array<i32>} : memref<200x128xf32, #tpu.memory_space<vmem>>, vector<16xf32>,
        %mul3A_431 = arith.constant 4 : i32
        %mul3A_432 = arith.muli %mul3A_431, %scan3A_237 : i32
        %add3A_433 = arith.constant 0 : i32
        %add3A_434 = arith.addi %mul3A_432, %add3A_433 : i32
        %add3A_435 = arith.constant 1 : i32
        %add3A_436 = arith.addi %add3A_434, %add3A_435 : i32
        %get3A_437 = arith.index_cast %add3A_436 : i32 to index
        %get3A_438 = arith.constant 48 : index
        %get3A_439 = tpu.vector_load %arg6[%get3A_437, %get3A_438] {strides = array<i32>} : memref<400x64xf32, #tpu.memory_space<vmem>>, vector<16xf32>,
        %mul3A_440 = arith.mulf %get3A_439, %div3A_143 : vector<16xf32>
        %bitcast3A_441 = vector.bitcast %mul3A_440 : vector<16xf32> to vector<16xi32>
        %and3A_442 = arith.constant -2147483648 : i32
        %and3A_443 = vector.broadcast %and3A_442 : i32 to vector<16xi32>
        %and3A_444 = arith.andi %bitcast3A_441, %and3A_443 : vector<16xi32>
        %or3A_445 = arith.constant 1258291200 : i32
        %or3A_446 = vector.broadcast %or3A_445 : i32 to vector<16xi32>
        %or3A_447 = arith.ori %and3A_444, %or3A_446 : vector<16xi32>
        %bitcast3A_448 = vector.bitcast %or3A_447 : vector<16xi32> to vector<16xf32>
        %add3A_449 = arith.addf %mul3A_440, %bitcast3A_448 : vector<16xf32>
        %sub3A_450 = arith.subf %add3A_449, %bitcast3A_448 : vector<16xf32>
        %mul3A_451 = arith.mulf %sub3A_450, %max3A_140 : vector<16xf32>
        %mul3A_452 = arith.constant 2 : i32
        %mul3A_453 = arith.muli %mul3A_452, %scan3A_237 : i32
        %add3A_454 = arith.constant 0 : i32
        %add3A_455 = arith.addi %mul3A_453, %add3A_454 : i32
        %swap3A_456 = arith.index_cast %add3A_455 : i32 to index
        %swap3A_457 = arith.constant 112 : index
        %swap3A_458 = tpu.vector_load %arg8[%swap3A_456, %swap3A_457] {strides = array<i32>} : memref<200x128xf32, #tpu.memory_space<vmem>>, vector<16xf32>,
        tpu.vector_store %arg8[%swap3A_456, %swap3A_457], %mul3A_451 {strides = array<i32>} : memref<200x128xf32, #tpu.memory_space<vmem>>, vector<16xf32>,
        %mul3A_459 = arith.constant 4 : i32
        %mul3A_460 = arith.muli %mul3A_459, %scan3A_237 : i32
        %add3A_461 = arith.constant 2 : i32
        %add3A_462 = arith.addi %mul3A_460, %add3A_461 : i32
        %add3A_463 = arith.constant 0 : i32
        %add3A_464 = arith.addi %add3A_462, %add3A_463 : i32
        %get3A_465 = arith.index_cast %add3A_464 : i32 to index
        %get3A_466 = arith.constant 0 : index
        %get3A_467 = tpu.vector_load %arg6[%get3A_465, %get3A_466] {strides = array<i32>} : memref<400x64xf32, #tpu.memory_space<vmem>>, vector<16xf32>,
        %mul3A_468 = arith.mulf %get3A_467, %div3A_143 : vector<16xf32>
        %bitcast3A_469 = vector.bitcast %mul3A_468 : vector<16xf32> to vector<16xi32>
        %and3A_470 = arith.constant -2147483648 : i32
        %and3A_471 = vector.broadcast %and3A_470 : i32 to vector<16xi32>
        %and3A_472 = arith.andi %bitcast3A_469, %and3A_471 : vector<16xi32>
        %or3A_473 = arith.constant 1258291200 : i32
        %or3A_474 = vector.broadcast %or3A_473 : i32 to vector<16xi32>
        %or3A_475 = arith.ori %and3A_472, %or3A_474 : vector<16xi32>
        %bitcast3A_476 = vector.bitcast %or3A_475 : vector<16xi32> to vector<16xf32>
        %add3A_477 = arith.addf %mul3A_468, %bitcast3A_476 : vector<16xf32>
        %sub3A_478 = arith.subf %add3A_477, %bitcast3A_476 : vector<16xf32>
        %mul3A_479 = arith.mulf %sub3A_478, %max3A_140 : vector<16xf32>
        %mul3A_480 = arith.constant 2 : i32
        %mul3A_481 = arith.muli %mul3A_480, %scan3A_237 : i32
        %add3A_482 = arith.constant 1 : i32
        %add3A_483 = arith.addi %mul3A_481, %add3A_482 : i32
        %swap3A_484 = arith.index_cast %add3A_483 : i32 to index
        %swap3A_485 = arith.constant 0 : index
        %swap3A_486 = tpu.vector_load %arg8[%swap3A_484, %swap3A_485] {strides = array<i32>} : memref<200x128xf32, #tpu.memory_space<vmem>>, vector<16xf32>,
        tpu.vector_store %arg8[%swap3A_484, %swap3A_485], %mul3A_479 {strides = array<i32>} : memref<200x128xf32, #tpu.memory_space<vmem>>, vector<16xf32>,
        %mul3A_487 = arith.constant 4 : i32
        %mul3A_488 = arith.muli %mul3A_487, %scan3A_237 : i32
        %add3A_489 = arith.constant 2 : i32
        %add3A_490 = arith.addi %mul3A_488, %add3A_489 : i32
        %add3A_491 = arith.constant 0 : i32
        %add3A_492 = arith.addi %add3A_490, %add3A_491 : i32
        %get3A_493 = arith.index_cast %add3A_492 : i32 to index
        %get3A_494 = arith.constant 16 : index
        %get3A_495 = tpu.vector_load %arg6[%get3A_493, %get3A_494] {strides = array<i32>} : memref<400x64xf32, #tpu.memory_space<vmem>>, vector<16xf32>,
        %mul3A_496 = arith.mulf %get3A_495, %div3A_143 : vector<16xf32>
        %bitcast3A_497 = vector.bitcast %mul3A_496 : vector<16xf32> to vector<16xi32>
        %and3A_498 = arith.constant -2147483648 : i32
        %and3A_499 = vector.broadcast %and3A_498 : i32 to vector<16xi32>
        %and3A_500 = arith.andi %bitcast3A_497, %and3A_499 : vector<16xi32>
        %or3A_501 = arith.constant 1258291200 : i32
        %or3A_502 = vector.broadcast %or3A_501 : i32 to vector<16xi32>
        %or3A_503 = arith.ori %and3A_500, %or3A_502 : vector<16xi32>
        %bitcast3A_504 = vector.bitcast %or3A_503 : vector<16xi32> to vector<16xf32>
        %add3A_505 = arith.addf %mul3A_496, %bitcast3A_504 : vector<16xf32>
        %sub3A_506 = arith.subf %add3A_505, %bitcast3A_504 : vector<16xf32>
        %mul3A_507 = arith.mulf %sub3A_506, %max3A_140 : vector<16xf32>
        %mul3A_508 = arith.constant 2 : i32
        %mul3A_509 = arith.muli %mul3A_508, %scan3A_237 : i32
        %add3A_510 = arith.constant 1 : i32
        %add3A_511 = arith.addi %mul3A_509, %add3A_510 : i32
        %swap3A_512 = arith.index_cast %add3A_511 : i32 to index
        %swap3A_513 = arith.constant 16 : index
        %swap3A_514 = tpu.vector_load %arg8[%swap3A_512, %swap3A_513] {strides = array<i32>} : memref<200x128xf32, #tpu.memory_space<vmem>>, vector<16xf32>,
        tpu.vector_store %arg8[%swap3A_512, %swap3A_513], %mul3A_507 {strides = array<i32>} : memref<200x128xf32, #tpu.memory_space<vmem>>, vector<16xf32>,
        %mul3A_515 = arith.constant 4 : i32
        %mul3A_516 = arith.muli %mul3A_515, %scan3A_237 : i32
        %add3A_517 = arith.constant 2 : i32
        %add3A_518 = arith.addi %mul3A_516, %add3A_517 : i32
        %add3A_519 = arith.constant 0 : i32
        %add3A_520 = arith.addi %add3A_518, %add3A_519 : i32
        %get3A_521 = arith.index_cast %add3A_520 : i32 to index
        %get3A_522 = arith.constant 32 : index
        %get3A_523 = tpu.vector_load %arg6[%get3A_521, %get3A_522] {strides = array<i32>} : memref<400x64xf32, #tpu.memory_space<vmem>>, vector<16xf32>,
        %mul3A_524 = arith.mulf %get3A_523, %div3A_143 : vector<16xf32>
        %bitcast3A_525 = vector.bitcast %mul3A_524 : vector<16xf32> to vector<16xi32>
        %and3A_526 = arith.constant -2147483648 : i32
        %and3A_527 = vector.broadcast %and3A_526 : i32 to vector<16xi32>
        %and3A_528 = arith.andi %bitcast3A_525, %and3A_527 : vector<16xi32>
        %or3A_529 = arith.constant 1258291200 : i32
        %or3A_530 = vector.broadcast %or3A_529 : i32 to vector<16xi32>
        %or3A_531 = arith.ori %and3A_528, %or3A_530 : vector<16xi32>
        %bitcast3A_532 = vector.bitcast %or3A_531 : vector<16xi32> to vector<16xf32>
        %add3A_533 = arith.addf %mul3A_524, %bitcast3A_532 : vector<16xf32>
        %sub3A_534 = arith.subf %add3A_533, %bitcast3A_532 : vector<16xf32>
        %mul3A_535 = arith.mulf %sub3A_534, %max3A_140 : vector<16xf32>
        %mul3A_536 = arith.constant 2 : i32
        %mul3A_537 = arith.muli %mul3A_536, %scan3A_237 : i32
        %add3A_538 = arith.constant 1 : i32
        %add3A_539 = arith.addi %mul3A_537, %add3A_538 : i32
        %swap3A_540 = arith.index_cast %add3A_539 : i32 to index
        %swap3A_541 = arith.constant 32 : index
        %swap3A_542 = tpu.vector_load %arg8[%swap3A_540, %swap3A_541] {strides = array<i32>} : memref<200x128xf32, #tpu.memory_space<vmem>>, vector<16xf32>,
        tpu.vector_store %arg8[%swap3A_540, %swap3A_541], %mul3A_535 {strides = array<i32>} : memref<200x128xf32, #tpu.memory_space<vmem>>, vector<16xf32>,
        %mul3A_543 = arith.constant 4 : i32
        %mul3A_544 = arith.muli %mul3A_543, %scan3A_237 : i32
        %add3A_545 = arith.constant 2 : i32
        %add3A_546 = arith.addi %mul3A_544, %add3A_545 : i32
        %add3A_547 = arith.constant 0 : i32
        %add3A_548 = arith.addi %add3A_546, %add3A_547 : i32
        %get3A_549 = arith.index_cast %add3A_548 : i32 to index
        %get3A_550 = arith.constant 48 : index
        %get3A_551 = tpu.vector_load %arg6[%get3A_549, %get3A_550] {strides = array<i32>} : memref<400x64xf32, #tpu.memory_space<vmem>>, vector<16xf32>,
        %mul3A_552 = arith.mulf %get3A_551, %div3A_143 : vector<16xf32>
        %bitcast3A_553 = vector.bitcast %mul3A_552 : vector<16xf32> to vector<16xi32>
        %and3A_554 = arith.constant -2147483648 : i32
        %and3A_555 = vector.broadcast %and3A_554 : i32 to vector<16xi32>
        %and3A_556 = arith.andi %bitcast3A_553, %and3A_555 : vector<16xi32>
        %or3A_557 = arith.constant 1258291200 : i32
        %or3A_558 = vector.broadcast %or3A_557 : i32 to vector<16xi32>
        %or3A_559 = arith.ori %and3A_556, %or3A_558 : vector<16xi32>
        %bitcast3A_560 = vector.bitcast %or3A_559 : vector<16xi32> to vector<16xf32>
        %add3A_561 = arith.addf %mul3A_552, %bitcast3A_560 : vector<16xf32>
        %sub3A_562 = arith.subf %add3A_561, %bitcast3A_560 : vector<16xf32>
        %mul3A_563 = arith.mulf %sub3A_562, %max3A_140 : vector<16xf32>
        %mul3A_564 = arith.constant 2 : i32
        %mul3A_565 = arith.muli %mul3A_564, %scan3A_237 : i32
        %add3A_566 = arith.constant 1 : i32
        %add3A_567 = arith.addi %mul3A_565, %add3A_566 : i32
        %swap3A_568 = arith.index_cast %add3A_567 : i32 to index
        %swap3A_569 = arith.constant 48 : index
        %swap3A_570 = tpu.vector_load %arg8[%swap3A_568, %swap3A_569] {strides = array<i32>} : memref<200x128xf32, #tpu.memory_space<vmem>>, vector<16xf32>,
        tpu.vector_store %arg8[%swap3A_568, %swap3A_569], %mul3A_563 {strides = array<i32>} : memref<200x128xf32, #tpu.memory_space<vmem>>, vector<16xf32>,
        %mul3A_571 = arith.constant 4 : i32
        %mul3A_572 = arith.muli %mul3A_571, %scan3A_237 : i32
        %add3A_573 = arith.constant 2 : i32
        %add3A_574 = arith.addi %mul3A_572, %add3A_573 : i32
        %add3A_575 = arith.constant 1 : i32
        %add3A_576 = arith.addi %add3A_574, %add3A_575 : i32
        %get3A_577 = arith.index_cast %add3A_576 : i32 to index
        %get3A_578 = arith.constant 0 : index
        %get3A_579 = tpu.vector_load %arg6[%get3A_577, %get3A_578] {strides = array<i32>} : memref<400x64xf32, #tpu.memory_space<vmem>>, vector<16xf32>,
        %mul3A_580 = arith.mulf %get3A_579, %div3A_143 : vector<16xf32>
        %bitcast3A_581 = vector.bitcast %mul3A_580 : vector<16xf32> to vector<16xi32>
        %and3A_582 = arith.constant -2147483648 : i32
        %and3A_583 = vector.broadcast %and3A_582 : i32 to vector<16xi32>
        %and3A_584 = arith.andi %bitcast3A_581, %and3A_583 : vector<16xi32>
        %or3A_585 = arith.constant 1258291200 : i32
        %or3A_586 = vector.broadcast %or3A_585 : i32 to vector<16xi32>
        %or3A_587 = arith.ori %and3A_584, %or3A_586 : vector<16xi32>
        %bitcast3A_588 = vector.bitcast %or3A_587 : vector<16xi32> to vector<16xf32>
        %add3A_589 = arith.addf %mul3A_580, %bitcast3A_588 : vector<16xf32>
        %sub3A_590 = arith.subf %add3A_589, %bitcast3A_588 : vector<16xf32>
        %mul3A_591 = arith.mulf %sub3A_590, %max3A_140 : vector<16xf32>
        %mul3A_592 = arith.constant 2 : i32
        %mul3A_593 = arith.muli %mul3A_592, %scan3A_237 : i32
        %add3A_594 = arith.constant 1 : i32
        %add3A_595 = arith.addi %mul3A_593, %add3A_594 : i32
        %swap3A_596 = arith.index_cast %add3A_595 : i32 to index
        %swap3A_597 = arith.constant 64 : index
        %swap3A_598 = tpu.vector_load %arg8[%swap3A_596, %swap3A_597] {strides = array<i32>} : memref<200x128xf32, #tpu.memory_space<vmem>>, vector<16xf32>,
        tpu.vector_store %arg8[%swap3A_596, %swap3A_597], %mul3A_591 {strides = array<i32>} : memref<200x128xf32, #tpu.memory_space<vmem>>, vector<16xf32>,
        %mul3A_599 = arith.constant 4 : i32
        %mul3A_600 = arith.muli %mul3A_599, %scan3A_237 : i32
        %add3A_601 = arith.constant 2 : i32
        %add3A_602 = arith.addi %mul3A_600, %add3A_601 : i32
        %add3A_603 = arith.constant 1 : i32
        %add3A_604 = arith.addi %add3A_602, %add3A_603 : i32
        %get3A_605 = arith.index_cast %add3A_604 : i32 to index
        %get3A_606 = arith.constant 16 : index
        %get3A_607 = tpu.vector_load %arg6[%get3A_605, %get3A_606] {strides = array<i32>} : memref<400x64xf32, #tpu.memory_space<vmem>>, vector<16xf32>,
        %mul3A_608 = arith.mulf %get3A_607, %div3A_143 : vector<16xf32>
        %bitcast3A_609 = vector.bitcast %mul3A_608 : vector<16xf32> to vector<16xi32>
        %and3A_610 = arith.constant -2147483648 : i32
        %and3A_611 = vector.broadcast %and3A_610 : i32 to vector<16xi32>
        %and3A_612 = arith.andi %bitcast3A_609, %and3A_611 : vector<16xi32>
        %or3A_613 = arith.constant 1258291200 : i32
        %or3A_614 = vector.broadcast %or3A_613 : i32 to vector<16xi32>
        %or3A_615 = arith.ori %and3A_612, %or3A_614 : vector<16xi32>
        %bitcast3A_616 = vector.bitcast %or3A_615 : vector<16xi32> to vector<16xf32>
        %add3A_617 = arith.addf %mul3A_608, %bitcast3A_616 : vector<16xf32>
        %sub3A_618 = arith.subf %add3A_617, %bitcast3A_616 : vector<16xf32>
        %mul3A_619 = arith.mulf %sub3A_618, %max3A_140 : vector<16xf32>
        %mul3A_620 = arith.constant 2 : i32
        %mul3A_621 = arith.muli %mul3A_620, %scan3A_237 : i32
        %add3A_622 = arith.constant 1 : i32
        %add3A_623 = arith.addi %mul3A_621, %add3A_622 : i32
        %swap3A_624 = arith.index_cast %add3A_623 : i32 to index
        %swap3A_625 = arith.constant 80 : index
        %swap3A_626 = tpu.vector_load %arg8[%swap3A_624, %swap3A_625] {strides = array<i32>} : memref<200x128xf32, #tpu.memory_space<vmem>>, vector<16xf32>,
        tpu.vector_store %arg8[%swap3A_624, %swap3A_625], %mul3A_619 {strides = array<i32>} : memref<200x128xf32, #tpu.memory_space<vmem>>, vector<16xf32>,
        %mul3A_627 = arith.constant 4 : i32
        %mul3A_628 = arith.muli %mul3A_627, %scan3A_237 : i32
        %add3A_629 = arith.constant 2 : i32
        %add3A_630 = arith.addi %mul3A_628, %add3A_629 : i32
        %add3A_631 = arith.constant 1 : i32
        %add3A_632 = arith.addi %add3A_630, %add3A_631 : i32
        %get3A_633 = arith.index_cast %add3A_632 : i32 to index
        %get3A_634 = arith.constant 32 : index
        %get3A_635 = tpu.vector_load %arg6[%get3A_633, %get3A_634] {strides = array<i32>} : memref<400x64xf32, #tpu.memory_space<vmem>>, vector<16xf32>,
        %mul3A_636 = arith.mulf %get3A_635, %div3A_143 : vector<16xf32>
        %bitcast3A_637 = vector.bitcast %mul3A_636 : vector<16xf32> to vector<16xi32>
        %and3A_638 = arith.constant -2147483648 : i32
        %and3A_639 = vector.broadcast %and3A_638 : i32 to vector<16xi32>
        %and3A_640 = arith.andi %bitcast3A_637, %and3A_639 : vector<16xi32>
        %or3A_641 = arith.constant 1258291200 : i32
        %or3A_642 = vector.broadcast %or3A_641 : i32 to vector<16xi32>
        %or3A_643 = arith.ori %and3A_640, %or3A_642 : vector<16xi32>
        %bitcast3A_644 = vector.bitcast %or3A_643 : vector<16xi32> to vector<16xf32>
        %add3A_645 = arith.addf %mul3A_636, %bitcast3A_644 : vector<16xf32>
        %sub3A_646 = arith.subf %add3A_645, %bitcast3A_644 : vector<16xf32>
        %mul3A_647 = arith.mulf %sub3A_646, %max3A_140 : vector<16xf32>
        %mul3A_648 = arith.constant 2 : i32
        %mul3A_649 = arith.muli %mul3A_648, %scan3A_237 : i32
        %add3A_650 = arith.constant 1 : i32
        %add3A_651 = arith.addi %mul3A_649, %add3A_650 : i32
        %swap3A_652 = arith.index_cast %add3A_651 : i32 to index
        %swap3A_653 = arith.constant 96 : index
        %swap3A_654 = tpu.vector_load %arg8[%swap3A_652, %swap3A_653] {strides = array<i32>} : memref<200x128xf32, #tpu.memory_space<vmem>>, vector<16xf32>,
        tpu.vector_store %arg8[%swap3A_652, %swap3A_653], %mul3A_647 {strides = array<i32>} : memref<200x128xf32, #tpu.memory_space<vmem>>, vector<16xf32>,
        %mul3A_655 = arith.constant 4 : i32
        %mul3A_656 = arith.muli %mul3A_655, %scan3A_237 : i32
        %add3A_657 = arith.constant 2 : i32
        %add3A_658 = arith.addi %mul3A_656, %add3A_657 : i32
        %add3A_659 = arith.constant 1 : i32
        %add3A_660 = arith.addi %add3A_658, %add3A_659 : i32
        %get3A_661 = arith.index_cast %add3A_660 : i32 to index
        %get3A_662 = arith.constant 48 : index
        %get3A_663 = tpu.vector_load %arg6[%get3A_661, %get3A_662] {strides = array<i32>} : memref<400x64xf32, #tpu.memory_space<vmem>>, vector<16xf32>,
        %mul3A_664 = arith.mulf %get3A_663, %div3A_143 : vector<16xf32>
        %bitcast3A_665 = vector.bitcast %mul3A_664 : vector<16xf32> to vector<16xi32>
        %and3A_666 = arith.constant -2147483648 : i32
        %and3A_667 = vector.broadcast %and3A_666 : i32 to vector<16xi32>
        %and3A_668 = arith.andi %bitcast3A_665, %and3A_667 : vector<16xi32>
        %or3A_669 = arith.constant 1258291200 : i32
        %or3A_670 = vector.broadcast %or3A_669 : i32 to vector<16xi32>
        %or3A_671 = arith.ori %and3A_668, %or3A_670 : vector<16xi32>
        %bitcast3A_672 = vector.bitcast %or3A_671 : vector<16xi32> to vector<16xf32>
        %add3A_673 = arith.addf %mul3A_664, %bitcast3A_672 : vector<16xf32>
        %sub3A_674 = arith.subf %add3A_673, %bitcast3A_672 : vector<16xf32>
        %mul3A_675 = arith.mulf %sub3A_674, %max3A_140 : vector<16xf32>
        %mul3A_676 = arith.constant 2 : i32
        %mul3A_677 = arith.muli %mul3A_676, %scan3A_237 : i32
        %add3A_678 = arith.constant 1 : i32
        %add3A_679 = arith.addi %mul3A_677, %add3A_678 : i32
        %swap3A_680 = arith.index_cast %add3A_679 : i32 to index
        %swap3A_681 = arith.constant 112 : index
        %swap3A_682 = tpu.vector_load %arg8[%swap3A_680, %swap3A_681] {strides = array<i32>} : memref<200x128xf32, #tpu.memory_space<vmem>>, vector<16xf32>,
        tpu.vector_store %arg8[%swap3A_680, %swap3A_681], %mul3A_675 {strides = array<i32>} : memref<200x128xf32, #tpu.memory_space<vmem>>, vector<16xf32>,
        %scan3A_683 = arith.constant 0 : i32
        scf.yield %scan3A_683 : i32
      }
      %scan3A_199 = arith.constant 100 : i32
      %dma_start3A_200 = arith.constant 0 : i32
      %dma_start3A_201 = tpu.memref_slice %arg4[%add3A_185, %dma_start3A_200] : memref<409600x128xf32, #tpu.memory_space<hbm>> -> memref<200x128xf32, #tpu.memory_space<hbm>>
      %dma_start3A_202 = arith.constant 0 : i32
      %dma_start3A_203 = tpu.memref_slice %arg4[%add3A_185, %dma_start3A_202] : memref<409600x128xf32, #tpu.memory_space<hbm>> -> memref<200x128xf32, #tpu.memory_space<hbm>>
      tpu.enqueue_dma source(%arg8 : memref<200x128xf32, #tpu.memory_space<vmem>>) target(%dma_start3A_203 : memref<200x128xf32, #tpu.memory_space<hbm>>) target_semaphore(%arg15 : memref<!tpu.dma_semaphore, #tpu.memory_space<semaphore_mem>>)
      %lt3A = arith.constant 31 : i32
      %lt3A_204 = arith.cmpi slt, %scan3A_177, %lt3A : i32
      %convert_element_type3A = arith.extui %lt3A_204 : i1 to i32
      %cond3A = arith.constant 0 : i32
      %cond3A_205 = arith.cmpi ne, %convert_element_type3A, %cond3A : i32
      scf.if %cond3A_205 {
        %dma_wait3A_237 = arith.constant 0 : i32
        %dma_wait3A_238 = tpu.memref_slice %arg4[%mul3A_4, %dma_wait3A_237] : memref<409600x128xf32, #tpu.memory_space<hbm>> -> memref<200x128xf32, #tpu.memory_space<hbm>>
        %dma_wait3A_239 = arith.constant 0 : i32
        %dma_wait3A_240 = tpu.memref_slice %arg4[%mul3A_4, %dma_wait3A_239] : memref<409600x128xf32, #tpu.memory_space<hbm>> -> memref<200x128xf32, #tpu.memory_space<hbm>>
        tpu.wait_dma2 semaphore(%arg15 : memref<!tpu.dma_semaphore, #tpu.memory_space<semaphore_mem>>) src(%arg8 : memref<200x128xf32, #tpu.memory_space<vmem>>) dst(%dma_wait3A_240 : memref<200x128xf32, #tpu.memory_space<hbm>>)
        %add3A_241 = arith.constant 2 : i32
        %add3A_242 = arith.addi %add3A_182, %add3A_241 : i32
        %mul3A_243 = arith.constant 400 : i32
        %mul3A_244 = arith.muli %add3A_242, %mul3A_243 : i32
        %add3A_245 = arith.addi %mul3A_2, %mul3A_244 : i32
        %run_scoped3A_246 = arith.constant 0 : i32
        "tpu.region"() ({
          %run_scoped3A_254 = tpu.sem_alloc : memref<!tpu.dma_semaphore, #tpu.memory_space<semaphore_mem>>
          %dma_start3A_255 = arith.constant 0 : i32
          %dma_start3A_256 = tpu.memref_slice %arg5[%run_scoped3A_246, %dma_start3A_255] : memref<2x400xi32, #tpu.memory_space<vmem>> -> memref<1x400xi32, #tpu.memory_space<vmem>>
          %dma_start3A_257 = tpu.memref_squeeze %dma_start3A_256 : memref<1x400xi32, #tpu.memory_space<vmem>> -> memref<400xi32, #tpu.memory_space<vmem>>
          %dma_start3A_258 = tpu.memref_slice %arg3[%add3A_245] : memref<819200xi32, #tpu.memory_space<hbm>> -> memref<400xi32, #tpu.memory_space<hbm>>
          %dma_start3A_259 = arith.constant 0 : i32
          %dma_start3A_260 = tpu.memref_slice %arg5[%run_scoped3A_246, %dma_start3A_259] : memref<2x400xi32, #tpu.memory_space<vmem>> -> memref<1x400xi32, #tpu.memory_space<vmem>>
          %dma_start3A_261 = tpu.memref_squeeze %dma_start3A_260 : memref<1x400xi32, #tpu.memory_space<vmem>> -> memref<400xi32, #tpu.memory_space<vmem>>
          %dma_start3A_262 = tpu.memref_slice %arg3[%add3A_245] : memref<819200xi32, #tpu.memory_space<hbm>> -> memref<400xi32, #tpu.memory_space<hbm>>
          tpu.enqueue_dma source(%dma_start3A_262 : memref<400xi32, #tpu.memory_space<hbm>>) target(%dma_start3A_261 : memref<400xi32, #tpu.memory_space<vmem>>) target_semaphore(%run_scoped3A_254 : memref<!tpu.dma_semaphore, #tpu.memory_space<semaphore_mem>>)
          %dma_wait3A_263 = arith.constant 0 : i32
          %dma_wait3A_264 = tpu.memref_slice %arg5[%run_scoped3A_246, %dma_wait3A_263] : memref<2x400xi32, #tpu.memory_space<vmem>> -> memref<1x400xi32, #tpu.memory_space<vmem>>
          %dma_wait3A_265 = tpu.memref_squeeze %dma_wait3A_264 : memref<1x400xi32, #tpu.memory_space<vmem>> -> memref<400xi32, #tpu.memory_space<vmem>>
          %dma_wait3A_266 = tpu.memref_slice %arg3[%add3A_245] : memref<819200xi32, #tpu.memory_space<hbm>> -> memref<400xi32, #tpu.memory_space<hbm>>
          %dma_wait3A_267 = arith.constant 0 : i32
          %dma_wait3A_268 = tpu.memref_slice %arg5[%run_scoped3A_246, %dma_wait3A_267] : memref<2x400xi32, #tpu.memory_space<vmem>> -> memref<1x400xi32, #tpu.memory_space<vmem>>
          %dma_wait3A_269 = tpu.memref_squeeze %dma_wait3A_268 : memref<1x400xi32, #tpu.memory_space<vmem>> -> memref<400xi32, #tpu.memory_space<vmem>>
          %dma_wait3A_270 = tpu.memref_slice %arg3[%add3A_245] : memref<819200xi32, #tpu.memory_space<hbm>> -> memref<400xi32, #tpu.memory_space<hbm>>
          tpu.wait_dma2 semaphore(%run_scoped3A_254 : memref<!tpu.dma_semaphore, #tpu.memory_space<semaphore_mem>>) src(%dma_wait3A_270 : memref<400xi32, #tpu.memory_space<hbm>>) dst(%dma_wait3A_269 : memref<400xi32, #tpu.memory_space<vmem>>)
          tpu.yield
        }) : () -> ()
        %dma_start3A_247 = arith.constant 0 : i32
        %dma_start3A_248 = arith.constant 0 : i32
        %dma_start3A_249 = tpu.memref_slice %arg5[%dma_start3A_247, %dma_start3A_248] : memref<2x400xi32, #tpu.memory_space<vmem>> -> memref<1x400xi32, #tpu.memory_space<vmem>>
        %dma_start3A_250 = tpu.memref_squeeze %dma_start3A_249 : memref<1x400xi32, #tpu.memory_space<vmem>> -> memref<400xi32, #tpu.memory_space<vmem>>
        %dma_start3A_251 = arith.constant 0 : i32
        %dma_start3A_252 = arith.constant 0 : i32
        %dma_start3A_253 = tpu.memref_slice %arg2[%dma_start3A_251, %dma_start3A_252] : memref<1000000x64xf32, #tpu.memory_space<hbm>> -> memref<1000000x64xf32, #tpu.memory_space<hbm>>
        tpu.enqueue_indirect_dma source(%dma_start3A_253 : memref<1000000x64xf32, #tpu.memory_space<hbm>>) target(%arg6 : memref<400x64xf32, #tpu.memory_space<vmem>>) offsets(%dma_start3A_250 : memref<400xi32, #tpu.memory_space<vmem>>) semaphore(%arg13 : memref<!tpu.dma_semaphore, #tpu.memory_space<semaphore_mem>>)
      } else {
      }
      %mul3A_206 = arith.constant 2 : i32
      %mul3A_207 = arith.muli %mul3A_206, %scan3A_177 : i32
      %add3A_208 = arith.constant 1 : i32
      %add3A_209 = arith.addi %mul3A_207, %add3A_208 : i32
      %mul3A_210 = arith.constant 200 : i32
      %mul3A_211 = arith.muli %add3A_209, %mul3A_210 : i32
      %add3A_212 = arith.addi %mul3A_4, %mul3A_211 : i32
      %dma_wait3A_213 = arith.constant 1 : i32
      %dma_wait3A_214 = arith.constant 0 : i32
      %dma_wait3A_215 = tpu.memref_slice %arg5[%dma_wait3A_213, %dma_wait3A_214] : memref<2x400xi32, #tpu.memory_space<vmem>> -> memref<1x400xi32, #tpu.memory_space<vmem>>
      %dma_wait3A_216 = tpu.memref_squeeze %dma_wait3A_215 : memref<1x400xi32, #tpu.memory_space<vmem>> -> memref<400xi32, #tpu.memory_space<vmem>>
      %dma_wait3A_217 = arith.constant 0 : i32
      %dma_wait3A_218 = arith.constant 0 : i32
      %dma_wait3A_219 = tpu.memref_slice %arg2[%dma_wait3A_217, %dma_wait3A_218] : memref<1000000x64xf32, #tpu.memory_space<hbm>> -> memref<1000000x64xf32, #tpu.memory_space<hbm>>
      tpu.wait_indirect_dma semaphore(%arg14 : memref<!tpu.dma_semaphore, #tpu.memory_space<semaphore_mem>>) src(%dma_wait3A_219 : memref<1000000x64xf32, #tpu.memory_space<hbm>>) dst(%arg7 : memref<400x64xf32, #tpu.memory_space<vmem>>)
      %scan3A_220 = arith.constant 0 : i32
      %scan3A_221 = arith.constant 0 : i32
      %scan3A_222 = arith.constant 100 : i32
      %scan3A_223 = arith.addi %scan3A_221, %scan3A_222 : i32
      %scan3A_224 = arith.constant 1 : i32
      %scan3A_225 = scf.for %scan3A_237 = %scan3A_221 to %scan3A_223 step %scan3A_224 iter_args(%scan3A_238 = %scan3A_220) -> (i32)  : i32 {
        %mul3A_239 = arith.constant 4 : i32
        %mul3A_240 = arith.muli %mul3A_239, %scan3A_237 : i32
        %add3A_241 = arith.constant 0 : i32
        %add3A_242 = arith.addi %mul3A_240, %add3A_241 : i32
        %add3A_243 = arith.constant 0 : i32
        %add3A_244 = arith.addi %add3A_242, %add3A_243 : i32
        %get3A_245 = arith.index_cast %add3A_244 : i32 to index
        %get3A_246 = arith.constant 0 : index
        %get3A_247 = tpu.vector_load %arg7[%get3A_245, %get3A_246] {strides = array<i32>} : memref<400x64xf32, #tpu.memory_space<vmem>>, vector<16xf32>,
        %mul3A_248 = arith.mulf %get3A_247, %div3A_143 : vector<16xf32>
        %bitcast3A = vector.bitcast %mul3A_248 : vector<16xf32> to vector<16xi32>
        %and3A = arith.constant -2147483648 : i32
        %and3A_249 = vector.broadcast %and3A : i32 to vector<16xi32>
        %and3A_250 = arith.andi %bitcast3A, %and3A_249 : vector<16xi32>
        %or3A = arith.constant 1258291200 : i32
        %or3A_251 = vector.broadcast %or3A : i32 to vector<16xi32>
        %or3A_252 = arith.ori %and3A_250, %or3A_251 : vector<16xi32>
        %bitcast3A_253 = vector.bitcast %or3A_252 : vector<16xi32> to vector<16xf32>
        %add3A_254 = arith.addf %mul3A_248, %bitcast3A_253 : vector<16xf32>
        %sub3A = arith.subf %add3A_254, %bitcast3A_253 : vector<16xf32>
        %mul3A_255 = arith.mulf %sub3A, %max3A_140 : vector<16xf32>
        %mul3A_256 = arith.constant 2 : i32
        %mul3A_257 = arith.muli %mul3A_256, %scan3A_237 : i32
        %add3A_258 = arith.constant 0 : i32
        %add3A_259 = arith.addi %mul3A_257, %add3A_258 : i32
        %swap3A_260 = arith.index_cast %add3A_259 : i32 to index
        %swap3A_261 = arith.constant 0 : index
        %swap3A_262 = tpu.vector_load %arg9[%swap3A_260, %swap3A_261] {strides = array<i32>} : memref<200x128xf32, #tpu.memory_space<vmem>>, vector<16xf32>,
        tpu.vector_store %arg9[%swap3A_260, %swap3A_261], %mul3A_255 {strides = array<i32>} : memref<200x128xf32, #tpu.memory_space<vmem>>, vector<16xf32>,
        %mul3A_263 = arith.constant 4 : i32
        %mul3A_264 = arith.muli %mul3A_263, %scan3A_237 : i32
        %add3A_265 = arith.constant 0 : i32
        %add3A_266 = arith.addi %mul3A_264, %add3A_265 : i32
        %add3A_267 = arith.constant 0 : i32
        %add3A_268 = arith.addi %add3A_266, %add3A_267 : i32
        %get3A_269 = arith.index_cast %add3A_268 : i32 to index
        %get3A_270 = arith.constant 16 : index
        %get3A_271 = tpu.vector_load %arg7[%get3A_269, %get3A_270] {strides = array<i32>} : memref<400x64xf32, #tpu.memory_space<vmem>>, vector<16xf32>,
        %mul3A_272 = arith.mulf %get3A_271, %div3A_143 : vector<16xf32>
        %bitcast3A_273 = vector.bitcast %mul3A_272 : vector<16xf32> to vector<16xi32>
        %and3A_274 = arith.constant -2147483648 : i32
        %and3A_275 = vector.broadcast %and3A_274 : i32 to vector<16xi32>
        %and3A_276 = arith.andi %bitcast3A_273, %and3A_275 : vector<16xi32>
        %or3A_277 = arith.constant 1258291200 : i32
        %or3A_278 = vector.broadcast %or3A_277 : i32 to vector<16xi32>
        %or3A_279 = arith.ori %and3A_276, %or3A_278 : vector<16xi32>
        %bitcast3A_280 = vector.bitcast %or3A_279 : vector<16xi32> to vector<16xf32>
        %add3A_281 = arith.addf %mul3A_272, %bitcast3A_280 : vector<16xf32>
        %sub3A_282 = arith.subf %add3A_281, %bitcast3A_280 : vector<16xf32>
        %mul3A_283 = arith.mulf %sub3A_282, %max3A_140 : vector<16xf32>
        %mul3A_284 = arith.constant 2 : i32
        %mul3A_285 = arith.muli %mul3A_284, %scan3A_237 : i32
        %add3A_286 = arith.constant 0 : i32
        %add3A_287 = arith.addi %mul3A_285, %add3A_286 : i32
        %swap3A_288 = arith.index_cast %add3A_287 : i32 to index
        %swap3A_289 = arith.constant 16 : index
        %swap3A_290 = tpu.vector_load %arg9[%swap3A_288, %swap3A_289] {strides = array<i32>} : memref<200x128xf32, #tpu.memory_space<vmem>>, vector<16xf32>,
        tpu.vector_store %arg9[%swap3A_288, %swap3A_289], %mul3A_283 {strides = array<i32>} : memref<200x128xf32, #tpu.memory_space<vmem>>, vector<16xf32>,
        %mul3A_291 = arith.constant 4 : i32
        %mul3A_292 = arith.muli %mul3A_291, %scan3A_237 : i32
        %add3A_293 = arith.constant 0 : i32
        %add3A_294 = arith.addi %mul3A_292, %add3A_293 : i32
        %add3A_295 = arith.constant 0 : i32
        %add3A_296 = arith.addi %add3A_294, %add3A_295 : i32
        %get3A_297 = arith.index_cast %add3A_296 : i32 to index
        %get3A_298 = arith.constant 32 : index
        %get3A_299 = tpu.vector_load %arg7[%get3A_297, %get3A_298] {strides = array<i32>} : memref<400x64xf32, #tpu.memory_space<vmem>>, vector<16xf32>,
        %mul3A_300 = arith.mulf %get3A_299, %div3A_143 : vector<16xf32>
        %bitcast3A_301 = vector.bitcast %mul3A_300 : vector<16xf32> to vector<16xi32>
        %and3A_302 = arith.constant -2147483648 : i32
        %and3A_303 = vector.broadcast %and3A_302 : i32 to vector<16xi32>
        %and3A_304 = arith.andi %bitcast3A_301, %and3A_303 : vector<16xi32>
        %or3A_305 = arith.constant 1258291200 : i32
        %or3A_306 = vector.broadcast %or3A_305 : i32 to vector<16xi32>
        %or3A_307 = arith.ori %and3A_304, %or3A_306 : vector<16xi32>
        %bitcast3A_308 = vector.bitcast %or3A_307 : vector<16xi32> to vector<16xf32>
        %add3A_309 = arith.addf %mul3A_300, %bitcast3A_308 : vector<16xf32>
        %sub3A_310 = arith.subf %add3A_309, %bitcast3A_308 : vector<16xf32>
        %mul3A_311 = arith.mulf %sub3A_310, %max3A_140 : vector<16xf32>
        %mul3A_312 = arith.constant 2 : i32
        %mul3A_313 = arith.muli %mul3A_312, %scan3A_237 : i32
        %add3A_314 = arith.constant 0 : i32
        %add3A_315 = arith.addi %mul3A_313, %add3A_314 : i32
        %swap3A_316 = arith.index_cast %add3A_315 : i32 to index
        %swap3A_317 = arith.constant 32 : index
        %swap3A_318 = tpu.vector_load %arg9[%swap3A_316, %swap3A_317] {strides = array<i32>} : memref<200x128xf32, #tpu.memory_space<vmem>>, vector<16xf32>,
        tpu.vector_store %arg9[%swap3A_316, %swap3A_317], %mul3A_311 {strides = array<i32>} : memref<200x128xf32, #tpu.memory_space<vmem>>, vector<16xf32>,
        %mul3A_319 = arith.constant 4 : i32
        %mul3A_320 = arith.muli %mul3A_319, %scan3A_237 : i32
        %add3A_321 = arith.constant 0 : i32
        %add3A_322 = arith.addi %mul3A_320, %add3A_321 : i32
        %add3A_323 = arith.constant 0 : i32
        %add3A_324 = arith.addi %add3A_322, %add3A_323 : i32
        %get3A_325 = arith.index_cast %add3A_324 : i32 to index
        %get3A_326 = arith.constant 48 : index
        %get3A_327 = tpu.vector_load %arg7[%get3A_325, %get3A_326] {strides = array<i32>} : memref<400x64xf32, #tpu.memory_space<vmem>>, vector<16xf32>,
        %mul3A_328 = arith.mulf %get3A_327, %div3A_143 : vector<16xf32>
        %bitcast3A_329 = vector.bitcast %mul3A_328 : vector<16xf32> to vector<16xi32>
        %and3A_330 = arith.constant -2147483648 : i32
        %and3A_331 = vector.broadcast %and3A_330 : i32 to vector<16xi32>
        %and3A_332 = arith.andi %bitcast3A_329, %and3A_331 : vector<16xi32>
        %or3A_333 = arith.constant 1258291200 : i32
        %or3A_334 = vector.broadcast %or3A_333 : i32 to vector<16xi32>
        %or3A_335 = arith.ori %and3A_332, %or3A_334 : vector<16xi32>
        %bitcast3A_336 = vector.bitcast %or3A_335 : vector<16xi32> to vector<16xf32>
        %add3A_337 = arith.addf %mul3A_328, %bitcast3A_336 : vector<16xf32>
        %sub3A_338 = arith.subf %add3A_337, %bitcast3A_336 : vector<16xf32>
        %mul3A_339 = arith.mulf %sub3A_338, %max3A_140 : vector<16xf32>
        %mul3A_340 = arith.constant 2 : i32
        %mul3A_341 = arith.muli %mul3A_340, %scan3A_237 : i32
        %add3A_342 = arith.constant 0 : i32
        %add3A_343 = arith.addi %mul3A_341, %add3A_342 : i32
        %swap3A_344 = arith.index_cast %add3A_343 : i32 to index
        %swap3A_345 = arith.constant 48 : index
        %swap3A_346 = tpu.vector_load %arg9[%swap3A_344, %swap3A_345] {strides = array<i32>} : memref<200x128xf32, #tpu.memory_space<vmem>>, vector<16xf32>,
        tpu.vector_store %arg9[%swap3A_344, %swap3A_345], %mul3A_339 {strides = array<i32>} : memref<200x128xf32, #tpu.memory_space<vmem>>, vector<16xf32>,
        %mul3A_347 = arith.constant 4 : i32
        %mul3A_348 = arith.muli %mul3A_347, %scan3A_237 : i32
        %add3A_349 = arith.constant 0 : i32
        %add3A_350 = arith.addi %mul3A_348, %add3A_349 : i32
        %add3A_351 = arith.constant 1 : i32
        %add3A_352 = arith.addi %add3A_350, %add3A_351 : i32
        %get3A_353 = arith.index_cast %add3A_352 : i32 to index
        %get3A_354 = arith.constant 0 : index
        %get3A_355 = tpu.vector_load %arg7[%get3A_353, %get3A_354] {strides = array<i32>} : memref<400x64xf32, #tpu.memory_space<vmem>>, vector<16xf32>,
        %mul3A_356 = arith.mulf %get3A_355, %div3A_143 : vector<16xf32>
        %bitcast3A_357 = vector.bitcast %mul3A_356 : vector<16xf32> to vector<16xi32>
        %and3A_358 = arith.constant -2147483648 : i32
        %and3A_359 = vector.broadcast %and3A_358 : i32 to vector<16xi32>
        %and3A_360 = arith.andi %bitcast3A_357, %and3A_359 : vector<16xi32>
        %or3A_361 = arith.constant 1258291200 : i32
        %or3A_362 = vector.broadcast %or3A_361 : i32 to vector<16xi32>
        %or3A_363 = arith.ori %and3A_360, %or3A_362 : vector<16xi32>
        %bitcast3A_364 = vector.bitcast %or3A_363 : vector<16xi32> to vector<16xf32>
        %add3A_365 = arith.addf %mul3A_356, %bitcast3A_364 : vector<16xf32>
        %sub3A_366 = arith.subf %add3A_365, %bitcast3A_364 : vector<16xf32>
        %mul3A_367 = arith.mulf %sub3A_366, %max3A_140 : vector<16xf32>
        %mul3A_368 = arith.constant 2 : i32
        %mul3A_369 = arith.muli %mul3A_368, %scan3A_237 : i32
        %add3A_370 = arith.constant 0 : i32
        %add3A_371 = arith.addi %mul3A_369, %add3A_370 : i32
        %swap3A_372 = arith.index_cast %add3A_371 : i32 to index
        %swap3A_373 = arith.constant 64 : index
        %swap3A_374 = tpu.vector_load %arg9[%swap3A_372, %swap3A_373] {strides = array<i32>} : memref<200x128xf32, #tpu.memory_space<vmem>>, vector<16xf32>,
        tpu.vector_store %arg9[%swap3A_372, %swap3A_373], %mul3A_367 {strides = array<i32>} : memref<200x128xf32, #tpu.memory_space<vmem>>, vector<16xf32>,
        %mul3A_375 = arith.constant 4 : i32
        %mul3A_376 = arith.muli %mul3A_375, %scan3A_237 : i32
        %add3A_377 = arith.constant 0 : i32
        %add3A_378 = arith.addi %mul3A_376, %add3A_377 : i32
        %add3A_379 = arith.constant 1 : i32
        %add3A_380 = arith.addi %add3A_378, %add3A_379 : i32
        %get3A_381 = arith.index_cast %add3A_380 : i32 to index
        %get3A_382 = arith.constant 16 : index
        %get3A_383 = tpu.vector_load %arg7[%get3A_381, %get3A_382] {strides = array<i32>} : memref<400x64xf32, #tpu.memory_space<vmem>>, vector<16xf32>,
        %mul3A_384 = arith.mulf %get3A_383, %div3A_143 : vector<16xf32>
        %bitcast3A_385 = vector.bitcast %mul3A_384 : vector<16xf32> to vector<16xi32>
        %and3A_386 = arith.constant -2147483648 : i32
        %and3A_387 = vector.broadcast %and3A_386 : i32 to vector<16xi32>
        %and3A_388 = arith.andi %bitcast3A_385, %and3A_387 : vector<16xi32>
        %or3A_389 = arith.constant 1258291200 : i32
        %or3A_390 = vector.broadcast %or3A_389 : i32 to vector<16xi32>
        %or3A_391 = arith.ori %and3A_388, %or3A_390 : vector<16xi32>
        %bitcast3A_392 = vector.bitcast %or3A_391 : vector<16xi32> to vector<16xf32>
        %add3A_393 = arith.addf %mul3A_384, %bitcast3A_392 : vector<16xf32>
        %sub3A_394 = arith.subf %add3A_393, %bitcast3A_392 : vector<16xf32>
        %mul3A_395 = arith.mulf %sub3A_394, %max3A_140 : vector<16xf32>
        %mul3A_396 = arith.constant 2 : i32
        %mul3A_397 = arith.muli %mul3A_396, %scan3A_237 : i32
        %add3A_398 = arith.constant 0 : i32
        %add3A_399 = arith.addi %mul3A_397, %add3A_398 : i32
        %swap3A_400 = arith.index_cast %add3A_399 : i32 to index
        %swap3A_401 = arith.constant 80 : index
        %swap3A_402 = tpu.vector_load %arg9[%swap3A_400, %swap3A_401] {strides = array<i32>} : memref<200x128xf32, #tpu.memory_space<vmem>>, vector<16xf32>,
        tpu.vector_store %arg9[%swap3A_400, %swap3A_401], %mul3A_395 {strides = array<i32>} : memref<200x128xf32, #tpu.memory_space<vmem>>, vector<16xf32>,
        %mul3A_403 = arith.constant 4 : i32
        %mul3A_404 = arith.muli %mul3A_403, %scan3A_237 : i32
        %add3A_405 = arith.constant 0 : i32
        %add3A_406 = arith.addi %mul3A_404, %add3A_405 : i32
        %add3A_407 = arith.constant 1 : i32
        %add3A_408 = arith.addi %add3A_406, %add3A_407 : i32
        %get3A_409 = arith.index_cast %add3A_408 : i32 to index
        %get3A_410 = arith.constant 32 : index
        %get3A_411 = tpu.vector_load %arg7[%get3A_409, %get3A_410] {strides = array<i32>} : memref<400x64xf32, #tpu.memory_space<vmem>>, vector<16xf32>,
        %mul3A_412 = arith.mulf %get3A_411, %div3A_143 : vector<16xf32>
        %bitcast3A_413 = vector.bitcast %mul3A_412 : vector<16xf32> to vector<16xi32>
        %and3A_414 = arith.constant -2147483648 : i32
        %and3A_415 = vector.broadcast %and3A_414 : i32 to vector<16xi32>
        %and3A_416 = arith.andi %bitcast3A_413, %and3A_415 : vector<16xi32>
        %or3A_417 = arith.constant 1258291200 : i32
        %or3A_418 = vector.broadcast %or3A_417 : i32 to vector<16xi32>
        %or3A_419 = arith.ori %and3A_416, %or3A_418 : vector<16xi32>
        %bitcast3A_420 = vector.bitcast %or3A_419 : vector<16xi32> to vector<16xf32>
        %add3A_421 = arith.addf %mul3A_412, %bitcast3A_420 : vector<16xf32>
        %sub3A_422 = arith.subf %add3A_421, %bitcast3A_420 : vector<16xf32>
        %mul3A_423 = arith.mulf %sub3A_422, %max3A_140 : vector<16xf32>
        %mul3A_424 = arith.constant 2 : i32
        %mul3A_425 = arith.muli %mul3A_424, %scan3A_237 : i32
        %add3A_426 = arith.constant 0 : i32
        %add3A_427 = arith.addi %mul3A_425, %add3A_426 : i32
        %swap3A_428 = arith.index_cast %add3A_427 : i32 to index
        %swap3A_429 = arith.constant 96 : index
        %swap3A_430 = tpu.vector_load %arg9[%swap3A_428, %swap3A_429] {strides = array<i32>} : memref<200x128xf32, #tpu.memory_space<vmem>>, vector<16xf32>,
        tpu.vector_store %arg9[%swap3A_428, %swap3A_429], %mul3A_423 {strides = array<i32>} : memref<200x128xf32, #tpu.memory_space<vmem>>, vector<16xf32>,
        %mul3A_431 = arith.constant 4 : i32
        %mul3A_432 = arith.muli %mul3A_431, %scan3A_237 : i32
        %add3A_433 = arith.constant 0 : i32
        %add3A_434 = arith.addi %mul3A_432, %add3A_433 : i32
        %add3A_435 = arith.constant 1 : i32
        %add3A_436 = arith.addi %add3A_434, %add3A_435 : i32
        %get3A_437 = arith.index_cast %add3A_436 : i32 to index
        %get3A_438 = arith.constant 48 : index
        %get3A_439 = tpu.vector_load %arg7[%get3A_437, %get3A_438] {strides = array<i32>} : memref<400x64xf32, #tpu.memory_space<vmem>>, vector<16xf32>,
        %mul3A_440 = arith.mulf %get3A_439, %div3A_143 : vector<16xf32>
        %bitcast3A_441 = vector.bitcast %mul3A_440 : vector<16xf32> to vector<16xi32>
        %and3A_442 = arith.constant -2147483648 : i32
        %and3A_443 = vector.broadcast %and3A_442 : i32 to vector<16xi32>
        %and3A_444 = arith.andi %bitcast3A_441, %and3A_443 : vector<16xi32>
        %or3A_445 = arith.constant 1258291200 : i32
        %or3A_446 = vector.broadcast %or3A_445 : i32 to vector<16xi32>
        %or3A_447 = arith.ori %and3A_444, %or3A_446 : vector<16xi32>
        %bitcast3A_448 = vector.bitcast %or3A_447 : vector<16xi32> to vector<16xf32>
        %add3A_449 = arith.addf %mul3A_440, %bitcast3A_448 : vector<16xf32>
        %sub3A_450 = arith.subf %add3A_449, %bitcast3A_448 : vector<16xf32>
        %mul3A_451 = arith.mulf %sub3A_450, %max3A_140 : vector<16xf32>
        %mul3A_452 = arith.constant 2 : i32
        %mul3A_453 = arith.muli %mul3A_452, %scan3A_237 : i32
        %add3A_454 = arith.constant 0 : i32
        %add3A_455 = arith.addi %mul3A_453, %add3A_454 : i32
        %swap3A_456 = arith.index_cast %add3A_455 : i32 to index
        %swap3A_457 = arith.constant 112 : index
        %swap3A_458 = tpu.vector_load %arg9[%swap3A_456, %swap3A_457] {strides = array<i32>} : memref<200x128xf32, #tpu.memory_space<vmem>>, vector<16xf32>,
        tpu.vector_store %arg9[%swap3A_456, %swap3A_457], %mul3A_451 {strides = array<i32>} : memref<200x128xf32, #tpu.memory_space<vmem>>, vector<16xf32>,
        %mul3A_459 = arith.constant 4 : i32
        %mul3A_460 = arith.muli %mul3A_459, %scan3A_237 : i32
        %add3A_461 = arith.constant 2 : i32
        %add3A_462 = arith.addi %mul3A_460, %add3A_461 : i32
        %add3A_463 = arith.constant 0 : i32
        %add3A_464 = arith.addi %add3A_462, %add3A_463 : i32
        %get3A_465 = arith.index_cast %add3A_464 : i32 to index
        %get3A_466 = arith.constant 0 : index
        %get3A_467 = tpu.vector_load %arg7[%get3A_465, %get3A_466] {strides = array<i32>} : memref<400x64xf32, #tpu.memory_space<vmem>>, vector<16xf32>,
        %mul3A_468 = arith.mulf %get3A_467, %div3A_143 : vector<16xf32>
        %bitcast3A_469 = vector.bitcast %mul3A_468 : vector<16xf32> to vector<16xi32>
        %and3A_470 = arith.constant -2147483648 : i32
        %and3A_471 = vector.broadcast %and3A_470 : i32 to vector<16xi32>
        %and3A_472 = arith.andi %bitcast3A_469, %and3A_471 : vector<16xi32>
        %or3A_473 = arith.constant 1258291200 : i32
        %or3A_474 = vector.broadcast %or3A_473 : i32 to vector<16xi32>
        %or3A_475 = arith.ori %and3A_472, %or3A_474 : vector<16xi32>
        %bitcast3A_476 = vector.bitcast %or3A_475 : vector<16xi32> to vector<16xf32>
        %add3A_477 = arith.addf %mul3A_468, %bitcast3A_476 : vector<16xf32>
        %sub3A_478 = arith.subf %add3A_477, %bitcast3A_476 : vector<16xf32>
        %mul3A_479 = arith.mulf %sub3A_478, %max3A_140 : vector<16xf32>
        %mul3A_480 = arith.constant 2 : i32
        %mul3A_481 = arith.muli %mul3A_480, %scan3A_237 : i32
        %add3A_482 = arith.constant 1 : i32
        %add3A_483 = arith.addi %mul3A_481, %add3A_482 : i32
        %swap3A_484 = arith.index_cast %add3A_483 : i32 to index
        %swap3A_485 = arith.constant 0 : index
        %swap3A_486 = tpu.vector_load %arg9[%swap3A_484, %swap3A_485] {strides = array<i32>} : memref<200x128xf32, #tpu.memory_space<vmem>>, vector<16xf32>,
        tpu.vector_store %arg9[%swap3A_484, %swap3A_485], %mul3A_479 {strides = array<i32>} : memref<200x128xf32, #tpu.memory_space<vmem>>, vector<16xf32>,
        %mul3A_487 = arith.constant 4 : i32
        %mul3A_488 = arith.muli %mul3A_487, %scan3A_237 : i32
        %add3A_489 = arith.constant 2 : i32
        %add3A_490 = arith.addi %mul3A_488, %add3A_489 : i32
        %add3A_491 = arith.constant 0 : i32
        %add3A_492 = arith.addi %add3A_490, %add3A_491 : i32
        %get3A_493 = arith.index_cast %add3A_492 : i32 to index
        %get3A_494 = arith.constant 16 : index
        %get3A_495 = tpu.vector_load %arg7[%get3A_493, %get3A_494] {strides = array<i32>} : memref<400x64xf32, #tpu.memory_space<vmem>>, vector<16xf32>,
        %mul3A_496 = arith.mulf %get3A_495, %div3A_143 : vector<16xf32>
        %bitcast3A_497 = vector.bitcast %mul3A_496 : vector<16xf32> to vector<16xi32>
        %and3A_498 = arith.constant -2147483648 : i32
        %and3A_499 = vector.broadcast %and3A_498 : i32 to vector<16xi32>
        %and3A_500 = arith.andi %bitcast3A_497, %and3A_499 : vector<16xi32>
        %or3A_501 = arith.constant 1258291200 : i32
        %or3A_502 = vector.broadcast %or3A_501 : i32 to vector<16xi32>
        %or3A_503 = arith.ori %and3A_500, %or3A_502 : vector<16xi32>
        %bitcast3A_504 = vector.bitcast %or3A_503 : vector<16xi32> to vector<16xf32>
        %add3A_505 = arith.addf %mul3A_496, %bitcast3A_504 : vector<16xf32>
        %sub3A_506 = arith.subf %add3A_505, %bitcast3A_504 : vector<16xf32>
        %mul3A_507 = arith.mulf %sub3A_506, %max3A_140 : vector<16xf32>
        %mul3A_508 = arith.constant 2 : i32
        %mul3A_509 = arith.muli %mul3A_508, %scan3A_237 : i32
        %add3A_510 = arith.constant 1 : i32
        %add3A_511 = arith.addi %mul3A_509, %add3A_510 : i32
        %swap3A_512 = arith.index_cast %add3A_511 : i32 to index
        %swap3A_513 = arith.constant 16 : index
        %swap3A_514 = tpu.vector_load %arg9[%swap3A_512, %swap3A_513] {strides = array<i32>} : memref<200x128xf32, #tpu.memory_space<vmem>>, vector<16xf32>,
        tpu.vector_store %arg9[%swap3A_512, %swap3A_513], %mul3A_507 {strides = array<i32>} : memref<200x128xf32, #tpu.memory_space<vmem>>, vector<16xf32>,
        %mul3A_515 = arith.constant 4 : i32
        %mul3A_516 = arith.muli %mul3A_515, %scan3A_237 : i32
        %add3A_517 = arith.constant 2 : i32
        %add3A_518 = arith.addi %mul3A_516, %add3A_517 : i32
        %add3A_519 = arith.constant 0 : i32
        %add3A_520 = arith.addi %add3A_518, %add3A_519 : i32
        %get3A_521 = arith.index_cast %add3A_520 : i32 to index
        %get3A_522 = arith.constant 32 : index
        %get3A_523 = tpu.vector_load %arg7[%get3A_521, %get3A_522] {strides = array<i32>} : memref<400x64xf32, #tpu.memory_space<vmem>>, vector<16xf32>,
        %mul3A_524 = arith.mulf %get3A_523, %div3A_143 : vector<16xf32>
        %bitcast3A_525 = vector.bitcast %mul3A_524 : vector<16xf32> to vector<16xi32>
        %and3A_526 = arith.constant -2147483648 : i32
        %and3A_527 = vector.broadcast %and3A_526 : i32 to vector<16xi32>
        %and3A_528 = arith.andi %bitcast3A_525, %and3A_527 : vector<16xi32>
        %or3A_529 = arith.constant 1258291200 : i32
        %or3A_530 = vector.broadcast %or3A_529 : i32 to vector<16xi32>
        %or3A_531 = arith.ori %and3A_528, %or3A_530 : vector<16xi32>
        %bitcast3A_532 = vector.bitcast %or3A_531 : vector<16xi32> to vector<16xf32>
        %add3A_533 = arith.addf %mul3A_524, %bitcast3A_532 : vector<16xf32>
        %sub3A_534 = arith.subf %add3A_533, %bitcast3A_532 : vector<16xf32>
        %mul3A_535 = arith.mulf %sub3A_534, %max3A_140 : vector<16xf32>
        %mul3A_536 = arith.constant 2 : i32
        %mul3A_537 = arith.muli %mul3A_536, %scan3A_237 : i32
        %add3A_538 = arith.constant 1 : i32
        %add3A_539 = arith.addi %mul3A_537, %add3A_538 : i32
        %swap3A_540 = arith.index_cast %add3A_539 : i32 to index
        %swap3A_541 = arith.constant 32 : index
        %swap3A_542 = tpu.vector_load %arg9[%swap3A_540, %swap3A_541] {strides = array<i32>} : memref<200x128xf32, #tpu.memory_space<vmem>>, vector<16xf32>,
        tpu.vector_store %arg9[%swap3A_540, %swap3A_541], %mul3A_535 {strides = array<i32>} : memref<200x128xf32, #tpu.memory_space<vmem>>, vector<16xf32>,
        %mul3A_543 = arith.constant 4 : i32
        %mul3A_544 = arith.muli %mul3A_543, %scan3A_237 : i32
        %add3A_545 = arith.constant 2 : i32
        %add3A_546 = arith.addi %mul3A_544, %add3A_545 : i32
        %add3A_547 = arith.constant 0 : i32
        %add3A_548 = arith.addi %add3A_546, %add3A_547 : i32
        %get3A_549 = arith.index_cast %add3A_548 : i32 to index
        %get3A_550 = arith.constant 48 : index
        %get3A_551 = tpu.vector_load %arg7[%get3A_549, %get3A_550] {strides = array<i32>} : memref<400x64xf32, #tpu.memory_space<vmem>>, vector<16xf32>,
        %mul3A_552 = arith.mulf %get3A_551, %div3A_143 : vector<16xf32>
        %bitcast3A_553 = vector.bitcast %mul3A_552 : vector<16xf32> to vector<16xi32>
        %and3A_554 = arith.constant -2147483648 : i32
        %and3A_555 = vector.broadcast %and3A_554 : i32 to vector<16xi32>
        %and3A_556 = arith.andi %bitcast3A_553, %and3A_555 : vector<16xi32>
        %or3A_557 = arith.constant 1258291200 : i32
        %or3A_558 = vector.broadcast %or3A_557 : i32 to vector<16xi32>
        %or3A_559 = arith.ori %and3A_556, %or3A_558 : vector<16xi32>
        %bitcast3A_560 = vector.bitcast %or3A_559 : vector<16xi32> to vector<16xf32>
        %add3A_561 = arith.addf %mul3A_552, %bitcast3A_560 : vector<16xf32>
        %sub3A_562 = arith.subf %add3A_561, %bitcast3A_560 : vector<16xf32>
        %mul3A_563 = arith.mulf %sub3A_562, %max3A_140 : vector<16xf32>
        %mul3A_564 = arith.constant 2 : i32
        %mul3A_565 = arith.muli %mul3A_564, %scan3A_237 : i32
        %add3A_566 = arith.constant 1 : i32
        %add3A_567 = arith.addi %mul3A_565, %add3A_566 : i32
        %swap3A_568 = arith.index_cast %add3A_567 : i32 to index
        %swap3A_569 = arith.constant 48 : index
        %swap3A_570 = tpu.vector_load %arg9[%swap3A_568, %swap3A_569] {strides = array<i32>} : memref<200x128xf32, #tpu.memory_space<vmem>>, vector<16xf32>,
        tpu.vector_store %arg9[%swap3A_568, %swap3A_569], %mul3A_563 {strides = array<i32>} : memref<200x128xf32, #tpu.memory_space<vmem>>, vector<16xf32>,
        %mul3A_571 = arith.constant 4 : i32
        %mul3A_572 = arith.muli %mul3A_571, %scan3A_237 : i32
        %add3A_573 = arith.constant 2 : i32
        %add3A_574 = arith.addi %mul3A_572, %add3A_573 : i32
        %add3A_575 = arith.constant 1 : i32
        %add3A_576 = arith.addi %add3A_574, %add3A_575 : i32
        %get3A_577 = arith.index_cast %add3A_576 : i32 to index
        %get3A_578 = arith.constant 0 : index
        %get3A_579 = tpu.vector_load %arg7[%get3A_577, %get3A_578] {strides = array<i32>} : memref<400x64xf32, #tpu.memory_space<vmem>>, vector<16xf32>,
        %mul3A_580 = arith.mulf %get3A_579, %div3A_143 : vector<16xf32>
        %bitcast3A_581 = vector.bitcast %mul3A_580 : vector<16xf32> to vector<16xi32>
        %and3A_582 = arith.constant -2147483648 : i32
        %and3A_583 = vector.broadcast %and3A_582 : i32 to vector<16xi32>
        %and3A_584 = arith.andi %bitcast3A_581, %and3A_583 : vector<16xi32>
        %or3A_585 = arith.constant 1258291200 : i32
        %or3A_586 = vector.broadcast %or3A_585 : i32 to vector<16xi32>
        %or3A_587 = arith.ori %and3A_584, %or3A_586 : vector<16xi32>
        %bitcast3A_588 = vector.bitcast %or3A_587 : vector<16xi32> to vector<16xf32>
        %add3A_589 = arith.addf %mul3A_580, %bitcast3A_588 : vector<16xf32>
        %sub3A_590 = arith.subf %add3A_589, %bitcast3A_588 : vector<16xf32>
        %mul3A_591 = arith.mulf %sub3A_590, %max3A_140 : vector<16xf32>
        %mul3A_592 = arith.constant 2 : i32
        %mul3A_593 = arith.muli %mul3A_592, %scan3A_237 : i32
        %add3A_594 = arith.constant 1 : i32
        %add3A_595 = arith.addi %mul3A_593, %add3A_594 : i32
        %swap3A_596 = arith.index_cast %add3A_595 : i32 to index
        %swap3A_597 = arith.constant 64 : index
        %swap3A_598 = tpu.vector_load %arg9[%swap3A_596, %swap3A_597] {strides = array<i32>} : memref<200x128xf32, #tpu.memory_space<vmem>>, vector<16xf32>,
        tpu.vector_store %arg9[%swap3A_596, %swap3A_597], %mul3A_591 {strides = array<i32>} : memref<200x128xf32, #tpu.memory_space<vmem>>, vector<16xf32>,
        %mul3A_599 = arith.constant 4 : i32
        %mul3A_600 = arith.muli %mul3A_599, %scan3A_237 : i32
        %add3A_601 = arith.constant 2 : i32
        %add3A_602 = arith.addi %mul3A_600, %add3A_601 : i32
        %add3A_603 = arith.constant 1 : i32
        %add3A_604 = arith.addi %add3A_602, %add3A_603 : i32
        %get3A_605 = arith.index_cast %add3A_604 : i32 to index
        %get3A_606 = arith.constant 16 : index
        %get3A_607 = tpu.vector_load %arg7[%get3A_605, %get3A_606] {strides = array<i32>} : memref<400x64xf32, #tpu.memory_space<vmem>>, vector<16xf32>,
        %mul3A_608 = arith.mulf %get3A_607, %div3A_143 : vector<16xf32>
        %bitcast3A_609 = vector.bitcast %mul3A_608 : vector<16xf32> to vector<16xi32>
        %and3A_610 = arith.constant -2147483648 : i32
        %and3A_611 = vector.broadcast %and3A_610 : i32 to vector<16xi32>
        %and3A_612 = arith.andi %bitcast3A_609, %and3A_611 : vector<16xi32>
        %or3A_613 = arith.constant 1258291200 : i32
        %or3A_614 = vector.broadcast %or3A_613 : i32 to vector<16xi32>
        %or3A_615 = arith.ori %and3A_612, %or3A_614 : vector<16xi32>
        %bitcast3A_616 = vector.bitcast %or3A_615 : vector<16xi32> to vector<16xf32>
        %add3A_617 = arith.addf %mul3A_608, %bitcast3A_616 : vector<16xf32>
        %sub3A_618 = arith.subf %add3A_617, %bitcast3A_616 : vector<16xf32>
        %mul3A_619 = arith.mulf %sub3A_618, %max3A_140 : vector<16xf32>
        %mul3A_620 = arith.constant 2 : i32
        %mul3A_621 = arith.muli %mul3A_620, %scan3A_237 : i32
        %add3A_622 = arith.constant 1 : i32
        %add3A_623 = arith.addi %mul3A_621, %add3A_622 : i32
        %swap3A_624 = arith.index_cast %add3A_623 : i32 to index
        %swap3A_625 = arith.constant 80 : index
        %swap3A_626 = tpu.vector_load %arg9[%swap3A_624, %swap3A_625] {strides = array<i32>} : memref<200x128xf32, #tpu.memory_space<vmem>>, vector<16xf32>,
        tpu.vector_store %arg9[%swap3A_624, %swap3A_625], %mul3A_619 {strides = array<i32>} : memref<200x128xf32, #tpu.memory_space<vmem>>, vector<16xf32>,
        %mul3A_627 = arith.constant 4 : i32
        %mul3A_628 = arith.muli %mul3A_627, %scan3A_237 : i32
        %add3A_629 = arith.constant 2 : i32
        %add3A_630 = arith.addi %mul3A_628, %add3A_629 : i32
        %add3A_631 = arith.constant 1 : i32
        %add3A_632 = arith.addi %add3A_630, %add3A_631 : i32
        %get3A_633 = arith.index_cast %add3A_632 : i32 to index
        %get3A_634 = arith.constant 32 : index
        %get3A_635 = tpu.vector_load %arg7[%get3A_633, %get3A_634] {strides = array<i32>} : memref<400x64xf32, #tpu.memory_space<vmem>>, vector<16xf32>,
        %mul3A_636 = arith.mulf %get3A_635, %div3A_143 : vector<16xf32>
        %bitcast3A_637 = vector.bitcast %mul3A_636 : vector<16xf32> to vector<16xi32>
        %and3A_638 = arith.constant -2147483648 : i32
        %and3A_639 = vector.broadcast %and3A_638 : i32 to vector<16xi32>
        %and3A_640 = arith.andi %bitcast3A_637, %and3A_639 : vector<16xi32>
        %or3A_641 = arith.constant 1258291200 : i32
        %or3A_642 = vector.broadcast %or3A_641 : i32 to vector<16xi32>
        %or3A_643 = arith.ori %and3A_640, %or3A_642 : vector<16xi32>
        %bitcast3A_644 = vector.bitcast %or3A_643 : vector<16xi32> to vector<16xf32>
        %add3A_645 = arith.addf %mul3A_636, %bitcast3A_644 : vector<16xf32>
        %sub3A_646 = arith.subf %add3A_645, %bitcast3A_644 : vector<16xf32>
        %mul3A_647 = arith.mulf %sub3A_646, %max3A_140 : vector<16xf32>
        %mul3A_648 = arith.constant 2 : i32
        %mul3A_649 = arith.muli %mul3A_648, %scan3A_237 : i32
        %add3A_650 = arith.constant 1 : i32
        %add3A_651 = arith.addi %mul3A_649, %add3A_650 : i32
        %swap3A_652 = arith.index_cast %add3A_651 : i32 to index
        %swap3A_653 = arith.constant 96 : index
        %swap3A_654 = tpu.vector_load %arg9[%swap3A_652, %swap3A_653] {strides = array<i32>} : memref<200x128xf32, #tpu.memory_space<vmem>>, vector<16xf32>,
        tpu.vector_store %arg9[%swap3A_652, %swap3A_653], %mul3A_647 {strides = array<i32>} : memref<200x128xf32, #tpu.memory_space<vmem>>, vector<16xf32>,
        %mul3A_655 = arith.constant 4 : i32
        %mul3A_656 = arith.muli %mul3A_655, %scan3A_237 : i32
        %add3A_657 = arith.constant 2 : i32
        %add3A_658 = arith.addi %mul3A_656, %add3A_657 : i32
        %add3A_659 = arith.constant 1 : i32
        %add3A_660 = arith.addi %add3A_658, %add3A_659 : i32
        %get3A_661 = arith.index_cast %add3A_660 : i32 to index
        %get3A_662 = arith.constant 48 : index
        %get3A_663 = tpu.vector_load %arg7[%get3A_661, %get3A_662] {strides = array<i32>} : memref<400x64xf32, #tpu.memory_space<vmem>>, vector<16xf32>,
        %mul3A_664 = arith.mulf %get3A_663, %div3A_143 : vector<16xf32>
        %bitcast3A_665 = vector.bitcast %mul3A_664 : vector<16xf32> to vector<16xi32>
        %and3A_666 = arith.constant -2147483648 : i32
        %and3A_667 = vector.broadcast %and3A_666 : i32 to vector<16xi32>
        %and3A_668 = arith.andi %bitcast3A_665, %and3A_667 : vector<16xi32>
        %or3A_669 = arith.constant 1258291200 : i32
        %or3A_670 = vector.broadcast %or3A_669 : i32 to vector<16xi32>
        %or3A_671 = arith.ori %and3A_668, %or3A_670 : vector<16xi32>
        %bitcast3A_672 = vector.bitcast %or3A_671 : vector<16xi32> to vector<16xf32>
        %add3A_673 = arith.addf %mul3A_664, %bitcast3A_672 : vector<16xf32>
        %sub3A_674 = arith.subf %add3A_673, %bitcast3A_672 : vector<16xf32>
        %mul3A_675 = arith.mulf %sub3A_674, %max3A_140 : vector<16xf32>
        %mul3A_676 = arith.constant 2 : i32
        %mul3A_677 = arith.muli %mul3A_676, %scan3A_237 : i32
        %add3A_678 = arith.constant 1 : i32
        %add3A_679 = arith.addi %mul3A_677, %add3A_678 : i32
        %swap3A_680 = arith.index_cast %add3A_679 : i32 to index
        %swap3A_681 = arith.constant 112 : index
        %swap3A_682 = tpu.vector_load %arg9[%swap3A_680, %swap3A_681] {strides = array<i32>} : memref<200x128xf32, #tpu.memory_space<vmem>>, vector<16xf32>,
        tpu.vector_store %arg9[%swap3A_680, %swap3A_681], %mul3A_675 {strides = array<i32>} : memref<200x128xf32, #tpu.memory_space<vmem>>, vector<16xf32>,
        %scan3A_683 = arith.constant 0 : i32
        scf.yield %scan3A_683 : i32
      }
      %scan3A_226 = arith.constant 100 : i32
      %dma_start3A_227 = arith.constant 0 : i32
      %dma_start3A_228 = tpu.memref_slice %arg4[%add3A_212, %dma_start3A_227] : memref<409600x128xf32, #tpu.memory_space<hbm>> -> memref<200x128xf32, #tpu.memory_space<hbm>>
      %dma_start3A_229 = arith.constant 0 : i32
      %dma_start3A_230 = tpu.memref_slice %arg4[%add3A_212, %dma_start3A_229] : memref<409600x128xf32, #tpu.memory_space<hbm>> -> memref<200x128xf32, #tpu.memory_space<hbm>>
      tpu.enqueue_dma source(%arg9 : memref<200x128xf32, #tpu.memory_space<vmem>>) target(%dma_start3A_230 : memref<200x128xf32, #tpu.memory_space<hbm>>) target_semaphore(%arg16 : memref<!tpu.dma_semaphore, #tpu.memory_space<semaphore_mem>>)
      %lt3A_231 = arith.constant 31 : i32
      %lt3A_232 = arith.cmpi slt, %scan3A_177, %lt3A_231 : i32
      %convert_element_type3A_233 = arith.extui %lt3A_232 : i1 to i32
      %cond3A_234 = arith.constant 0 : i32
      %cond3A_235 = arith.cmpi ne, %convert_element_type3A_233, %cond3A_234 : i32
      scf.if %cond3A_235 {
        %dma_wait3A_237 = arith.constant 0 : i32
        %dma_wait3A_238 = tpu.memref_slice %arg4[%mul3A_4, %dma_wait3A_237] : memref<409600x128xf32, #tpu.memory_space<hbm>> -> memref<200x128xf32, #tpu.memory_space<hbm>>
        %dma_wait3A_239 = arith.constant 0 : i32
        %dma_wait3A_240 = tpu.memref_slice %arg4[%mul3A_4, %dma_wait3A_239] : memref<409600x128xf32, #tpu.memory_space<hbm>> -> memref<200x128xf32, #tpu.memory_space<hbm>>
        tpu.wait_dma2 semaphore(%arg16 : memref<!tpu.dma_semaphore, #tpu.memory_space<semaphore_mem>>) src(%arg9 : memref<200x128xf32, #tpu.memory_space<vmem>>) dst(%dma_wait3A_240 : memref<200x128xf32, #tpu.memory_space<hbm>>)
        %add3A_241 = arith.constant 2 : i32
        %add3A_242 = arith.addi %add3A_209, %add3A_241 : i32
        %mul3A_243 = arith.constant 400 : i32
        %mul3A_244 = arith.muli %add3A_242, %mul3A_243 : i32
        %add3A_245 = arith.addi %mul3A_2, %mul3A_244 : i32
        %run_scoped3A_246 = arith.constant 1 : i32
        "tpu.region"() ({
          %run_scoped3A_254 = tpu.sem_alloc : memref<!tpu.dma_semaphore, #tpu.memory_space<semaphore_mem>>
          %dma_start3A_255 = arith.constant 0 : i32
          %dma_start3A_256 = tpu.memref_slice %arg5[%run_scoped3A_246, %dma_start3A_255] : memref<2x400xi32, #tpu.memory_space<vmem>> -> memref<1x400xi32, #tpu.memory_space<vmem>>
          %dma_start3A_257 = tpu.memref_squeeze %dma_start3A_256 : memref<1x400xi32, #tpu.memory_space<vmem>> -> memref<400xi32, #tpu.memory_space<vmem>>
          %dma_start3A_258 = tpu.memref_slice %arg3[%add3A_245] : memref<819200xi32, #tpu.memory_space<hbm>> -> memref<400xi32, #tpu.memory_space<hbm>>
          %dma_start3A_259 = arith.constant 0 : i32
          %dma_start3A_260 = tpu.memref_slice %arg5[%run_scoped3A_246, %dma_start3A_259] : memref<2x400xi32, #tpu.memory_space<vmem>> -> memref<1x400xi32, #tpu.memory_space<vmem>>
          %dma_start3A_261 = tpu.memref_squeeze %dma_start3A_260 : memref<1x400xi32, #tpu.memory_space<vmem>> -> memref<400xi32, #tpu.memory_space<vmem>>
          %dma_start3A_262 = tpu.memref_slice %arg3[%add3A_245] : memref<819200xi32, #tpu.memory_space<hbm>> -> memref<400xi32, #tpu.memory_space<hbm>>
          tpu.enqueue_dma source(%dma_start3A_262 : memref<400xi32, #tpu.memory_space<hbm>>) target(%dma_start3A_261 : memref<400xi32, #tpu.memory_space<vmem>>) target_semaphore(%run_scoped3A_254 : memref<!tpu.dma_semaphore, #tpu.memory_space<semaphore_mem>>)
          %dma_wait3A_263 = arith.constant 0 : i32
          %dma_wait3A_264 = tpu.memref_slice %arg5[%run_scoped3A_246, %dma_wait3A_263] : memref<2x400xi32, #tpu.memory_space<vmem>> -> memref<1x400xi32, #tpu.memory_space<vmem>>
          %dma_wait3A_265 = tpu.memref_squeeze %dma_wait3A_264 : memref<1x400xi32, #tpu.memory_space<vmem>> -> memref<400xi32, #tpu.memory_space<vmem>>
          %dma_wait3A_266 = tpu.memref_slice %arg3[%add3A_245] : memref<819200xi32, #tpu.memory_space<hbm>> -> memref<400xi32, #tpu.memory_space<hbm>>
          %dma_wait3A_267 = arith.constant 0 : i32
          %dma_wait3A_268 = tpu.memref_slice %arg5[%run_scoped3A_246, %dma_wait3A_267] : memref<2x400xi32, #tpu.memory_space<vmem>> -> memref<1x400xi32, #tpu.memory_space<vmem>>
          %dma_wait3A_269 = tpu.memref_squeeze %dma_wait3A_268 : memref<1x400xi32, #tpu.memory_space<vmem>> -> memref<400xi32, #tpu.memory_space<vmem>>
          %dma_wait3A_270 = tpu.memref_slice %arg3[%add3A_245] : memref<819200xi32, #tpu.memory_space<hbm>> -> memref<400xi32, #tpu.memory_space<hbm>>
          tpu.wait_dma2 semaphore(%run_scoped3A_254 : memref<!tpu.dma_semaphore, #tpu.memory_space<semaphore_mem>>) src(%dma_wait3A_270 : memref<400xi32, #tpu.memory_space<hbm>>) dst(%dma_wait3A_269 : memref<400xi32, #tpu.memory_space<vmem>>)
          tpu.yield
        }) : () -> ()
        %dma_start3A_247 = arith.constant 1 : i32
        %dma_start3A_248 = arith.constant 0 : i32
        %dma_start3A_249 = tpu.memref_slice %arg5[%dma_start3A_247, %dma_start3A_248] : memref<2x400xi32, #tpu.memory_space<vmem>> -> memref<1x400xi32, #tpu.memory_space<vmem>>
        %dma_start3A_250 = tpu.memref_squeeze %dma_start3A_249 : memref<1x400xi32, #tpu.memory_space<vmem>> -> memref<400xi32, #tpu.memory_space<vmem>>
        %dma_start3A_251 = arith.constant 0 : i32
        %dma_start3A_252 = arith.constant 0 : i32
        %dma_start3A_253 = tpu.memref_slice %arg2[%dma_start3A_251, %dma_start3A_252] : memref<1000000x64xf32, #tpu.memory_space<hbm>> -> memref<1000000x64xf32, #tpu.memory_space<hbm>>
        tpu.enqueue_indirect_dma source(%dma_start3A_253 : memref<1000000x64xf32, #tpu.memory_space<hbm>>) target(%arg7 : memref<400x64xf32, #tpu.memory_space<vmem>>) offsets(%dma_start3A_250 : memref<400xi32, #tpu.memory_space<vmem>>) semaphore(%arg14 : memref<!tpu.dma_semaphore, #tpu.memory_space<semaphore_mem>>)
      } else {
      }
      %scan3A_236 = arith.constant 0 : i32
      scf.yield %scan3A_236 : i32
    }
    %scan3A_169 = arith.constant 32 : i32
    %dma_wait3A = arith.constant 0 : i32
    %dma_wait3A_170 = tpu.memref_slice %arg4[%mul3A_4, %dma_wait3A] : memref<409600x128xf32, #tpu.memory_space<hbm>> -> memref<200x128xf32, #tpu.memory_space<hbm>>
    %dma_wait3A_171 = arith.constant 0 : i32
    %dma_wait3A_172 = tpu.memref_slice %arg4[%mul3A_4, %dma_wait3A_171] : memref<409600x128xf32, #tpu.memory_space<hbm>> -> memref<200x128xf32, #tpu.memory_space<hbm>>
    tpu.wait_dma2 semaphore(%arg15 : memref<!tpu.dma_semaphore, #tpu.memory_space<semaphore_mem>>) src(%arg8 : memref<200x128xf32, #tpu.memory_space<vmem>>) dst(%dma_wait3A_172 : memref<200x128xf32, #tpu.memory_space<hbm>>)
    %dma_wait3A_173 = arith.constant 0 : i32
    %dma_wait3A_174 = tpu.memref_slice %arg4[%mul3A_4, %dma_wait3A_173] : memref<409600x128xf32, #tpu.memory_space<hbm>> -> memref<200x128xf32, #tpu.memory_space<hbm>>
    %dma_wait3A_175 = arith.constant 0 : i32
    %dma_wait3A_176 = tpu.memref_slice %arg4[%mul3A_4, %dma_wait3A_175] : memref<409600x128xf32, #tpu.memory_space<hbm>> -> memref<200x128xf32, #tpu.memory_space<hbm>>
    tpu.wait_dma2 semaphore(%arg16 : memref<!tpu.dma_semaphore, #tpu.memory_space<semaphore_mem>>) src(%arg9 : memref<200x128xf32, #tpu.memory_space<vmem>>) dst(%dma_wait3A_176 : memref<200x128xf32, #tpu.memory_space<hbm>>)
    return
  }
}

</mosaic_0001>

<sc_bundles>
// kernel: kernel.3.cloned.1.call-start
scs
__scs_entry_jumppad:
0x0: {  	(pc) =	sbr.rel $0x88, $3  }
0x1: {  	(tag) =	ssettag $0x0;
	lr =	simm.s32 $0x1  }
0x2: {  	[smem:$0x3F9F] =	sst lr;
	_ =	strace $0xD0000000  }
0x3: {  	_ = 	snop  }
0x4: {  	_ = 	snop  }
0x5: {  	_ = 	snop  }
0x6: {  	_ = 	snop  }
0x7: {  	_ = 	snop  }
__scs_overlays_trampoline_lowered:
0x8: {  	[smem:$0x3FAE] =	sst s0  }
0x9: {  	[smem:$0x3FAF] =	sst s1  }
0xa: {  	[smem:$0x3FB0] =	sst s2  }
0xb: {  	[smem:$0x3FB1] =	sst s3  }
0xc: {  	[smem:$0x3FB2] =	sst s4  }
0xd: {  	[smem:$0x3FB3] =	sst s5  }
0xe: {  	[smem:$0x3FB4] =	sst s6  }
0xf: {  	[smem:$0x3FB5] =	sst s7  }
0x10: {  	[smem:$0x3FB6] =	sst s8  }
0x11: {  	[smem:$0x3FB7] =	sst s9;
	s0 =	simm.s32 @!p0 $0x0  }
0x12: {  	s1 =	sld [smem:$0x3F9D];
	s0 =	simm.s32 @p0 $0x1  }
0x13: {  	[smem:$0x3FB8] =	sst s0;
	s0 =	simm.s32 @!p1 $0x0  }
0x14: {  	s2 =	sld [smem:$0x3F9C];
	s0 =	simm.s32 @p1 $0x1  }
0x15: {  	[smem:$0x3FB9] =	sst s0;
	s0 =	simm.s32 @!p2 $0x0  }
0x16: {  	s3 =	sld [smem:$0x3FDB];
	s0 =	simm.s32 @p2 $0x1  }
0x17: {  	s4 =	simm.s32 $0x1BF5;
	[smem:$0x3FBB] =	sst s0  }
0x18: {  	s0 =	sld [smem:$0x3F9E];
	_ =	swait.ge [sflag:s4], $0x0  }
0x19: {  	s7 =	sld [smem:$0x3F9F]  }
0x1a: {  	s8 =	sadd.s32 $0xFFFFE003, lr  }
0x1b: {  	s9 =	sadd.s32 $0xFFFFFEF7, lr;
	s5 =	simm.s32 $0xFFFFFFFF;
	p2 =	slt.u32 s8, $0xFFFFF086  }
0x1c: {  	p1 =	slt.u32 s9, $0xF7A;
	s5 =	simm.s32 @!p2 $0x0  }
0x1d: {  	s5 =	simm.s32 @p1 $0x1;
	p0 =	seq.s32 s7, s2  }
0x1e: {  	s7 =	smul.u32 @!p0 $0xF7A, s2;
	p2 =	seq.s32 @!p0 s5, $0x0  }
0x1f: {  	s9 =	smul.u32 $0xF7A, s1;
	s8 =	simm.s32 @!p0 $0x1BF5;
	p2 =	por !p2, p0  }
0x20: {  	[sflag:s8] =	ssyncset.s32 @!p0 $0xFFFFF086;
	s6 =	sadd.s32 @!p0 s3, s7;
	s7 =	simm.s32 @!p0 $0x108  }
0x21: {  	s3 =	sadd.s32 s3, s9;
	s6 =	sadd.s32 @!p0 $0x88, s6;
	s7 =	simm.s32 @p2 $0x1082  }
0x22: {  	[simem:s7], [sflag:s8] =	dma.local @!p0 [hbm:s6], $0xF7A  }
0x23: {  	s9 =	sor.u32 $0xD0000000, s2;
	s6 =	simm.s32 $0x108;
	_ =	swait.ge @!p0 [sflag:s8], $0x0  }
0x24: {  	s3 =	sadd.s32 $0x88, s3;
	s6 =	simm.s32 @!p1 $0x1082;
	[sflag:s4] =	ssyncset.s32 $0xFFFFF086  }
0x25: {  	[simem:s6], [sflag:s4] =	dma.local [hbm:s3], $0xF7A  }
0x26: {  	[smem:$0x3F9F] =	sst s1;
	(tag) =	ssettag s2;
	_ =	strace s9  }
0x27: {  	s1 =	sld [smem:$0x3FAF]  }
0x28: {  	s2 =	sld [smem:$0x3FB0]  }
0x29: {  	s4 =	sld [smem:$0x3FB2]  }
0x2a: {  	p0 =	seq.s32 s5, $0x0;
	s5 =	sld [smem:$0x3FB3]  }
0x2b: {  	s6 =	sld [smem:$0x3FB4]  }
0x2c: {  	s7 =	sld [smem:$0x3FB5]  }
0x2d: {  	s3 =	simm.s32 $0x108;
	s8 =	sld [smem:$0x3FB6]  }
0x2e: {  	s3 =	simm.s32 @!p0 $0x1082;
	s9 =	sld [smem:$0x3FB7]  }
0x2f: {  	lr =	sadd.s32 s0, s3;
	s0 =	sld [smem:$0x3FAE]  }
0x30: {  	s3 =	sld [smem:$0x3FB1]  }
0x31: {  	[smem:$0x3FBA] =	sst s10  }
0x32: {  	s10 =	sld [smem:$0x3FB8];
	_ =	sdelay $0x3  }
0x33: {  	p0 =	seq.s32 s10, $0x1;
	s10 =	sld [smem:$0x3FBA];
	_ =	sdelay $0x3  }
0x34: {  	[smem:$0x3FBA] =	sst s10  }
0x35: {  	s10 =	sld [smem:$0x3FB9];
	_ =	sdelay $0x3  }
0x36: {  	p1 =	seq.s32 s10, $0x1;
	s10 =	sld [smem:$0x3FBA];
	_ =	sdelay $0x3  }
0x37: {  	[smem:$0x3FBA] =	sst s10  }
0x38: {  	s10 =	sld [smem:$0x3FBB]  }
0x39: {  	_ = 	snop;
	(pc) =	sbr.ind lr, $3  }
0x3a: {  	_ = 	snop  }
0x3b: {  	_ = 	snop  }
0x3c: {  	p2 =	seq.s32 s10, $0x1;
	s10 =	sld [smem:$0x3FBA]  }
0x3d: {  	_ =	shalt  }
0x3e: {  	_ =	shalt  }
0x3f: {  	_ =	shalt  }
0x40: {  	_ =	shalt  }
0x41: {  	_ =	shalt  }
0x42: {  	_ =	shalt  }
0x43: {  	_ =	shalt  }
0x44: {  	_ =	shalt  }
0x45: {  	_ =	shalt  }
0x46: {  	_ =	shalt  }
0x47: {  	_ =	shalt  }
0x48: {  	_ =	shalt  }
0x49: {  	_ =	shalt  }
0x4a: {  	_ =	shalt  }
0x4b: {  	_ =	shalt  }
0x4c: {  	_ =	shalt  }
0x4d: {  	_ =	shalt  }
0x4e: {  	_ =	shalt  }
0x4f: {  	_ =	shalt  }
0x50: {  	_ =	shalt  }
0x51: {  	_ =	shalt  }
0x52: {  	_ =	shalt  }
0x53: {  	_ =	shalt  }
0x54: {  	_ =	shalt  }
0x55: {  	_ =	shalt  }
0x56: {  	_ =	shalt  }
0x57: {  	_ =	shalt  }
0x58: {  	_ =	shalt  }
0x59: {  	_ =	shalt  }
0x5a: {  	_ =	shalt  }
0x5b: {  	_ =	shalt  }
0x5c: {  	_ =	shalt  }
0x5d: {  	_ =	shalt  }
0x5e: {  	_ =	shalt  }
0x5f: {  	_ =	shalt  }
0x60: {  	_ =	shalt  }
0x61: {  	_ =	shalt  }
0x62: {  	_ =	shalt  }
0x63: {  	_ =	shalt  }
0x64: {  	_ =	shalt  }
0x65: {  	_ =	shalt  }
0x66: {  	_ =	shalt  }
0x67: {  	_ =	shalt  }
0x68: {  	_ =	shalt  }
0x69: {  	_ =	shalt  }
0x6a: {  	_ =	shalt  }
0x6b: {  	_ =	shalt  }
0x6c: {  	_ =	shalt  }
0x6d: {  	_ =	shalt  }
0x6e: {  	_ =	shalt  }
0x6f: {  	_ =	shalt  }
0x70: {  	_ =	shalt  }
0x71: {  	_ =	shalt  }
0x72: {  	_ =	shalt  }
0x73: {  	_ =	shalt  }
0x74: {  	_ =	shalt  }
0x75: {  	_ =	shalt  }
0x76: {  	_ =	shalt  }
0x77: {  	_ =	shalt  }
0x78: {  	_ =	shalt  }
0x79: {  	_ =	shalt  }
0x7a: {  	_ =	shalt  }
0x7b: {  	_ =	shalt  }
0x7c: {  	_ =	shalt  }
0x7d: {  	_ =	shalt  }
0x7e: {  	_ =	shalt  }
0x7f: {  	_ =	shalt  }
0x80: {  	_ =	shalt  }
0x81: {  	_ =	shalt  }
0x82: {  	_ =	shalt  }
0x83: {  	_ =	shalt  }
0x84: {  	_ =	shalt  }
0x85: {  	_ =	shalt  }
0x86: {  	_ =	shalt  }
0x87: {  	_ =	shalt  }
.Lfunc_end0:
.L_simem_size_0:
called_computation.1_lowered:
.L_overlay_start_0:
0x88: {  	s2 =	sld [smem:$0x3FD9]  }
0x89: {  	s3 =	sld [smem:$0x3FFE];
	_ =	sdelay $0x1  }
0x8a: {  	s1 =	srdreg.scid  }
0x8b: {  	s0 =	sand.u32 $0x1, s1  }
0x8c: {  	s17 =	sshll.u32 s0, $0xA;
	s2 =	sadd.s32 s3, s2  }
0x8d: {  	s2 =	sadd.s32 s2, s17  }
0x8e: {  	[smem:$0x3FC6] =	sst s2  }
0x8f: {  	_ = 	snop  }
0x90: {  	s2 =	sld [smem:$0x3FD0];
	(tm) =	ssettm $0x1  }
0x91: {  	s18 =	sld [smem:$0x3FFB];
	_ =	sdelay $0x3  }
0x92: {  	_ =	strace s18  }
0x93: {  	s3 =	sld [smem:$0x3FFC];
	_ =	sdelay $0x3  }
0x94: {  	_ =	strace s3  }
0x95: {  	s3 =	sld [smem:$0x3FFD];
	_ =	sdelay $0x3  }
0x96: {  	_ =	strace s3  }
0x97: {  	_ =	strace $0x8FFFFFFF  }
0x98: {  	s19 =	sld [smem:$0x3FDB];
	_ =	sdelay $0x1  }
0x99: {  	s4 =	simm.s32 $_scs_section_size  }
0x9a: {  	s5 =	simm.s32 $_size__tile_overlayer_lowered;
	s6 =	simm.s32 $_tile_overlayer_lowered  }
0x9b: {  	s22 =	simm.s32 $0x1BFF;
	s21 =	sshll.u32 s6, $0x1;
	s3 =	sadd.s32 s4, s19  }
0x9c: {  	s7 =	simm.s32 $0x0;
	s20 =	sshll.u32 s5, $0x1;
	s5 =	sadd.s32 s21, s3  }
0x9d: {  	[timem:s7], [sflag:s22] =	dma.local [hbm:s5], s20  }
0x9e: {  	_ =	swait.ge [sflag:s22], s20  }
0x9f: {  	s4 =	ssub.s32 $0x0, s20;
	[sflag:s22] =	ssyncset.done $0x0  }
0xa0: {  	[sflag:s22] =	ssyncadd.s32 s4;
	_ =	sdelay $0x1  }
0xa1: {  	s23 =	simm.s32 $0x1B8B  }
0xa2: {  	_ =	swait.ge [sflag:s23], $0x1  }
0xa3: {  	[sflag:s23] =	ssyncset.done $0x0  }
0xa4: {  	s25 =	simm.s32 $0x1B8E;
	s24 =	sld [smem:$0x3FFE];
	[sflag:s23] =	ssyncadd.s32 $0xFFFFFFFF  }
0xa5: {  	s26 =	simm.s32 $execute0_lowered;
	[smem:$0x3FD2] =	sst s25  }
0xa6: {  	s5 =	sshll.u32 s26, $0x1;
	_ =	strace $0x80000046;
	[dreg:$0x1] =	wrdreg $0xFFFFFFFF  }
0xa7: {  	s28 =	simm.s32 $_size_execute0_lowered;
	s3 =	sadd.s32 s3, s5;
	[dreg:$0x0] =	wrdreg $0x0  }
0xa8: {  	s5 =	sshll.u32 s28, $0x1;
	[dreg:$0x2] =	wrdreg s3  }
0xa9: {  	[dreg:$0x3] =	wrdreg s5  }
0xaa: {  	[dreg:$0x4] =	wrdreg $0xC0  }
0xab: {  	_ =	task [dreg:s7], $0x5FFFF  }
0xac: {  	[dreg:$0x1] =	wrdreg $0xFFFFFFFF  }
0xad: {  	[dreg:$0x0] =	wrdreg $0x60  }
0xae: {  	[dreg:$0x2] =	wrdreg s24  }
0xaf: {  	[dreg:$0x3] =	wrdreg s2  }
0xb0: {  	[dreg:$0x4] =	wrdreg $0x194300  }
0xb1: {  	[dreg:$0x5] =	wrdreg $0x9  }
0xb2: {  	_ =	task.clear_ibuf [dreg:s7], $0x6FFFF;
	_ =	strace $0x90000046  }
0xb3: {  	s29 =	simm.s32 $0x9;
	_ =	strace $0x80000048  }
0xb4: {  	_ =	swait.ge [sflag:s29], $0x1  }
0xb5: {  	[sflag:s29] =	ssyncadd.s32 $0xFFFFFFFF  }
0xb6: {  	_ =	strace $0x90000048  }
0xb7: {  	_ =	sfence  }
0xb8: {  	s30 =	sld [smem:$0x0];
	_ =	sdelay $0x2  }
0xb9: {  	s31 =	sshll.u32 s1, $0xD;
	s1 =	sshrl.u32 s1, $0x2  }
0xba: {  	s3 =	sand.u32 $0x4000, s31;
	s1 =	sadd.s32 s1, s30  }
0xbb: {  	s0 =	sor.u32 s3, s0;
	s1 =	sshll.u32 s1, $0x11  }
0xbc: {  	s0 =	sor.u32 s1, s0  }
0xbd: {  	s0 =	sadd.s32 $0x8F2B, s0  }
0xbe: {  	[sflag:s0] =	ssyncadd.remote.s32 $0x1  }
0xbf: {  	_ =	sfence.sel $0xFFFF  }
0xc0: {  	[dreg:$0x0] =	wrdreg $0xFFFFFFFF;
	(pc) =	sbr.abs _section_cstart, $3  }
0xc1: {  	[dreg:$0x1] =	wrdreg $0xFFFFFFFF  }
0xc2: {  	_ =	task.clear_ibuf [dreg:s7], $0x2FFFF;
	_ =	strace $0x9FFFFFFF  }
0xc3: {  	(tm) =	ssettm $0x7FFFFFFF  }
tec
execute0_lowered:
.L_overlay_start_1:
0x0: {  	(tag) =	ssettag $0x1  }
0x1: {  	s0 =	rddreg [dreg:$0x0]  }
0x2: {  	s2 =	rddreg [dreg:$0x1]  }
0x3: {  	s13 =	rddreg [dreg:$0x2];
	s1 =	srdreg.scid  }
0x4: {  	s12 =	stileid.u32;
	s4 =	simm.s32 $0x0;
	s28 =	simm.s32 $0x190  }
0x5: {  	s29 =	simm.s32 $0xCB20;
	s30 =	simm.s32 $0x12F20;
	s31 =	simm.s32 $0x3  }
0x6: {  	s1 =	sand.u32 $0x1, s1;
	s3 =	sshll.u32 s12, $0x1;
	s7 =	smul.u32 $0x3D0900, s12  }
0x7: {  	[smem:$0x7FF] =	sst s4;
	s5 =	sadd.s32 $0xF42E00, s0;
	s21 =	smul.u32 $0xF424, s12  }
0x8: {  	s6 =	sadd.s32 $0xA00, s0;
	s10 =	smul.u32 $0x7A120, s12;
	s25 =	sshll.u32 s12, $0x4  }
0x9: {  	v0 =	vimm.f32 $1.270000000e+02;
	s3 =	sor.u32 s1, s3;
	_ =	strace $0x80000047;
	s20 =	ssub.s32 $0x2, s1  }
0xa: {  	s13 =	sadd.s32 s25, s13;
	s1 =	simm.s32 $0x0;
	s8 =	smul.u32 $0x6400, s3;
	(erf) = vrcp.f32 v0  }
0xb: {  	s9 =	sshrl.u32 s20, $0x1;
	s11 =	sshrl.u32 s7, $0x3;
	s7 =	smul.u32 $0x3200, s3  }
0xc: {  	s23 =	sadd.s32 s5, s10;
	s10 =	sadd.s32 $0x320, s21;
	s0 =	ssub.s32 s20, s9  }
0xd: {  	s22 =	sadd.s32 s5, s11;
	[dreg:$0x4] =	wrdreg s23;
	s11 =	sadd.s32 $0x4B0, s21  }
0xe: {  	s20 =	simm.s32 $0x320;
	s21 =	simm.s32 $0x6720;
	s23 =	simm.s32 $0x2  }
.Ltmp0:
0xf: {  	s24 =	sadd.s32 $0xC80, s22;
	s26 =	sshrl.u32 s8, $0x3;
	(pc) =	sbr.rel .LBB2_1-.Ltmp0, $4  }
0x10: {  	s3 =	sadd.s32 $0x79E00, s22;
	s16 =	sor.u32 $0x320, s8;
	s17 =	sor.u32 $0xC8, s7  }
0x11: {  	s18 =	sadd.s32 $0x4B0, s8;
	s19 =	smax.u32 s0, $0x1;
	s22 =	simm.s32 $0x1  }
0x12: {  	v1 =	vimm.f32 $8.388608000e+06;
	s0 =	simm.s32 $0x4;
	[dreg:$0x5] =	wrdreg s24;
	s14 =	sadd.s32 s6, s26  }
0x13: {  	v1 =	vand.u32 $0x7FFFFFFF, v1;
	[dreg:$0x6] =	wrdreg s3;
	s24 =	simm.s32 $0x5;
	s15 =	sadd.s32 $0x32, s14;
	v0 =	vpop (erf)  }
.LBB2_17:
0x14: {  	s1 =	sadd.s32 $0x1, s1  }
0x15: {  	_ =	swait.ge [sflag:s31], $0x6400;
	p0 =	sne.s32 s1, s19  }
.Ltmp1:
0x16: {  	[sflag:s31] =	ssyncset.done $0x0;
	(pc) =	sbr.rel @!p0 .LBB2_18-.Ltmp1, $4  }
0x17: {  	[sflag:s31] =	ssyncadd.s32 $0xFFFF9C00  }
0x18: {  	_ =	swait.ge [sflag:s0], $0x6400  }
0x19: {  	[sflag:s0] =	ssyncset.done $0x0  }
0x1a: {  	[sflag:s0] =	ssyncadd.s32 $0xFFFF9C00  }
.LBB2_1:
0x1b: {  	s3 =	rddreg [dreg:$0x4]  }
0x1c: {  	v2 =	vimm.f32 $0.0e+00;
	v8 =	vimm.f32 $0.0e+00;
	[tilespmem:s20], [sflag:$0x1] =	stream.linear.gather [hbm4b:s3+s4], $0x6400, $0x38;
	[tilespmem:$0x19440] =	vst v63  }
0x1d: {  	s26 =	rddreg [dreg:$0x5];
	v3 =	vimm.f32 $0.0e+00;
	v4 =	vimm.f32 $0.0e+00;
	v5 =	vimm.f32 $0.0e+00;
	s3 =	simm.s32 $0x0  }
0x1e: {  	v6 =	vimm.f32 $0.0e+00;
	v7 =	vimm.f32 $0.0e+00;
	v9 =	vimm.f32 $0.0e+00;
	[tilespmem:s21], [sflag:$0x2] =	stream.linear.gather [hbm4b:s26+s4], $0x6400, $0x38;
	[tilespmem:$0x19440] =	vst v63  }
.LBB2_2:
0x1f: {  	_ =	swait.ge [sflag:s22], $0x6400  }
0x20: {  	[sflag:s22] =	ssyncset.done $0x0  }
0x21: {  	s12 =	simm.s32 $0x0;
	[sflag:s22] =	ssyncadd.s32 $0xFFFF9C00  }
0x22: {  	v12 =	vld [tilespmem:s12+$0x390]  }
0x23: {  	v14 =	vld [tilespmem:s12+$0x320]  }
0x24: {  	v15 =	vld [tilespmem:s12+$0x330]  }
0x25: {  	v13 =	vld [tilespmem:s12+$0x340]  }
0x26: {  	v10 =	vld [tilespmem:s12+$0x350]  }
0x27: {  	v11 =	vld [tilespmem:s12+$0x360]  }
0x28: {  	v16 =	vand.u32 $0x7FFFFFFF, v12;
	v14 =	vand.u32 $0x7FFFFFFF, v14;
	v12 =	vld [tilespmem:s12+$0x370]  }
0x29: {  	s8 =	simm.s32 $0x80;
	s9 =	simm.s32 $0x400;
	v15 =	vand.u32 $0x7FFFFFFF, v15;
	v8 =	vmax.f32 v8, v16;
	v9 =	vmax.f32 v9, v14;
	v14 =	vld [tilespmem:s12+$0x380]  }
.LBB2_3:
0x2a: {  	p0 =	sne.s32 s9, $0x18E00;
	v16 =	vld [tilespmem:s8+$0x390];
	v7 =	vmax.f32 v7, v15;
	v13 =	vand.u32 $0x7FFFFFFF, v13  }
0x2b: {  	v15 =	vld [tilespmem:s8+$0x320];
	v6 =	vmax.f32 v6, v13;
	v10 =	vand.u32 $0x7FFFFFFF, v10  }
0x2c: {  	v17 =	vld [tilespmem:s8+$0x330];
	v5 =	vmax.f32 v5, v10;
	v10 =	vand.u32 $0x7FFFFFFF, v11  }
.Ltmp2:
0x2d: {  	v13 =	vld [tilespmem:s8+$0x340];
	v4 =	vmax.f32 v4, v10;
	v11 =	vand.u32 $0x7FFFFFFF, v12;
	(pc) =	sbr.rel @p0 .LBB2_3-.Ltmp2, $4  }
0x2e: {  	v10 =	vld [tilespmem:s8+$0x350];
	v3 =	vmax.f32 v3, v11;
	v12 =	vand.u32 $0x7FFFFFFF, v14  }
0x2f: {  	v11 =	vld [tilespmem:s8+$0x360];
	v14 =	vand.u32 $0x7FFFFFFF, v16;
	v2 =	vmax.f32 v2, v12  }
0x30: {  	v15 =	vand.u32 $0x7FFFFFFF, v15;
	v12 =	vld [tilespmem:s8+$0x370];
	v8 =	vmax.f32 v8, v14  }
0x31: {  	v9 =	vmax.f32 v9, v15;
	v15 =	vand.u32 $0x7FFFFFFF, v17;
	v14 =	vld [tilespmem:s8+$0x380];
	s8 =	sshra.s32 s9, $0x2;
	s9 =	sadd.s32 $0x200, s9  }
0x32: {  	v16 =	vld [tilespmem:s8+$0x390]  }
0x33: {  	v17 =	vld [tilespmem:s8+$0x320]  }
0x34: {  	v18 =	vld [tilespmem:s8+$0x330];
	p0 =	seq.s32 s3, $0x4D  }
0x35: {  	v19 =	vld [tilespmem:s8+$0x340];
	s9 =	smul.u32 @!p0 $0x320, s3  }
0x36: {  	v20 =	vld [tilespmem:s8+$0x350]  }
0x37: {  	v21 =	vld [tilespmem:s8+$0x360];
	s9 =	sadd.s32 @!p0 s9, s10  }
0x38: {  	v22 =	vld [tilespmem:s8+$0x370];
	s9 =	sshll.u32 @!p0 s9, $0x3  }
0x39: {  	v23 =	vld [tilespmem:s8+$0x380];
	s12 =	simm.s32 @!p0 $0x320;
	s8 =	sadd.s32 @!p0 s5, s9;
	s9 =	simm.s32 @!p0 $0x0  }
0x3a: {  	[tilespmem:s12], [sflag:$0x1] =	stream.linear.gather @!p0 [hbm4b:s8+s9], $0x6400, $0x38;
	[tilespmem:$0x19440] =	vst v63  }
0x3b: {  	v7 =	vmax.f32 v7, v15;
	v13 =	vand.u32 $0x7FFFFFFF, v13;
	_ =	swait.ge [sflag:s23], $0x6400  }
0x3c: {  	v6 =	vmax.f32 v6, v13;
	v10 =	vand.u32 $0x7FFFFFFF, v10;
	v11 =	vand.u32 $0x7FFFFFFF, v11;
	[sflag:s23] =	ssyncset.done $0x0  }
0x3d: {  	s26 =	simm.s32 $0x0;
	v10 =	vmax.f32 v5, v10;
	v13 =	vmax.f32 v4, v11;
	v4 =	vand.u32 $0x7FFFFFFF, v12;
	[sflag:s23] =	ssyncadd.s32 $0xFFFF9C00  }
0x3e: {  	v3 =	vmax.f32 v3, v4;
	v4 =	vand.u32 $0x7FFFFFFF, v14;
	v5 =	vand.u32 $0x7FFFFFFF, v16;
	v14 =	vld [tilespmem:s26+$0x6790]  }
0x3f: {  	v15 =	vmax.f32 v2, v4;
	v2 =	vand.u32 $0x7FFFFFFF, v17;
	v8 =	vmax.f32 v8, v5;
	v16 =	vld [tilespmem:s26+$0x6720]  }
0x40: {  	v9 =	vmax.f32 v9, v2;
	v2 =	vand.u32 $0x7FFFFFFF, v18;
	v5 =	vand.u32 $0x7FFFFFFF, v19;
	v17 =	vld [tilespmem:s26+$0x6730]  }
0x41: {  	v4 =	vmax.f32 v7, v2;
	v5 =	vmax.f32 v6, v5;
	v2 =	vand.u32 $0x7FFFFFFF, v20;
	v11 =	vld [tilespmem:s26+$0x6740]  }
0x42: {  	v6 =	vand.u32 $0x7FFFFFFF, v21;
	v7 =	vand.u32 $0x7FFFFFFF, v22;
	v2 =	vmax.f32 v10, v2;
	v10 =	vld [tilespmem:s26+$0x6750]  }
0x43: {  	v6 =	vmax.f32 v13, v6;
	v7 =	vmax.f32 v3, v7;
	v3 =	vand.u32 $0x7FFFFFFF, v23;
	v12 =	vld [tilespmem:s26+$0x6760]  }
0x44: {  	v3 =	vmax.f32 v15, v3;
	v13 =	vld [tilespmem:s26+$0x6770];
	v14 =	vand.u32 $0x7FFFFFFF, v14;
	v15 =	vand.u32 $0x7FFFFFFF, v16  }
0x45: {  	s8 =	simm.s32 $0x80;
	s9 =	simm.s32 $0x400;
	v8 =	vmax.f32 v8, v14;
	v9 =	vmax.f32 v9, v15;
	v15 =	vand.u32 $0x7FFFFFFF, v17;
	v14 =	vld [tilespmem:s26+$0x6780]  }
.LBB2_5:
0x46: {  	p1 =	sne.s32 s9, $0x18E00;
	v16 =	vld [tilespmem:s8+$0x6790];
	v4 =	vmax.f32 v4, v15;
	v11 =	vand.u32 $0x7FFFFFFF, v11  }
0x47: {  	v15 =	vld [tilespmem:s8+$0x6720];
	v5 =	vmax.f32 v5, v11;
	v10 =	vand.u32 $0x7FFFFFFF, v10  }
0x48: {  	v17 =	vld [tilespmem:s8+$0x6730];
	v2 =	vmax.f32 v2, v10;
	v10 =	vand.u32 $0x7FFFFFFF, v12  }
.Ltmp3:
0x49: {  	v11 =	vld [tilespmem:s8+$0x6740];
	v6 =	vmax.f32 v6, v10;
	v12 =	vand.u32 $0x7FFFFFFF, v13;
	(pc) =	sbr.rel @p1 .LBB2_5-.Ltmp3, $4  }
0x4a: {  	v10 =	vld [tilespmem:s8+$0x6750];
	v7 =	vmax.f32 v7, v12;
	v13 =	vand.u32 $0x7FFFFFFF, v14  }
0x4b: {  	v12 =	vld [tilespmem:s8+$0x6760];
	v14 =	vand.u32 $0x7FFFFFFF, v16;
	v3 =	vmax.f32 v3, v13  }
0x4c: {  	v15 =	vand.u32 $0x7FFFFFFF, v15;
	v13 =	vld [tilespmem:s8+$0x6770];
	v8 =	vmax.f32 v8, v14  }
0x4d: {  	v9 =	vmax.f32 v9, v15;
	v15 =	vand.u32 $0x7FFFFFFF, v17;
	v14 =	vld [tilespmem:s8+$0x6780];
	s8 =	sshra.s32 s9, $0x2;
	s9 =	sadd.s32 $0x200, s9  }
0x4e: {  	v16 =	vld [tilespmem:s8+$0x6790]  }
0x4f: {  	v17 =	vld [tilespmem:s8+$0x6720]  }
0x50: {  	v18 =	vld [tilespmem:s8+$0x6730]  }
0x51: {  	v19 =	vld [tilespmem:s8+$0x6740]  }
0x52: {  	v11 =	vand.u32 $0x7FFFFFFF, v11;
	v20 =	vld [tilespmem:s8+$0x6750]  }
0x53: {  	v4 =	vmax.f32 v4, v15;
	v58 =	vld [tilespmem:s8+$0x6770];
	v5 =	vmax.f32 v5, v11  }
0x54: {  	v60 =	vld [tilespmem:s8+$0x6780];
	v10 =	vand.u32 $0x7FFFFFFF, v10;
	v12 =	vand.u32 $0x7FFFFFFF, v12;
	v13 =	vand.u32 $0x7FFFFFFF, v13  }
0x55: {  	v11 =	vld [tilespmem:s8+$0x6760];
	v2 =	vmax.f32 v2, v10;
	v10 =	vmax.f32 v6, v12;
	v59 =	vmax.f32 v7, v13  }
0x56: {  	v6 =	vand.u32 $0x7FFFFFFF, v14;
	v7 =	vand.u32 $0x7FFFFFFF, v16;
	v61 =	vand.u32 $0x7FFFFFFF, v17  }
.Ltmp4:
0x57: {  	v62 =	vmax.f32 v3, v6;
	v3 =	vand.u32 $0x7FFFFFFF, v18;
	v6 =	vand.u32 $0x7FFFFFFF, v19;
	(pc) =	sbr.rel @p0 .LBB2_8-.Ltmp4, $4  }
0x58: {  	v63 =	vand.u32 $0x7FFFFFFF, v20;
	v8 =	vmax.f32 v8, v7;
	v9 =	vmax.f32 v9, v61  }
0x59: {  	v7 =	vmax.f32 v4, v3;
	v6 =	vmax.f32 v5, v6;
	v5 =	vmax.f32 v2, v63  }
0x5a: {  	v2 =	vand.u32 $0x7FFFFFFF, v11;
	v3 =	vand.u32 $0x7FFFFFFF, v58;
	v11 =	vand.u32 $0x7FFFFFFF, v60  }
0x5b: {  	v4 =	vmax.f32 v10, v2;
	v3 =	vmax.f32 v59, v3;
	v2 =	vmax.f32 v62, v11  }
0x5c: {  	s8 =	smul.u32 $0x320, s3  }
.Ltmp5:
0x5d: {  	_ = 	snop;
	(pc) =	sbr.rel .LBB2_2-.Ltmp5, $4  }
0x5e: {  	s8 =	sadd.s32 s8, s11  }
0x5f: {  	s8 =	sshll.u32 s8, $0x3  }
0x60: {  	s3 =	sadd.s32 $0x1, s3;
	s8 =	sadd.s32 s5, s8  }
0x61: {  	[tilespmem:s21], [sflag:$0x2] =	stream.linear.gather [hbm4b:s8+s4], $0x6400, $0x38;
	[tilespmem:$0x19440] =	vst v63  }
.LBB2_8:
0x62: {  	s3 =	simm.s32 $0x0;
	s8 =	rddreg [dreg:$0x6]  }
0x63: {  	[tilespmem:s20], [sflag:$0x5] =	stream.linear.gather [hbm4b:s8+s3], $0x1900, $0x38;
	[tilespmem:$0x19440] =	vst v63  }
0x64: {  	_ =	swait.ge [sflag:s24], $0x1900  }
0x65: {  	[sflag:s24] =	ssyncset.done $0x0  }
0x66: {  	s9 =	simm.s32 $0x0;
	[sflag:s24] =	ssyncadd.s32 $0xFFFFE700  }
0x67: {  	v12 =	vld [tilespmem:s9+$0x390]  }
0x68: {  	v14 =	vld [tilespmem:s9+$0x320]  }
0x69: {  	v15 =	vld [tilespmem:s9+$0x330]  }
0x6a: {  	v13 =	vld [tilespmem:s9+$0x340]  }
0x6b: {  	v11 =	vld [tilespmem:s9+$0x350]  }
0x6c: {  	v10 =	vld [tilespmem:s9+$0x360]  }
0x6d: {  	v16 =	vand.u32 $0x7FFFFFFF, v12;
	v14 =	vand.u32 $0x7FFFFFFF, v14;
	v12 =	vld [tilespmem:s9+$0x370]  }
0x6e: {  	s3 =	simm.s32 $0x80;
	s8 =	simm.s32 $0x400;
	v15 =	vand.u32 $0x7FFFFFFF, v15;
	v8 =	vmax.f32 v8, v16;
	v9 =	vmax.f32 v9, v14;
	v14 =	vld [tilespmem:s9+$0x380]  }
.LBB2_9:
0x6f: {  	p0 =	sne.s32 s8, $0x6200;
	v16 =	vld [tilespmem:s3+$0x390];
	v7 =	vmax.f32 v7, v15;
	v13 =	vand.u32 $0x7FFFFFFF, v13  }
0x70: {  	v15 =	vld [tilespmem:s3+$0x320];
	v6 =	vmax.f32 v6, v13;
	v11 =	vand.u32 $0x7FFFFFFF, v11  }
0x71: {  	v17 =	vld [tilespmem:s3+$0x330];
	v5 =	vmax.f32 v5, v11;
	v10 =	vand.u32 $0x7FFFFFFF, v10  }
.Ltmp6:
0x72: {  	v13 =	vld [tilespmem:s3+$0x340];
	v4 =	vmax.f32 v4, v10;
	v10 =	vand.u32 $0x7FFFFFFF, v12;
	(pc) =	sbr.rel @p0 .LBB2_9-.Ltmp6, $4  }
0x73: {  	v11 =	vld [tilespmem:s3+$0x350];
	v3 =	vmax.f32 v3, v10;
	v12 =	vand.u32 $0x7FFFFFFF, v14  }
0x74: {  	v10 =	vld [tilespmem:s3+$0x360];
	v14 =	vand.u32 $0x7FFFFFFF, v16;
	v2 =	vmax.f32 v2, v12  }
0x75: {  	v15 =	vand.u32 $0x7FFFFFFF, v15;
	v12 =	vld [tilespmem:s3+$0x370];
	v8 =	vmax.f32 v8, v14  }
0x76: {  	v9 =	vmax.f32 v9, v15;
	v15 =	vand.u32 $0x7FFFFFFF, v17;
	v14 =	vld [tilespmem:s3+$0x380];
	s3 =	sshra.s32 s8, $0x2;
	s8 =	sadd.s32 $0x200, s8  }
0x77: {  	v16 =	vld [tilespmem:s3+$0x320]  }
0x78: {  	v17 =	vld [tilespmem:s3+$0x330]  }
0x79: {  	v13 =	vand.u32 $0x7FFFFFFF, v13;
	v18 =	vld [tilespmem:s3+$0x340]  }
0x7a: {  	v7 =	vmax.f32 v7, v15;
	v45 =	vld [tilespmem:s3+$0x350];
	v6 =	vmax.f32 v6, v13;
	v11 =	vand.u32 $0x7FFFFFFF, v11  }
0x7b: {  	v47 =	vld [tilespmem:s3+$0x360];
	v5 =	vmax.f32 v5, v11;
	v10 =	vand.u32 $0x7FFFFFFF, v10;
	v46 =	vand.u32 $0x7FFFFFFF, v12  }
0x7c: {  	v49 =	vld [tilespmem:s3+$0x370];
	v4 =	vmax.f32 v4, v10;
	v3 =	vmax.f32 v3, v46;
	v48 =	vand.u32 $0x7FFFFFFF, v14  }
0x7d: {  	v52 =	vld [tilespmem:s3+$0x380];
	v2 =	vmax.f32 v2, v48;
	v50 =	vand.u32 $0x7FFFFFFF, v16;
	v51 =	vand.u32 $0x7FFFFFFF, v17  }
0x7e: {  	v53 =	vld [tilespmem:s3+$0x390];
	v54 =	vand.u32 $0x7FFFFFFF, v18;
	v9 =	vmax.f32 v9, v50;
	v7 =	vmax.f32 v7, v51  }
0x7f: {  	v13 =	vand.u32 $0x7FFFFFFF, v45;
	v6 =	vmax.f32 v6, v54;
	v7 =	vmax.f32 v9, v7  }
0x80: {  	v55 =	vand.u32 $0x7FFFFFFF, v47;
	v5 =	vmax.f32 v5, v13;
	v6 =	vmax.f32 v7, v6  }
0x81: {  	v56 =	vand.u32 $0x7FFFFFFF, v49;
	v4 =	vmax.f32 v4, v55;
	v5 =	vmax.f32 v6, v5  }
0x82: {  	v57 =	vand.u32 $0x7FFFFFFF, v52;
	v3 =	vmax.f32 v3, v56;
	v4 =	vmax.f32 v5, v4  }
0x83: {  	v2 =	vmax.f32 v2, v57;
	v5 =	vand.u32 $0x7FFFFFFF, v53;
	v3 =	vmax.f32 v4, v3  }
0x84: {  	v4 =	vmax.f32 v8, v5;
	v2 =	vmax.f32 v3, v2  }
0x85: {  	v2 =	vmax.f32 v2, v4  }
0x86: {  	s25 =	simm.s32 $0x19320;
	[tilespmem:$0x19320] =	vst v2  }
0x87: {  	[spmem:s13] =	stream.linear.scatter [tilespmem:s25], [sflag:$0x5], $0x10, $0x38;
	[tilespmem:$0x19440] =	vst v63  }
0x88: {  	_ =	swait.ge [sflag:s24], $0x10  }
0x89: {  	[sflag:s24] =	ssyncset.done $0x0  }
0x8a: {  	[sflag:s24] =	ssyncadd.s32 $0xFFFFFFF0  }
0x8b: {  	[bflag:$0x0] =	sbarrier.arrive $0xFFFF  }
0x8c: {  	s8 =	simm.s32 $0x19330;
	s26 =	rddreg [dreg:$0x2]  }
0x8d: {  	[tilespmem:s8], [sflag:$0x5] =	stream.linear.gather [spmem:s26], $0x100, $0x38;
	[tilespmem:$0x19440] =	vst v63  }
0x8e: {  	_ =	swait.ge [sflag:s24], $0x100  }
0x8f: {  	[sflag:s24] =	ssyncset.done $0x0  }
0x90: {  	[sflag:s24] =	ssyncadd.s32 $0xFFFFFF00  }
0x91: {  	v3 =	vld [tilespmem:$0x19330]  }
0x92: {  	v4 =	vld [tilespmem:$0x19340]  }
0x93: {  	v5 =	vld [tilespmem:$0x19350]  }
0x94: {  	v58 =	vld [tilespmem:$0x19360]  }
0x95: {  	v59 =	vld [tilespmem:$0x19370]  }
0x96: {  	v2 =	vmax.f32 v2, v3;
	v3 =	vld [tilespmem:$0x19380]  }
0x97: {  	v2 =	vmax.f32 v2, v4;
	v4 =	vld [tilespmem:$0x19390]  }
0x98: {  	v2 =	vmax.f32 v2, v5;
	v5 =	vld [tilespmem:$0x193A0]  }
0x99: {  	v60 =	vld [tilespmem:$0x193B0];
	v2 =	vmax.f32 v2, v58  }
0x9a: {  	v61 =	vld [tilespmem:$0x193C0];
	v2 =	vmax.f32 v2, v59  }
0x9b: {  	v2 =	vmax.f32 v2, v3;
	v3 =	vld [tilespmem:$0x193D0]  }
0x9c: {  	v2 =	vmax.f32 v2, v4;
	v4 =	vld [tilespmem:$0x193E0]  }
0x9d: {  	v2 =	vmax.f32 v2, v5;
	v5 =	vld [tilespmem:$0x193F0]  }
0x9e: {  	v62 =	vld [tilespmem:$0x19400];
	v2 =	vmax.f32 v2, v60  }
0x9f: {  	v63 =	vld [tilespmem:$0x19410];
	v2 =	vmax.f32 v2, v61  }
0xa0: {  	v2 =	vmax.f32 v2, v3;
	v3 =	vld [tilespmem:$0x19420]  }
0xa1: {  	v2 =	vmax.f32 v2, v4  }
0xa2: {  	v2 =	vmax.f32 v2, v5  }
0xa3: {  	v2 =	vmax.f32 v2, v62  }
0xa4: {  	v2 =	vmax.f32 v2, v63  }
0xa5: {  	v2 =	vmax.f32 v2, v3  }
0xa6: {  	(xrf0) =	vmax.scan.msk.f32 $0xffff, v2;
	_ =	sdelay $0x5  }
0xa7: {  	v2, _, _ =	vpop (xrf0)  }
0xa8: {  	v2 =	vbroadcast v2, $0xF;
	_ =	sdelay $0x1  }
0xa9: {  	v2 =	vmul.f32 v2, v0;
	_ =	sdelay $0x1  }
0xaa: {  	v2 =	vmax.f32 v2, $9.999999930e-09  }
0xab: {  	(erf) = vrcp.f32 v2;
	_ =	sdelay $0x7  }
0xac: {  	s25 =	simm.s32 $0x0  }
0xad: {  	[tilespmem:s25], [sflag:$0x5] =	stream.linear.gather [hbm4b:s14+s25], $0x190, $0x38;
	v3 =	vpop (erf);
	[tilespmem:$0x19440] =	vst v63  }
0xae: {  	_ =	swait.ge [sflag:s24], $0x190  }
0xaf: {  	[sflag:s24] =	ssyncset.done $0x0  }
0xb0: {  	[sflag:s24] =	ssyncadd.s32 $0xFFFFFE70  }
0xb1: {  	[tilespmem:s20], [sflag:$0x1] =	stream.indirect.gather [hbm4b:s5+s28], $0x40, s25, s28, $0xb8;
	[tilespmem:$0x19440] =	vst v63  }
0xb2: {  	_ = 	snop  }
0xb3: {  	[tilespmem:s28], [sflag:$0x5] =	stream.linear.gather [hbm4b:s15+s25], $0x190, $0x38;
	[tilespmem:$0x19440] =	vst v63  }
0xb4: {  	_ =	swait.ge [sflag:s24], $0x190  }
0xb5: {  	[sflag:s24] =	ssyncset.done $0x0  }
0xb6: {  	[sflag:s24] =	ssyncadd.s32 $0xFFFFFE70  }
0xb7: {  	[tilespmem:s21], [sflag:$0x2] =	stream.indirect.gather [hbm4b:s5+s28], $0x40, s28, s28, $0xb8;
	[tilespmem:$0x19440] =	vst v63  }
.LBB2_11:
0xb8: {  	_ =	swait.ge [sflag:s22], $0x6400  }
0xb9: {  	[sflag:s22] =	ssyncset.done $0x0  }
0xba: {  	s3 =	simm.s32 $0x0;
	[sflag:s22] =	ssyncadd.s32 $0xFFFF9C00  }
0xbb: {  	v4 =	vld [tilespmem:s3+$0x410]  }
0xbc: {  	v5 =	vld [tilespmem:s3+$0x320]  }
0xbd: {  	v6 =	vld [tilespmem:s3+$0x330]  }
0xbe: {  	v7 =	vld [tilespmem:s3+$0x340]  }
0xbf: {  	v8 =	vld [tilespmem:s3+$0x350]  }
0xc0: {  	v9 =	vld [tilespmem:s3+$0x360]  }
0xc1: {  	v10 =	vld [tilespmem:s3+$0x370]  }
0xc2: {  	v11 =	vld [tilespmem:s3+$0x380]  }
0xc3: {  	v14 =	vld [tilespmem:s3+$0x390]  }
0xc4: {  	v16 =	vld [tilespmem:s3+$0x3A0]  }
0xc5: {  	v18 =	vld [tilespmem:s3+$0x3B0]  }
0xc6: {  	v20 =	vld [tilespmem:s3+$0x3C0]  }
0xc7: {  	v21 =	vld [tilespmem:s3+$0x3D0]  }
0xc8: {  	v23 =	vld [tilespmem:s3+$0x3E0];
	v4 =	vmul.f32 v4, v3;
	v5 =	vmul.f32 v5, v3  }
0xc9: {  	v25 =	vld [tilespmem:s3+$0x3F0];
	v6 =	vmul.f32 v6, v3;
	v7 =	vmul.f32 v7, v3  }
0xca: {  	v27 =	vld [tilespmem:s3+$0x400];
	v8 =	vmul.f32 v8, v3;
	v9 =	vmul.f32 v9, v3  }
0xcb: {  	v10 =	vmul.f32 v10, v3;
	v11 =	vmul.f32 v11, v3  }
0xcc: {  	v14 =	vmul.f32 v14, v3;
	v16 =	vmul.f32 v16, v3  }
0xcd: {  	v18 =	vmul.f32 v18, v3;
	v20 =	vmul.f32 v20, v3  }
0xce: {  	v21 =	vmul.f32 v21, v3;
	v23 =	vmul.f32 v23, v3  }
0xcf: {  	v25 =	vmul.f32 v25, v3;
	v27 =	vmul.f32 v27, v3  }
0xd0: {  	v12 =	vand.u32 $0x80000000, v4;
	v13 =	vand.u32 $0x80000000, v5;
	v15 =	vand.u32 $0x80000000, v6  }
0xd1: {  	v17 =	vand.u32 $0x80000000, v7;
	v19 =	vand.u32 $0x80000000, v8;
	v22 =	vand.u32 $0x80000000, v10  }
0xd2: {  	v24 =	vand.u32 $0x80000000, v11;
	v26 =	vand.u32 $0x80000000, v14;
	v28 =	vand.u32 $0x80000000, v16  }
0xd3: {  	v29 =	vand.u32 $0x80000000, v18;
	v30 =	vand.u32 $0x80000000, v20;
	v31 =	vand.u32 $0x80000000, v21  }
0xd4: {  	v32 =	vand.u32 $0x80000000, v23;
	v33 =	vand.u32 $0x80000000, v25;
	v12 =	vor.u32 v12, v1  }
0xd5: {  	v13 =	vor.u32 v13, v1;
	v17 =	vor.u32 v17, v1;
	v19 =	vor.u32 v19, v1  }
0xd6: {  	v22 =	vor.u32 v22, v1;
	v24 =	vor.u32 v24, v1;
	v4 =	vadd.f32 v12, v4  }
0xd7: {  	v26 =	vor.u32 v26, v1;
	v5 =	vadd.f32 v13, v5;
	v7 =	vadd.f32 v17, v7  }
0xd8: {  	v28 =	vor.u32 v28, v1;
	v8 =	vadd.f32 v19, v8;
	v10 =	vadd.f32 v22, v10  }
0xd9: {  	v29 =	vor.u32 v29, v1;
	v11 =	vadd.f32 v24, v11;
	v14 =	vadd.f32 v26, v14  }
0xda: {  	v30 =	vor.u32 v30, v1;
	v16 =	vadd.f32 v28, v16;
	v18 =	vadd.f32 v29, v18  }
0xdb: {  	v59 =	vand.u32 $0x80000000, v27;
	v20 =	vadd.f32 v30, v20;
	v4 =	vsub.f32 v4, v12  }
0xdc: {  	v12 =	vor.u32 v15, v1;
	v5 =	vsub.f32 v5, v13;
	v7 =	vsub.f32 v7, v17  }
0xdd: {  	v8 =	vsub.f32 v8, v19;
	v19 =	vsub.f32 v11, v24;
	v4 =	vmul.f32 v4, v2  }
0xde: {  	v33 =	vor.u32 v33, v1;
	v24 =	vsub.f32 v16, v28;
	v6 =	vadd.f32 v12, v6  }
0xdf: {  	s26 =	simm.s32 $0x100;
	v15 =	vand.u32 $0x80000000, v9;
	v18 =	vsub.f32 v18, v29;
	v60 =	vsub.f32 v20, v30;
	[tilespmem:s3+$0xCC10] =	vst v4  }
0xe0: {  	v15 =	vor.u32 v15, v1;
	v5 =	vmul.f32 v5, v2;
	v6 =	vsub.f32 v6, v12;
	v13 =	vld [tilespmem:s26+$0x410]  }
0xe1: {  	v9 =	vadd.f32 v15, v9;
	v7 =	vmul.f32 v7, v2;
	v8 =	vmul.f32 v8, v2;
	v34 =	vld [tilespmem:s26+$0x320]  }
0xe2: {  	v4 =	vor.u32 v31, v1;
	v31 =	vor.u32 v32, v1;
	v12 =	vld [tilespmem:s26+$0x330];
	v6 =	vmul.f32 v6, v2  }
0xe3: {  	v19 =	vmul.f32 v19, v2;
	v35 =	vld [tilespmem:s26+$0x340];
	v21 =	vadd.f32 v4, v21;
	[tilespmem:s3+$0xCB20] =	vst v5;
	v17 =	vadd.f32 v31, v23  }
0xe4: {  	v18 =	vmul.f32 v18, v2;
	v23 =	vadd.f32 v33, v25;
	v25 =	vld [tilespmem:s26+$0x350];
	[tilespmem:s3+$0xCB30] =	vst v6;
	v6 =	vsub.f32 v9, v15  }
0xe5: {  	v32 =	vmul.f32 v60, v2;
	v9 =	vsub.f32 v10, v22;
	v36 =	vsub.f32 v21, v4  }
0xe6: {  	v5 =	vor.u32 v59, v1;
	v31 =	vsub.f32 v17, v31;
	v6 =	vmul.f32 v6, v2  }
0xe7: {  	v27 =	vadd.f32 v5, v27;
	v10 =	vld [tilespmem:s26+$0x360];
	[tilespmem:s3+$0xCB40] =	vst v7;
	v9 =	vmul.f32 v9, v2;
	v36 =	vmul.f32 v36, v2  }
0xe8: {  	v37 =	vsub.f32 v23, v33;
	v7 =	vld [tilespmem:s26+$0x370];
	[tilespmem:s3+$0xCB50] =	vst v8;
	v33 =	vmul.f32 v31, v2;
	v8 =	vmul.f32 v13, v3  }
0xe9: {  	v22 =	vsub.f32 v14, v26;
	v11 =	vld [tilespmem:s26+$0x380];
	v14 =	vmul.f32 v34, v3;
	v20 =	vmul.f32 v12, v3  }
0xea: {  	v4 =	vsub.f32 v27, v5;
	v5 =	vld [tilespmem:s26+$0x390];
	v21 =	vmul.f32 v35, v3;
	v23 =	vmul.f32 v25, v3  }
0xeb: {  	[tilespmem:s3+$0xCB60] =	vst v6;
	v12 =	vand.u32 $0x80000000, v8;
	v6 =	vand.u32 $0x80000000, v14;
	v15 =	vand.u32 $0x80000000, v20  }
0xec: {  	v12 =	vor.u32 v12, v1;
	v61 =	vor.u32 v6, v1;
	v6 =	vand.u32 $0x80000000, v21  }
0xed: {  	v13 =	vld [tilespmem:s26+$0x3A0];
	[tilespmem:s3+$0xCB70] =	vst v9;
	v25 =	vmul.f32 v10, v3;
	v10 =	vand.u32 $0x80000000, v23;
	v62 =	vor.u32 v15, v1  }
0xee: {  	v9 =	vld [tilespmem:s26+$0x3B0];
	v8 =	vadd.f32 v12, v8;
	v27 =	vmul.f32 v7, v3;
	v46 =	vadd.f32 v61, v14  }
0xef: {  	v16 =	vld [tilespmem:s26+$0x3E0];
	v47 =	vadd.f32 v62, v20;
	v63 =	vmul.f32 v11, v3;
	v38 =	vmul.f32 v5, v3  }
0xf0: {  	v7 =	vld [tilespmem:s26+$0x3C0];
	v5 =	vor.u32 v6, v1;
	v6 =	vor.u32 v10, v1;
	v8 =	vsub.f32 v8, v12  }
0xf1: {  	v11 =	vld [tilespmem:s26+$0x3D0];
	v12 =	vand.u32 $0x80000000, v25;
	v15 =	vand.u32 $0x80000000, v27;
	v30 =	vadd.f32 v6, v23  }
0xf2: {  	v31 =	vsub.f32 v47, v62;
	v17 =	vand.u32 $0x80000000, v63;
	v39 =	vmul.f32 v13, v3  }
0xf3: {  	v28 =	vand.u32 $0x80000000, v38;
	v10 =	vor.u32 v15, v1;
	v26 =	vmul.f32 v8, v2  }
0xf4: {  	v40 =	vmul.f32 v9, v3;
	v8 =	vor.u32 v12, v1;
	v43 =	vmul.f32 v16, v3  }
0xf5: {  	v13 =	vld [tilespmem:s26+$0x3F0];
	v15 =	vor.u32 v28, v1;
	v12 =	vand.u32 $0x80000000, v39;
	v41 =	vmul.f32 v7, v3  }
0xf6: {  	v7 =	vand.u32 $0x80000000, v40;
	v42 =	vmul.f32 v11, v3;
	v11 =	vor.u32 v17, v1  }
0xf7: {  	v9 =	vld [tilespmem:s26+$0x400];
	v12 =	vor.u32 v12, v1;
	v28 =	vand.u32 $0x80000000, v43;
	[tilespmem:s26+$0xCC10] =	vst v26;
	v26 =	vadd.f32 v8, v25  }
0xf8: {  	v29 =	vand.u32 $0x80000000, v41;
	v17 =	vor.u32 v7, v1;
	v23 =	vadd.f32 v11, v63;
	[tilespmem:s3+$0xCB80] =	vst v19  }
0xf9: {  	v19 =	vmul.f32 v24, v2;
	v20 =	vadd.f32 v12, v39;
	[tilespmem:s3+$0xCBC0] =	vst v32;
	v32 =	vsub.f32 v46, v61  }
0xfa: {  	v16 =	vand.u32 $0x80000000, v42;
	v44 =	vmul.f32 v13, v3;
	v13 =	vor.u32 v29, v1  }
0xfb: {  	v29 =	vadd.f32 v5, v21;
	v21 =	vmul.f32 v22, v2;
	v24 =	vadd.f32 v17, v40  }
0xfc: {  	v45 =	vmul.f32 v9, v3;
	v16 =	vor.u32 v16, v1;
	v9 =	vor.u32 v28, v1  }
0xfd: {  	v7 =	vand.u32 $0x80000000, v44;
	[tilespmem:s3+$0xCB90] =	vst v21;
	v21 =	vadd.f32 v13, v41;
	v25 =	vadd.f32 v16, v42  }
0xfe: {  	[tilespmem:s3+$0xCBA0] =	vst v19;
	v19 =	vadd.f32 v9, v43;
	v28 =	vand.u32 $0x80000000, v45;
	v14 =	vor.u32 v7, v1  }
0xff: {  	[tilespmem:s3+$0xCBB0] =	vst v18;
	v7 =	vor.u32 v28, v1;
	v28 =	vadd.f32 v10, v27;
	v27 =	vadd.f32 v15, v38  }
0x100: {  	s8 =	simm.s32 $0x200;
	s9 =	simm.s32 $0xC00;
	v34 =	vmul.f32 v37, v2;
	[tilespmem:s3+$0xCBD0] =	vst v36;
	v22 =	vadd.f32 v14, v44;
	v18 =	vadd.f32 v7, v45  }
.LBB2_12:
0x101: {  	p0 =	sne.s32 s9, $0x18C00;
	v35 =	vld [tilespmem:s8+$0x410];
	v5 =	vsub.f32 v29, v5;
	v6 =	vsub.f32 v30, v6;
	[tilespmem:s3+$0xCBE0] =	vst v33;
	v4 =	vmul.f32 v4, v2  }
0x102: {  	v8 =	vsub.f32 v26, v8;
	v10 =	vsub.f32 v28, v10;
	v29 =	vld [tilespmem:s8+$0x320];
	v30 =	vmul.f32 v32, v2;
	[tilespmem:s3+$0xCBF0] =	vst v34  }
0x103: {  	v23 =	vsub.f32 v23, v11;
	v27 =	vsub.f32 v27, v15;
	v28 =	vmul.f32 v31, v2;
	v26 =	vld [tilespmem:s8+$0x330];
	[tilespmem:s3+$0xCC00] =	vst v4;
	s3 =	smov.u32 s26;
	s26 =	smov.u32 s8  }
0x104: {  	v20 =	vsub.f32 v20, v12;
	v24 =	vsub.f32 v24, v17;
	v4 =	vmul.f32 v5, v2;
	v11 =	vld [tilespmem:s26+$0x340];
	[tilespmem:s3+$0xCB20] =	vst v30  }
0x105: {  	v31 =	vsub.f32 v21, v13;
	v32 =	vsub.f32 v25, v16;
	v6 =	vmul.f32 v6, v2;
	v5 =	vld [tilespmem:s26+$0x350];
	[tilespmem:s3+$0xCB30] =	vst v28  }
0x106: {  	v33 =	vsub.f32 v19, v9;
	v34 =	vsub.f32 v22, v14;
	v12 =	vld [tilespmem:s26+$0x360];
	v13 =	vmul.f32 v35, v3;
	[tilespmem:s3+$0xCB40] =	vst v4  }
0x107: {  	v4 =	vsub.f32 v18, v7;
	v14 =	vmul.f32 v29, v3;
	v9 =	vld [tilespmem:s26+$0x370];
	[tilespmem:s3+$0xCB50] =	vst v6;
	v6 =	vmul.f32 v8, v2  }
0x108: {  	v10 =	vmul.f32 v10, v2;
	v18 =	vmul.f32 v26, v3;
	v7 =	vld [tilespmem:s26+$0x380];
	v8 =	vand.u32 $0x80000000, v13  }
0x109: {  	v15 =	vand.u32 $0x80000000, v14;
	v19 =	vmul.f32 v11, v3;
	v11 =	vld [tilespmem:s26+$0x390];
	v8 =	vor.u32 v8, v1;
	[tilespmem:s3+$0xCB60] =	vst v6  }
0x10a: {  	v6 =	vand.u32 $0x80000000, v18;
	v21 =	vmul.f32 v5, v3;
	v16 =	vld [tilespmem:s26+$0x3A0];
	v5 =	vadd.f32 v8, v13;
	[tilespmem:s3+$0xCB70] =	vst v10  }
0x10b: {  	v35 =	vor.u32 v15, v1;
	v10 =	vand.u32 $0x80000000, v19;
	v22 =	vmul.f32 v12, v3;
	v12 =	vld [tilespmem:s26+$0x3B0]  }
0x10c: {  	v13 =	vand.u32 $0x80000000, v21;
	v25 =	vmul.f32 v9, v3;
	v9 =	vld [tilespmem:s26+$0x3C0];
	v5 =	vsub.f32 v5, v8  }
0x10d: {  	v36 =	vor.u32 v6, v1;
	v8 =	vand.u32 $0x80000000, v22;
	v37 =	vmul.f32 v7, v3;
	v7 =	vld [tilespmem:s26+$0x3D0]  }
0x10e: {  	v15 =	vand.u32 $0x80000000, v25;
	v38 =	vmul.f32 v11, v3;
	v17 =	vld [tilespmem:s26+$0x3E0];
	v11 =	vmul.f32 v5, v2  }
0x10f: {  	v5 =	vor.u32 v10, v1;
	v26 =	vand.u32 $0x80000000, v37;
	v39 =	vmul.f32 v16, v3;
	v16 =	vld [tilespmem:s26+$0x3F0]  }
0x110: {  	v6 =	vor.u32 v13, v1;
	v13 =	vand.u32 $0x80000000, v38;
	v40 =	vmul.f32 v12, v3;
	v28 =	vld [tilespmem:s26+$0x400];
	[tilespmem:s26+$0xCC10] =	vst v11  }
0x111: {  	v8 =	vor.u32 v8, v1;
	v12 =	vand.u32 $0x80000000, v39;
	v41 =	vmul.f32 v9, v3  }
0x112: {  	v10 =	vor.u32 v15, v1;
	v9 =	vand.u32 $0x80000000, v40;
	v42 =	vmul.f32 v7, v3  }
0x113: {  	v11 =	vor.u32 v26, v1;
	v7 =	vand.u32 $0x80000000, v41;
	v43 =	vmul.f32 v17, v3  }
0x114: {  	v15 =	vor.u32 v13, v1;
	v26 =	vand.u32 $0x80000000, v42;
	v44 =	vmul.f32 v16, v3  }
0x115: {  	v12 =	vor.u32 v12, v1;
	v29 =	vand.u32 $0x80000000, v43;
	v45 =	vmul.f32 v28, v3  }
0x116: {  	v17 =	vor.u32 v9, v1;
	v13 =	vor.u32 v7, v1;
	v7 =	vand.u32 $0x80000000, v44  }
0x117: {  	v16 =	vor.u32 v26, v1;
	v9 =	vor.u32 v29, v1;
	v26 =	vand.u32 $0x80000000, v45  }
0x118: {  	v46 =	vadd.f32 v35, v14;
	v14 =	vor.u32 v7, v1;
	v7 =	vor.u32 v26, v1  }
0x119: {  	v47 =	vadd.f32 v36, v18;
	v18 =	vmul.f32 v23, v2;
	v29 =	vadd.f32 v5, v19  }
0x11a: {  	v30 =	vadd.f32 v6, v21;
	v19 =	vmul.f32 v27, v2;
	v26 =	vadd.f32 v8, v22  }
0x11b: {  	v23 =	vadd.f32 v11, v37;
	v28 =	vadd.f32 v10, v25;
	[tilespmem:s3+$0xCB80] =	vst v18;
	v18 =	vmul.f32 v20, v2  }
.Ltmp7:
0x11c: {  	v27 =	vadd.f32 v15, v38;
	v22 =	vmul.f32 v24, v2;
	v20 =	vadd.f32 v12, v39;
	[tilespmem:s3+$0xCB90] =	vst v19;
	(pc) =	sbr.rel @p0 .LBB2_12-.Ltmp7, $4  }
0x11d: {  	v31 =	vmul.f32 v31, v2;
	v21 =	vadd.f32 v13, v41;
	v24 =	vadd.f32 v17, v40;
	[tilespmem:s3+$0xCBA0] =	vst v18  }
0x11e: {  	v37 =	vmul.f32 v32, v2;
	v25 =	vadd.f32 v16, v42;
	v19 =	vadd.f32 v9, v43;
	[tilespmem:s3+$0xCBB0] =	vst v22  }
0x11f: {  	v33 =	vmul.f32 v33, v2;
	v18 =	vadd.f32 v7, v45;
	v22 =	vadd.f32 v14, v44;
	[tilespmem:s3+$0xCBC0] =	vst v31  }
0x120: {  	s8 =	sshra.s32 s9, $0x2;
	s9 =	sadd.s32 $0x400, s9;
	v34 =	vmul.f32 v34, v2;
	v32 =	vsub.f32 v46, v35;
	v31 =	vsub.f32 v47, v36;
	[tilespmem:s3+$0xCBD0] =	vst v37  }
0x121: {  	v35 =	vld [tilespmem:s8+$0x410];
	[tilespmem:s3+$0xCBE0] =	vst v33;
	v4 =	vmul.f32 v4, v2;
	v5 =	vsub.f32 v29, v5  }
0x122: {  	v6 =	vsub.f32 v30, v6;
	v8 =	vsub.f32 v26, v8;
	v33 =	vld [tilespmem:s8+$0x320];
	[tilespmem:s3+$0xCBF0] =	vst v34;
	v32 =	vmul.f32 v32, v2  }
0x123: {  	v10 =	vsub.f32 v28, v10;
	v11 =	vsub.f32 v23, v11;
	v29 =	vmul.f32 v31, v2;
	v34 =	vld [tilespmem:s8+$0x330];
	[tilespmem:s3+$0xCC00] =	vst v4  }
0x124: {  	v12 =	vsub.f32 v20, v12;
	v17 =	vsub.f32 v24, v17;
	v5 =	vmul.f32 v5, v2;
	v4 =	vld [tilespmem:s8+$0x340];
	[tilespmem:s26+$0xCB20] =	vst v32  }
0x125: {  	v13 =	vsub.f32 v21, v13;
	v9 =	vsub.f32 v19, v9;
	v6 =	vmul.f32 v6, v2;
	v31 =	vld [tilespmem:s8+$0x350];
	[tilespmem:s26+$0xCB30] =	vst v29  }
0x126: {  	v7 =	vsub.f32 v18, v7;
	v8 =	vmul.f32 v8, v2;
	v10 =	vmul.f32 v10, v2;
	v26 =	vld [tilespmem:s8+$0x360];
	[tilespmem:s26+$0xCB40] =	vst v5  }
0x127: {  	v11 =	vmul.f32 v11, v2;
	v9 =	vmul.f32 v9, v2;
	v5 =	vsub.f32 v27, v15;
	v15 =	vld [tilespmem:s8+$0x370];
	[tilespmem:s26+$0xCB50] =	vst v6  }
0x128: {  	v6 =	vsub.f32 v25, v16;
	v16 =	vmul.f32 v35, v3;
	v19 =	vmul.f32 v33, v3;
	v20 =	vld [tilespmem:s8+$0x380]  }
0x129: {  	v14 =	vsub.f32 v22, v14;
	v7 =	vmul.f32 v7, v2;
	v21 =	vld [tilespmem:s8+$0x390];
	v18 =	vmul.f32 v34, v3;
	[tilespmem:s26+$0xCB60] =	vst v8  }
0x12a: {  	v5 =	vmul.f32 v5, v2;
	v8 =	vand.u32 $0x80000000, v16;
	v22 =	vand.u32 $0x80000000, v19;
	v23 =	vld [tilespmem:s8+$0x3A0];
	[tilespmem:s26+$0xCB70] =	vst v10  }
0x12b: {  	v4 =	vmul.f32 v4, v3;
	v8 =	vor.u32 v8, v1;
	v25 =	vmul.f32 v31, v3;
	v27 =	vld [tilespmem:s8+$0x3B0]  }
0x12c: {  	v24 =	vand.u32 $0x80000000, v18;
	v29 =	vld [tilespmem:s8+$0x3C0];
	v10 =	vadd.f32 v8, v16;
	v16 =	vor.u32 v22, v1  }
0x12d: {  	v32 =	vld [tilespmem:s8+$0x3E0];
	v22 =	vand.u32 $0x80000000, v4;
	v26 =	vmul.f32 v26, v3;
	v28 =	vand.u32 $0x80000000, v25  }
0x12e: {  	v48 =	vld [tilespmem:s8+$0x3F0];
	v15 =	vmul.f32 v15, v3;
	v22 =	vor.u32 v22, v1;
	v8 =	vsub.f32 v10, v8  }
0x12f: {  	v36 =	vld [tilespmem:s8+$0x400];
	v10 =	vor.u32 v24, v1;
	v20 =	vmul.f32 v20, v3;
	v30 =	vand.u32 $0x80000000, v26  }
0x130: {  	v21 =	vmul.f32 v21, v3;
	v28 =	vor.u32 v28, v1;
	v4 =	vadd.f32 v22, v4  }
0x131: {  	v31 =	vand.u32 $0x80000000, v15;
	v23 =	vmul.f32 v23, v3;
	v30 =	vor.u32 v30, v1  }
0x132: {  	v8 =	vmul.f32 v8, v2;
	v47 =	vand.u32 $0x80000000, v20;
	v27 =	vmul.f32 v27, v3  }
0x133: {  	v24 =	vld [tilespmem:s8+$0x3D0];
	v49 =	vand.u32 $0x80000000, v21;
	v29 =	vmul.f32 v29, v3;
	v32 =	vmul.f32 v32, v3  }
0x134: {  	v31 =	vor.u32 v31, v1;
	v34 =	vmul.f32 v48, v3;
	v36 =	vmul.f32 v36, v3  }
0x135: {  	v4 =	vsub.f32 v4, v22;
	v37 =	vand.u32 $0x80000000, v23;
	v33 =	vor.u32 v47, v1;
	[tilespmem:s8+$0xCC10] =	vst v8  }
0x136: {  	v35 =	vor.u32 v49, v1;
	v38 =	vand.u32 $0x80000000, v27;
	v39 =	vand.u32 $0x80000000, v29;
	[tilespmem:s26+$0xCB80] =	vst v11  }
0x137: {  	v37 =	vor.u32 v37, v1;
	v8 =	vand.u32 $0x80000000, v32;
	v4 =	vmul.f32 v4, v2;
	[tilespmem:s26+$0xCB90] =	vst v5  }
0x138: {  	v24 =	vmul.f32 v24, v3;
	v38 =	vor.u32 v38, v1;
	v11 =	vmul.f32 v12, v2;
	[tilespmem:s26+$0xCBE0] =	vst v9  }
0x139: {  	v39 =	vor.u32 v39, v1;
	v12 =	vand.u32 $0x80000000, v34;
	v5 =	vmul.f32 v17, v2;
	[tilespmem:s26+$0xCC00] =	vst v7  }
0x13a: {  	v8 =	vor.u32 v8, v1;
	v17 =	vand.u32 $0x80000000, v36;
	[tilespmem:s26+$0xCBA0] =	vst v11;
	v11 =	vmul.f32 v13, v2  }
0x13b: {  	v9 =	vadd.f32 v30, v26;
	v13 =	vadd.f32 v16, v19;
	[tilespmem:s26+$0xCBB0] =	vst v5;
	v5 =	vmul.f32 v6, v2  }
0x13c: {  	v7 =	vadd.f32 v33, v20;
	v6 =	vor.u32 v17, v1;
	v17 =	vadd.f32 v10, v18;
	[tilespmem:s26+$0xCBC0] =	vst v11  }
0x13d: {  	v12 =	vor.u32 v12, v1;
	v11 =	vsub.f32 v13, v16;
	[tilespmem:s26+$0xCBD0] =	vst v5;
	v5 =	vmul.f32 v14, v2  }
0x13e: {  	v40 =	vand.u32 $0x80000000, v24;
	v13 =	vadd.f32 v28, v25;
	v10 =	vsub.f32 v17, v10  }
0x13f: {  	v9 =	vsub.f32 v9, v30;
	v11 =	vmul.f32 v11, v2;
	[tilespmem:s26+$0xCBF0] =	vst v5;
	v5 =	vadd.f32 v31, v15  }
0x140: {  	v7 =	vsub.f32 v7, v33;
	v13 =	vsub.f32 v13, v28;
	v10 =	vmul.f32 v10, v2;
	[tilespmem:s8+$0xCB40] =	vst v4  }
0x141: {  	v4 =	vmul.f32 v9, v2;
	[tilespmem:s8+$0xCB20] =	vst v11;
	v11 =	vadd.f32 v35, v21;
	v5 =	vsub.f32 v5, v31  }
0x142: {  	v40 =	vor.u32 v40, v1;
	[tilespmem:s8+$0xCB30] =	vst v10;
	v10 =	vmul.f32 v13, v2;
	v13 =	vadd.f32 v37, v23  }
0x143: {  	v9 =	vadd.f32 v38, v27;
	[tilespmem:s8+$0xCB60] =	vst v4;
	v11 =	vsub.f32 v11, v35;
	v5 =	vmul.f32 v5, v2  }
0x144: {  	v4 =	vmul.f32 v7, v2;
	[tilespmem:s8+$0xCB50] =	vst v10;
	v10 =	vadd.f32 v39, v29;
	v13 =	vsub.f32 v13, v37  }
0x145: {  	v7 =	vadd.f32 v40, v24;
	v9 =	vsub.f32 v9, v38;
	[tilespmem:s8+$0xCB70] =	vst v5;
	v5 =	vmul.f32 v11, v2  }
0x146: {  	[tilespmem:s8+$0xCB80] =	vst v4;
	v11 =	vadd.f32 v8, v32;
	v10 =	vsub.f32 v10, v39;
	v4 =	vmul.f32 v13, v2  }
0x147: {  	v7 =	vsub.f32 v7, v40;
	v13 =	vadd.f32 v12, v34;
	[tilespmem:s8+$0xCB90] =	vst v5;
	v5 =	vmul.f32 v9, v2  }
0x148: {  	v9 =	vadd.f32 v6, v36;
	v8 =	vsub.f32 v11, v8;
	[tilespmem:s8+$0xCBA0] =	vst v4;
	v4 =	vmul.f32 v10, v2  }
0x149: {  	v10 =	vsub.f32 v13, v12;
	[tilespmem:s8+$0xCBB0] =	vst v5;
	v5 =	vmul.f32 v7, v2  }
0x14a: {  	s26 =	smul.u32 $0x190, s25;
	v6 =	vsub.f32 v9, v6;
	[tilespmem:s8+$0xCBC0] =	vst v4;
	v4 =	vmul.f32 v8, v2  }
0x14b: {  	[tilespmem:s8+$0xCBD0] =	vst v5;
	v5 =	vmul.f32 v10, v2  }
0x14c: {  	s12 =	sadd.s32 s7, s26;
	[tilespmem:s8+$0xCBE0] =	vst v4;
	v4 =	vmul.f32 v6, v2  }
0x14d: {  	s3 =	sshll.u32 s12, $0x4;
	[tilespmem:s8+$0xCBF0] =	vst v5  }
0x14e: {  	p0 =	seq.s32 s25, $0x1F;
	s3 =	sadd.s32 s2, s3;
	[tilespmem:s8+$0xCC00] =	vst v4  }
0x14f: {  	[hbm4b:s3+s4] =	stream.linear.scatter [tilespmem:s29], [sflag:$0x3], $0x6400, $0x38;
	[tilespmem:$0x19440] =	vst v63  }
0x150: {  	s3 =	smul.u32 @!p0 $0x320, s25  }
0x151: {  	s8 =	simm.s32 @!p0 $0x3  }
0x152: {  	_ =	swait.ge @!p0 [sflag:s8], $0x6400;
	s3 =	sadd.s32 @!p0 s3, s16  }
0x153: {  	[sflag:s8] =	ssyncset.done @!p0 $0x0;
	s3 =	sshrl.u32 @!p0 s3, $0x3  }
0x154: {  	[sflag:s8] =	ssyncadd.s32 @!p0 $0xFFFF9C00;
	s8 =	simm.s32 @!p0 $0x0;
	s3 =	sadd.s32 @!p0 s6, s3  }
0x155: {  	[tilespmem:s8], [sflag:$0x5] =	stream.linear.gather @!p0 [hbm4b:s3+s8], $0x190, $0x38;
	[tilespmem:$0x19440] =	vst v63  }
0x156: {  	s3 =	simm.s32 @!p0 $0x5  }
0x157: {  	_ =	swait.ge @!p0 [sflag:s3], $0x190  }
0x158: {  	[sflag:s3] =	ssyncset.done @!p0 $0x0  }
0x159: {  	s9 =	simm.s32 @!p0 $0x320;
	[sflag:s3] =	ssyncadd.s32 @!p0 $0xFFFFFE70;
	s3 =	simm.s32 @!p0 $0x190  }
0x15a: {  	[tilespmem:s9], [sflag:$0x1] =	stream.indirect.gather @!p0 [hbm4b:s5+s3], $0x40, s8, s3, $0xb8;
	[tilespmem:$0x19440] =	vst v63  }
0x15b: {  	_ =	swait.ge [sflag:s23], $0x6400  }
0x15c: {  	[sflag:s23] =	ssyncset.done $0x0  }
0x15d: {  	s8 =	simm.s32 $0x0;
	[sflag:s23] =	ssyncadd.s32 $0xFFFF9C00  }
0x15e: {  	v4 =	vld [tilespmem:s8+$0x6810]  }
0x15f: {  	v5 =	vld [tilespmem:s8+$0x6720]  }
0x160: {  	v6 =	vld [tilespmem:s8+$0x6730]  }
0x161: {  	v7 =	vld [tilespmem:s8+$0x6740]  }
0x162: {  	v8 =	vld [tilespmem:s8+$0x6750]  }
0x163: {  	v9 =	vld [tilespmem:s8+$0x6760]  }
0x164: {  	v10 =	vld [tilespmem:s8+$0x6770]  }
0x165: {  	v11 =	vld [tilespmem:s8+$0x6780]  }
0x166: {  	v14 =	vld [tilespmem:s8+$0x6790]  }
0x167: {  	v16 =	vld [tilespmem:s8+$0x67A0]  }
0x168: {  	v18 =	vld [tilespmem:s8+$0x67B0]  }
0x169: {  	v20 =	vld [tilespmem:s8+$0x67C0]  }
0x16a: {  	v21 =	vld [tilespmem:s8+$0x67D0]  }
0x16b: {  	v23 =	vld [tilespmem:s8+$0x67E0];
	v4 =	vmul.f32 v4, v3;
	v5 =	vmul.f32 v5, v3  }
0x16c: {  	v25 =	vld [tilespmem:s8+$0x67F0];
	v6 =	vmul.f32 v6, v3;
	v7 =	vmul.f32 v7, v3  }
0x16d: {  	v27 =	vld [tilespmem:s8+$0x6800];
	v8 =	vmul.f32 v8, v3;
	v9 =	vmul.f32 v9, v3  }
0x16e: {  	v10 =	vmul.f32 v10, v3;
	v11 =	vmul.f32 v11, v3  }
0x16f: {  	v14 =	vmul.f32 v14, v3;
	v16 =	vmul.f32 v16, v3  }
0x170: {  	v18 =	vmul.f32 v18, v3;
	v20 =	vmul.f32 v20, v3  }
0x171: {  	v21 =	vmul.f32 v21, v3;
	v23 =	vmul.f32 v23, v3  }
0x172: {  	v25 =	vmul.f32 v25, v3;
	v27 =	vmul.f32 v27, v3  }
0x173: {  	v12 =	vand.u32 $0x80000000, v4;
	v13 =	vand.u32 $0x80000000, v5;
	v15 =	vand.u32 $0x80000000, v6  }
0x174: {  	v17 =	vand.u32 $0x80000000, v7;
	v19 =	vand.u32 $0x80000000, v8;
	v22 =	vand.u32 $0x80000000, v10  }
0x175: {  	v24 =	vand.u32 $0x80000000, v11;
	v26 =	vand.u32 $0x80000000, v14;
	v28 =	vand.u32 $0x80000000, v16  }
0x176: {  	v29 =	vand.u32 $0x80000000, v18;
	v30 =	vand.u32 $0x80000000, v20;
	v31 =	vand.u32 $0x80000000, v21  }
0x177: {  	v50 =	vand.u32 $0x80000000, v23;
	v51 =	vand.u32 $0x80000000, v25;
	v12 =	vor.u32 v12, v1  }
0x178: {  	v13 =	vor.u32 v13, v1;
	v17 =	vor.u32 v17, v1;
	v19 =	vor.u32 v19, v1  }
0x179: {  	v22 =	vor.u32 v22, v1;
	v24 =	vor.u32 v24, v1;
	v4 =	vadd.f32 v12, v4  }
0x17a: {  	v26 =	vor.u32 v26, v1;
	v5 =	vadd.f32 v13, v5;
	v7 =	vadd.f32 v17, v7  }
0x17b: {  	v28 =	vor.u32 v28, v1;
	v8 =	vadd.f32 v19, v8;
	v10 =	vadd.f32 v22, v10  }
0x17c: {  	v29 =	vor.u32 v29, v1;
	v11 =	vadd.f32 v24, v11;
	v14 =	vadd.f32 v26, v14  }
0x17d: {  	v30 =	vor.u32 v30, v1;
	v16 =	vadd.f32 v28, v16;
	v18 =	vadd.f32 v29, v18  }
0x17e: {  	v52 =	vand.u32 $0x80000000, v27;
	v20 =	vadd.f32 v30, v20;
	v4 =	vsub.f32 v4, v12  }
0x17f: {  	v12 =	vor.u32 v15, v1;
	v5 =	vsub.f32 v5, v13;
	v7 =	vsub.f32 v7, v17  }
0x180: {  	v8 =	vsub.f32 v8, v19;
	v19 =	vsub.f32 v11, v24;
	v4 =	vmul.f32 v4, v2  }
0x181: {  	v33 =	vor.u32 v51, v1;
	v24 =	vsub.f32 v16, v28;
	v6 =	vadd.f32 v12, v6  }
0x182: {  	s3 =	simm.s32 $0x100;
	v15 =	vand.u32 $0x80000000, v9;
	v18 =	vsub.f32 v18, v29;
	v55 =	vsub.f32 v20, v30;
	[tilespmem:s8+$0x13010] =	vst v4  }
0x183: {  	v15 =	vor.u32 v15, v1;
	v5 =	vmul.f32 v5, v2;
	v6 =	vsub.f32 v6, v12;
	v13 =	vld [tilespmem:s3+$0x6810]  }
0x184: {  	v9 =	vadd.f32 v15, v9;
	v7 =	vmul.f32 v7, v2;
	v8 =	vmul.f32 v8, v2;
	v53 =	vld [tilespmem:s3+$0x6720]  }
0x185: {  	v4 =	vor.u32 v31, v1;
	v31 =	vor.u32 v50, v1;
	v12 =	vld [tilespmem:s3+$0x6730];
	v6 =	vmul.f32 v6, v2  }
0x186: {  	v19 =	vmul.f32 v19, v2;
	v54 =	vld [tilespmem:s3+$0x6740];
	v21 =	vadd.f32 v4, v21;
	[tilespmem:s8+$0x12F20] =	vst v5;
	v17 =	vadd.f32 v31, v23  }
0x187: {  	v18 =	vmul.f32 v18, v2;
	v23 =	vadd.f32 v33, v25;
	v25 =	vld [tilespmem:s3+$0x6750];
	[tilespmem:s8+$0x12F30] =	vst v6;
	v6 =	vsub.f32 v9, v15  }
0x188: {  	v32 =	vmul.f32 v55, v2;
	v9 =	vsub.f32 v10, v22;
	v56 =	vsub.f32 v21, v4  }
0x189: {  	v5 =	vor.u32 v52, v1;
	v31 =	vsub.f32 v17, v31;
	v6 =	vmul.f32 v6, v2  }
0x18a: {  	v27 =	vadd.f32 v5, v27;
	v10 =	vld [tilespmem:s3+$0x6760];
	[tilespmem:s8+$0x12F40] =	vst v7;
	v9 =	vmul.f32 v9, v2;
	v36 =	vmul.f32 v56, v2  }
0x18b: {  	v57 =	vsub.f32 v23, v33;
	v7 =	vld [tilespmem:s3+$0x6770];
	[tilespmem:s8+$0x12F50] =	vst v8;
	v33 =	vmul.f32 v31, v2;
	v8 =	vmul.f32 v13, v3  }
0x18c: {  	v22 =	vsub.f32 v14, v26;
	v11 =	vld [tilespmem:s3+$0x6780];
	v14 =	vmul.f32 v53, v3;
	v20 =	vmul.f32 v12, v3  }
0x18d: {  	v4 =	vsub.f32 v27, v5;
	v5 =	vld [tilespmem:s3+$0x6790];
	v21 =	vmul.f32 v54, v3;
	v23 =	vmul.f32 v25, v3  }
0x18e: {  	[tilespmem:s8+$0x12F60] =	vst v6;
	v12 =	vand.u32 $0x80000000, v8;
	v6 =	vand.u32 $0x80000000, v14;
	v15 =	vand.u32 $0x80000000, v20  }
0x18f: {  	v12 =	vor.u32 v12, v1;
	v58 =	vor.u32 v6, v1;
	v6 =	vand.u32 $0x80000000, v21  }
0x190: {  	v13 =	vld [tilespmem:s3+$0x67A0];
	[tilespmem:s8+$0x12F70] =	vst v9;
	v25 =	vmul.f32 v10, v3;
	v10 =	vand.u32 $0x80000000, v23;
	v59 =	vor.u32 v15, v1  }
0x191: {  	v9 =	vld [tilespmem:s3+$0x67B0];
	v8 =	vadd.f32 v12, v8;
	v27 =	vmul.f32 v7, v3;
	v46 =	vadd.f32 v58, v14  }
0x192: {  	v16 =	vld [tilespmem:s3+$0x67E0];
	v47 =	vadd.f32 v59, v20;
	v60 =	vmul.f32 v11, v3;
	v61 =	vmul.f32 v5, v3  }
0x193: {  	v7 =	vld [tilespmem:s3+$0x67C0];
	v5 =	vor.u32 v6, v1;
	v6 =	vor.u32 v10, v1;
	v8 =	vsub.f32 v8, v12  }
0x194: {  	v11 =	vld [tilespmem:s3+$0x67D0];
	v12 =	vand.u32 $0x80000000, v25;
	v15 =	vand.u32 $0x80000000, v27;
	v30 =	vadd.f32 v6, v23  }
0x195: {  	v31 =	vsub.f32 v47, v59;
	v17 =	vand.u32 $0x80000000, v60;
	v62 =	vmul.f32 v13, v3  }
0x196: {  	v28 =	vand.u32 $0x80000000, v61;
	v10 =	vor.u32 v15, v1;
	v26 =	vmul.f32 v8, v2  }
0x197: {  	v63 =	vmul.f32 v9, v3;
	v8 =	vor.u32 v12, v1;
	v43 =	vmul.f32 v16, v3  }
0x198: {  	v13 =	vld [tilespmem:s3+$0x67F0];
	v15 =	vor.u32 v28, v1;
	v12 =	vand.u32 $0x80000000, v62;
	v41 =	vmul.f32 v7, v3  }
0x199: {  	v7 =	vand.u32 $0x80000000, v63;
	v42 =	vmul.f32 v11, v3;
	v11 =	vor.u32 v17, v1  }
0x19a: {  	v9 =	vld [tilespmem:s3+$0x6800];
	v12 =	vor.u32 v12, v1;
	v28 =	vand.u32 $0x80000000, v43;
	[tilespmem:s3+$0x13010] =	vst v26;
	v26 =	vadd.f32 v8, v25  }
0x19b: {  	v29 =	vand.u32 $0x80000000, v41;
	v17 =	vor.u32 v7, v1;
	v23 =	vadd.f32 v11, v60;
	[tilespmem:s8+$0x12F80] =	vst v19  }
0x19c: {  	v19 =	vmul.f32 v24, v2;
	v20 =	vadd.f32 v12, v62;
	[tilespmem:s8+$0x12FC0] =	vst v32;
	v32 =	vsub.f32 v46, v58  }
0x19d: {  	v16 =	vand.u32 $0x80000000, v42;
	v44 =	vmul.f32 v13, v3;
	v13 =	vor.u32 v29, v1  }
0x19e: {  	v29 =	vadd.f32 v5, v21;
	v21 =	vmul.f32 v22, v2;
	v24 =	vadd.f32 v17, v63  }
0x19f: {  	v45 =	vmul.f32 v9, v3;
	v16 =	vor.u32 v16, v1;
	v9 =	vor.u32 v28, v1  }
0x1a0: {  	v7 =	vand.u32 $0x80000000, v44;
	[tilespmem:s8+$0x12F90] =	vst v21;
	v21 =	vadd.f32 v13, v41;
	v25 =	vadd.f32 v16, v42  }
0x1a1: {  	[tilespmem:s8+$0x12FA0] =	vst v19;
	v19 =	vadd.f32 v9, v43;
	v28 =	vand.u32 $0x80000000, v45;
	v14 =	vor.u32 v7, v1  }
0x1a2: {  	[tilespmem:s8+$0x12FB0] =	vst v18;
	v7 =	vor.u32 v28, v1;
	v28 =	vadd.f32 v10, v27;
	v27 =	vadd.f32 v15, v61  }
0x1a3: {  	s12 =	simm.s32 $0xC00;
	s9 =	simm.s32 $0x200;
	v34 =	vmul.f32 v57, v2;
	[tilespmem:s8+$0x12FD0] =	vst v36;
	v22 =	vadd.f32 v14, v44;
	v18 =	vadd.f32 v7, v45  }
.LBB2_14:
0x1a4: {  	p1 =	sne.s32 s12, $0x18C00;
	v35 =	vld [tilespmem:s9+$0x6810];
	v5 =	vsub.f32 v29, v5;
	v6 =	vsub.f32 v30, v6;
	[tilespmem:s8+$0x12FE0] =	vst v33;
	v4 =	vmul.f32 v4, v2  }
0x1a5: {  	v8 =	vsub.f32 v26, v8;
	v10 =	vsub.f32 v28, v10;
	v29 =	vld [tilespmem:s9+$0x6720];
	v30 =	vmul.f32 v32, v2;
	[tilespmem:s8+$0x12FF0] =	vst v34  }
0x1a6: {  	v23 =	vsub.f32 v23, v11;
	v27 =	vsub.f32 v27, v15;
	v28 =	vmul.f32 v31, v2;
	v26 =	vld [tilespmem:s9+$0x6730];
	[tilespmem:s8+$0x13000] =	vst v4;
	s8 =	smov.u32 s3;
	s3 =	smov.u32 s9  }
0x1a7: {  	v20 =	vsub.f32 v20, v12;
	v24 =	vsub.f32 v24, v17;
	v4 =	vmul.f32 v5, v2;
	v11 =	vld [tilespmem:s3+$0x6740];
	[tilespmem:s8+$0x12F20] =	vst v30  }
0x1a8: {  	v31 =	vsub.f32 v21, v13;
	v32 =	vsub.f32 v25, v16;
	v6 =	vmul.f32 v6, v2;
	v5 =	vld [tilespmem:s3+$0x6750];
	[tilespmem:s8+$0x12F30] =	vst v28  }
0x1a9: {  	v33 =	vsub.f32 v19, v9;
	v34 =	vsub.f32 v22, v14;
	v12 =	vld [tilespmem:s3+$0x6760];
	v13 =	vmul.f32 v35, v3;
	[tilespmem:s8+$0x12F40] =	vst v4  }
0x1aa: {  	v4 =	vsub.f32 v18, v7;
	v14 =	vmul.f32 v29, v3;
	v9 =	vld [tilespmem:s3+$0x6770];
	[tilespmem:s8+$0x12F50] =	vst v6;
	v6 =	vmul.f32 v8, v2  }
0x1ab: {  	v10 =	vmul.f32 v10, v2;
	v18 =	vmul.f32 v26, v3;
	v7 =	vld [tilespmem:s3+$0x6780];
	v8 =	vand.u32 $0x80000000, v13  }
0x1ac: {  	v15 =	vand.u32 $0x80000000, v14;
	v19 =	vmul.f32 v11, v3;
	v11 =	vld [tilespmem:s3+$0x6790];
	v8 =	vor.u32 v8, v1;
	[tilespmem:s8+$0x12F60] =	vst v6  }
0x1ad: {  	v6 =	vand.u32 $0x80000000, v18;
	v21 =	vmul.f32 v5, v3;
	v16 =	vld [tilespmem:s3+$0x67A0];
	v5 =	vadd.f32 v8, v13;
	[tilespmem:s8+$0x12F70] =	vst v10  }
0x1ae: {  	v35 =	vor.u32 v15, v1;
	v10 =	vand.u32 $0x80000000, v19;
	v22 =	vmul.f32 v12, v3;
	v12 =	vld [tilespmem:s3+$0x67B0]  }
0x1af: {  	v13 =	vand.u32 $0x80000000, v21;
	v25 =	vmul.f32 v9, v3;
	v9 =	vld [tilespmem:s3+$0x67C0];
	v5 =	vsub.f32 v5, v8  }
0x1b0: {  	v36 =	vor.u32 v6, v1;
	v8 =	vand.u32 $0x80000000, v22;
	v37 =	vmul.f32 v7, v3;
	v7 =	vld [tilespmem:s3+$0x67D0]  }
0x1b1: {  	v15 =	vand.u32 $0x80000000, v25;
	v38 =	vmul.f32 v11, v3;
	v17 =	vld [tilespmem:s3+$0x67E0];
	v11 =	vmul.f32 v5, v2  }
0x1b2: {  	v5 =	vor.u32 v10, v1;
	v26 =	vand.u32 $0x80000000, v37;
	v39 =	vmul.f32 v16, v3;
	v16 =	vld [tilespmem:s3+$0x67F0]  }
0x1b3: {  	v6 =	vor.u32 v13, v1;
	v13 =	vand.u32 $0x80000000, v38;
	v40 =	vmul.f32 v12, v3;
	v28 =	vld [tilespmem:s3+$0x6800];
	[tilespmem:s3+$0x13010] =	vst v11  }
0x1b4: {  	v8 =	vor.u32 v8, v1;
	v12 =	vand.u32 $0x80000000, v39;
	v41 =	vmul.f32 v9, v3  }
0x1b5: {  	v10 =	vor.u32 v15, v1;
	v9 =	vand.u32 $0x80000000, v40;
	v42 =	vmul.f32 v7, v3  }
0x1b6: {  	v11 =	vor.u32 v26, v1;
	v7 =	vand.u32 $0x80000000, v41;
	v43 =	vmul.f32 v17, v3  }
0x1b7: {  	v15 =	vor.u32 v13, v1;
	v26 =	vand.u32 $0x80000000, v42;
	v44 =	vmul.f32 v16, v3  }
0x1b8: {  	v12 =	vor.u32 v12, v1;
	v29 =	vand.u32 $0x80000000, v43;
	v45 =	vmul.f32 v28, v3  }
0x1b9: {  	v17 =	vor.u32 v9, v1;
	v13 =	vor.u32 v7, v1;
	v7 =	vand.u32 $0x80000000, v44  }
0x1ba: {  	v16 =	vor.u32 v26, v1;
	v9 =	vor.u32 v29, v1;
	v26 =	vand.u32 $0x80000000, v45  }
0x1bb: {  	v46 =	vadd.f32 v35, v14;
	v14 =	vor.u32 v7, v1;
	v7 =	vor.u32 v26, v1  }
0x1bc: {  	v47 =	vadd.f32 v36, v18;
	v18 =	vmul.f32 v23, v2;
	v29 =	vadd.f32 v5, v19  }
0x1bd: {  	v30 =	vadd.f32 v6, v21;
	v19 =	vmul.f32 v27, v2;
	v26 =	vadd.f32 v8, v22  }
0x1be: {  	v23 =	vadd.f32 v11, v37;
	v28 =	vadd.f32 v10, v25;
	[tilespmem:s8+$0x12F80] =	vst v18;
	v18 =	vmul.f32 v20, v2  }
.Ltmp8:
0x1bf: {  	v27 =	vadd.f32 v15, v38;
	v22 =	vmul.f32 v24, v2;
	v20 =	vadd.f32 v12, v39;
	[tilespmem:s8+$0x12F90] =	vst v19;
	(pc) =	sbr.rel @p1 .LBB2_14-.Ltmp8, $4  }
0x1c0: {  	v31 =	vmul.f32 v31, v2;
	v21 =	vadd.f32 v13, v41;
	v24 =	vadd.f32 v17, v40;
	[tilespmem:s8+$0x12FA0] =	vst v18  }
0x1c1: {  	v37 =	vmul.f32 v32, v2;
	v25 =	vadd.f32 v16, v42;
	v19 =	vadd.f32 v9, v43;
	[tilespmem:s8+$0x12FB0] =	vst v22  }
0x1c2: {  	v33 =	vmul.f32 v33, v2;
	v18 =	vadd.f32 v7, v45;
	v22 =	vadd.f32 v14, v44;
	[tilespmem:s8+$0x12FC0] =	vst v31  }
0x1c3: {  	s9 =	sshra.s32 s12, $0x2;
	s12 =	sadd.s32 $0x400, s12;
	v34 =	vmul.f32 v34, v2;
	v32 =	vsub.f32 v46, v35;
	v31 =	vsub.f32 v47, v36;
	[tilespmem:s8+$0x12FD0] =	vst v37  }
0x1c4: {  	v5 =	vsub.f32 v29, v5  }
0x1c5: {  	v6 =	vsub.f32 v30, v6;
	v8 =	vsub.f32 v26, v8  }
0x1c6: {  	v10 =	vsub.f32 v28, v10;
	v11 =	vsub.f32 v23, v11  }
0x1c7: {  	v35 =	vld [tilespmem:s9+$0x6810];
	[tilespmem:s8+$0x12FE0] =	vst v33;
	v4 =	vmul.f32 v4, v2;
	v12 =	vsub.f32 v20, v12;
	v17 =	vsub.f32 v24, v17  }
0x1c8: {  	v13 =	vsub.f32 v21, v13;
	v33 =	vld [tilespmem:s9+$0x6720];
	[tilespmem:s8+$0x12FF0] =	vst v34;
	v32 =	vmul.f32 v32, v2;
	v39 =	vmul.f32 v31, v2  }
0x1c9: {  	v9 =	vsub.f32 v19, v9;
	v34 =	vld [tilespmem:s9+$0x6730];
	[tilespmem:s8+$0x13000] =	vst v4;
	v5 =	vmul.f32 v5, v2;
	v6 =	vmul.f32 v6, v2  }
0x1ca: {  	v14 =	vsub.f32 v22, v14;
	v8 =	vmul.f32 v8, v2;
	v10 =	vmul.f32 v10, v2;
	v4 =	vld [tilespmem:s9+$0x6740];
	[tilespmem:s3+$0x12F20] =	vst v32  }
0x1cb: {  	v7 =	vsub.f32 v18, v7;
	v11 =	vmul.f32 v11, v2;
	v63 =	vmul.f32 v12, v2;
	v40 =	vld [tilespmem:s9+$0x6750];
	[tilespmem:s3+$0x12F30] =	vst v39  }
0x1cc: {  	v9 =	vmul.f32 v9, v2;
	v41 =	vld [tilespmem:s9+$0x6760];
	[tilespmem:s3+$0x12F40] =	vst v5;
	v5 =	vsub.f32 v27, v15;
	v43 =	vmul.f32 v35, v3  }
0x1cd: {  	v7 =	vmul.f32 v7, v2;
	v42 =	vld [tilespmem:s9+$0x6770];
	[tilespmem:s3+$0x12F50] =	vst v6;
	v6 =	vsub.f32 v25, v16;
	v19 =	vmul.f32 v33, v3  }
0x1ce: {  	v44 =	vld [tilespmem:s9+$0x6780];
	v18 =	vmul.f32 v34, v3;
	v46 =	vand.u32 $0x80000000, v43;
	v5 =	vmul.f32 v5, v2  }
0x1cf: {  	v45 =	vld [tilespmem:s9+$0x6790];
	[tilespmem:s3+$0x12F60] =	vst v8;
	v47 =	vand.u32 $0x80000000, v19;
	v4 =	vmul.f32 v4, v3;
	v8 =	vor.u32 v46, v1  }
0x1d0: {  	v48 =	vld [tilespmem:s9+$0x67A0];
	[tilespmem:s3+$0x12F70] =	vst v10;
	v46 =	vmul.f32 v13, v2;
	v49 =	vand.u32 $0x80000000, v18;
	v25 =	vmul.f32 v40, v3  }
0x1d1: {  	v50 =	vadd.f32 v8, v43;
	v51 =	vor.u32 v47, v1;
	v53 =	vld [tilespmem:s9+$0x67B0];
	v52 =	vand.u32 $0x80000000, v4  }
0x1d2: {  	v29 =	vld [tilespmem:s9+$0x67C0];
	v26 =	vmul.f32 v41, v3;
	v55 =	vor.u32 v49, v1;
	v47 =	vadd.f32 v51, v19  }
0x1d3: {  	v56 =	vld [tilespmem:s9+$0x67D0];
	v54 =	vand.u32 $0x80000000, v25;
	v15 =	vmul.f32 v42, v3;
	v8 =	vsub.f32 v50, v8  }
0x1d4: {  	v32 =	vld [tilespmem:s9+$0x67E0];
	v22 =	vor.u32 v52, v1;
	v49 =	vadd.f32 v55, v18;
	v20 =	vmul.f32 v44, v3  }
0x1d5: {  	v60 =	vld [tilespmem:s9+$0x67F0];
	v57 =	vand.u32 $0x80000000, v26;
	v21 =	vmul.f32 v45, v3;
	v28 =	vor.u32 v54, v1  }
0x1d6: {  	v36 =	vld [tilespmem:s9+$0x6800];
	v4 =	vadd.f32 v22, v4;
	v50 =	vsub.f32 v47, v51;
	v58 =	vand.u32 $0x80000000, v15  }
0x1d7: {  	v8 =	vmul.f32 v8, v2;
	v23 =	vmul.f32 v48, v3;
	v30 =	vor.u32 v57, v1  }
0x1d8: {  	v51 =	vadd.f32 v28, v25;
	v10 =	vsub.f32 v49, v55;
	v59 =	vand.u32 $0x80000000, v20  }
0x1d9: {  	v61 =	vand.u32 $0x80000000, v21;
	v27 =	vmul.f32 v53, v3;
	v29 =	vmul.f32 v29, v3  }
0x1da: {  	v31 =	vor.u32 v58, v1;
	v24 =	vmul.f32 v56, v3;
	v32 =	vmul.f32 v32, v3;
	[tilespmem:s9+$0x13010] =	vst v8  }
0x1db: {  	v34 =	vmul.f32 v60, v3;
	v36 =	vmul.f32 v36, v3;
	v52 =	vadd.f32 v30, v26;
	[tilespmem:s3+$0x12F80] =	vst v11  }
0x1dc: {  	v4 =	vsub.f32 v4, v22;
	v37 =	vand.u32 $0x80000000, v23;
	v33 =	vor.u32 v59, v1;
	[tilespmem:s3+$0x12F90] =	vst v5  }
0x1dd: {  	v35 =	vor.u32 v61, v1;
	v13 =	vsub.f32 v51, v28;
	v5 =	vmul.f32 v17, v2;
	[tilespmem:s3+$0x12FA0] =	vst v63  }
0x1de: {  	v10 =	vmul.f32 v10, v2;
	v38 =	vand.u32 $0x80000000, v27;
	v39 =	vand.u32 $0x80000000, v29;
	[tilespmem:s3+$0x12FC0] =	vst v46  }
0x1df: {  	v40 =	vand.u32 $0x80000000, v24;
	v37 =	vor.u32 v37, v1;
	[tilespmem:s3+$0x12FB0] =	vst v5;
	v5 =	vmul.f32 v6, v2  }
0x1e0: {  	v62 =	vand.u32 $0x80000000, v32;
	v44 =	vand.u32 $0x80000000, v34;
	v45 =	vand.u32 $0x80000000, v36;
	[tilespmem:s3+$0x12FE0] =	vst v9  }
0x1e1: {  	v11 =	vmul.f32 v50, v2;
	v53 =	vadd.f32 v33, v20;
	[tilespmem:s3+$0x12FD0] =	vst v5;
	v5 =	vmul.f32 v14, v2  }
0x1e2: {  	[tilespmem:s3+$0x13000] =	vst v7;
	v9 =	vsub.f32 v52, v30;
	v4 =	vmul.f32 v4, v2;
	v54 =	vadd.f32 v35, v21  }
0x1e3: {  	v38 =	vor.u32 v38, v1;
	v39 =	vor.u32 v39, v1;
	v40 =	vor.u32 v40, v1;
	[tilespmem:s3+$0x12FF0] =	vst v5  }
0x1e4: {  	v8 =	vor.u32 v62, v1;
	v12 =	vor.u32 v44, v1;
	v5 =	vadd.f32 v31, v15;
	[tilespmem:s9+$0x12F20] =	vst v11  }
0x1e5: {  	v56 =	vadd.f32 v37, v23;
	v7 =	vsub.f32 v53, v33;
	[tilespmem:s9+$0x12F40] =	vst v4;
	v4 =	vmul.f32 v9, v2  }
0x1e6: {  	v48 =	vor.u32 v45, v1;
	v55 =	vmul.f32 v13, v2;
	[tilespmem:s9+$0x12F30] =	vst v10;
	v5 =	vsub.f32 v5, v31  }
0x1e7: {  	v58 =	vadd.f32 v39, v29;
	v13 =	vsub.f32 v56, v37;
	[tilespmem:s9+$0x12F60] =	vst v4;
	v4 =	vmul.f32 v7, v2  }
0x1e8: {  	v57 =	vadd.f32 v38, v27;
	v11 =	vsub.f32 v54, v35;
	[tilespmem:s9+$0x12F50] =	vst v55;
	v5 =	vmul.f32 v5, v2  }
0x1e9: {  	v60 =	vadd.f32 v8, v32;
	v10 =	vsub.f32 v58, v39;
	[tilespmem:s9+$0x12F80] =	vst v4;
	v4 =	vmul.f32 v13, v2  }
0x1ea: {  	v59 =	vadd.f32 v40, v24;
	v9 =	vsub.f32 v57, v38;
	[tilespmem:s9+$0x12F70] =	vst v5;
	v5 =	vmul.f32 v11, v2  }
0x1eb: {  	v62 =	vadd.f32 v48, v36;
	v8 =	vsub.f32 v60, v8;
	[tilespmem:s9+$0x12FA0] =	vst v4;
	v4 =	vmul.f32 v10, v2  }
0x1ec: {  	v61 =	vadd.f32 v12, v34;
	v7 =	vsub.f32 v59, v40;
	[tilespmem:s9+$0x12F90] =	vst v5;
	v5 =	vmul.f32 v9, v2  }
0x1ed: {  	v6 =	vsub.f32 v62, v48;
	[tilespmem:s9+$0x12FC0] =	vst v4;
	v4 =	vmul.f32 v8, v2  }
0x1ee: {  	v63 =	vsub.f32 v61, v12;
	[tilespmem:s9+$0x12FB0] =	vst v5;
	v5 =	vmul.f32 v7, v2  }
.Ltmp9:
0x1ef: {  	s26 =	sadd.s32 s26, s17;
	[tilespmem:s9+$0x12FE0] =	vst v4;
	v4 =	vmul.f32 v6, v2;
	(pc) =	sbr.rel @p0 .LBB2_17-.Ltmp9, $4  }
0x1f0: {  	s3 =	sshll.u32 s26, $0x4;
	[tilespmem:s9+$0x12FD0] =	vst v5;
	v5 =	vmul.f32 v63, v2  }
0x1f1: {  	s3 =	sand.u32 $0x1FFFFF80, s3;
	[tilespmem:s9+$0x13000] =	vst v4  }
0x1f2: {  	s3 =	sadd.s32 s2, s3;
	[tilespmem:s9+$0x12FF0] =	vst v5  }
0x1f3: {  	[hbm4b:s3+s4] =	stream.linear.scatter [tilespmem:s30], [sflag:$0x4], $0x6400, $0x38;
	[tilespmem:$0x19440] =	vst v63  }
0x1f4: {  	s3 =	smul.u32 $0x320, s25;
	_ =	sdelay $0x1  }
0x1f5: {  	_ =	swait.ge [sflag:s0], $0x6400;
	s3 =	sadd.s32 s3, s18  }
0x1f6: {  	[sflag:s0] =	ssyncset.done $0x0;
	s3 =	sshrl.u32 s3, $0x3  }
0x1f7: {  	[sflag:s0] =	ssyncadd.s32 $0xFFFF9C00;
	s3 =	sadd.s32 s6, s3  }
0x1f8: {  	[tilespmem:s28], [sflag:$0x5] =	stream.linear.gather [hbm4b:s3+s4], $0x190, $0x38;
	[tilespmem:$0x19440] =	vst v63  }
.Ltmp10:
0x1f9: {  	_ = 	snop;
	(pc) =	sbr.rel .LBB2_11-.Ltmp10, $4  }
0x1fa: {  	_ =	swait.ge [sflag:s24], $0x190  }
0x1fb: {  	[sflag:s24] =	ssyncset.done $0x0  }
0x1fc: {  	s25 =	sadd.s32 $0x1, s25;
	[sflag:s24] =	ssyncadd.s32 $0xFFFFFE70  }
0x1fd: {  	[tilespmem:s21], [sflag:$0x2] =	stream.indirect.gather [hbm4b:s5+s28], $0x40, s28, s28, $0xb8;
	[tilespmem:$0x19440] =	vst v63  }
.LBB2_18:
0x1fe: {  	_ =	sfence.sel $0x180000  }
0x1ff: {  	[bflag:$0x0] =	sbarrier.arrive $0xFFFF  }
0x200: {  	_ =	strace $0x90000047  }
0x201: {  	s0 =	stileid.u32;
	[bflag:$0x2] =	sbarrier.arrive $0xFFFF  }
0x202: {  	p0 =	sne.s32 s0, $0x0;
	s0 =	rddreg [dreg:$0x3]  }
0x203: {  	s0 =	sadd.s32 @!p0 $0x100000, s0  }
0x204: {  	[sflag:s0] =	ssyncadd.tile.s32 @!p0 $0x1;
	_ =	shalt  }
.Lfunc_end2:
_tile_overlayer_lowered:
.L_overlay_start_2:
0x205: {  	(tag) =	ssettag $0x2  }
0x206: {  	s0 =	rddreg [dreg:$0x0];
	s2 =	stileid.u32  }
0x207: {  	s1 =	rddreg [dreg:$0x1];
	p0 =	sne.s32 s2, $0x0  }
0x208: {  	s3 =	rddreg [dreg:$0x2];
	[bflag:$0x3] =	sbarrier.arrive $0xFFFF;
	s2 =	simm.s32 @!p0 $0x1C05  }
0x209: {  	[timem:s3], [sflag:s2] =	dma.local @!p0 [hbm:s0], s1  }
0x20a: {  	s0 =	simm.s32 @!p0 $0x5  }
0x20b: {  	_ =	swait.ge @!p0 [sflag:s0], s1  }
0x20c: {  	s1 =	ssub.s32 @!p0 $0x0, s1;
	[sflag:s0] =	ssyncset.done @!p0 $0x0  }
0x20d: {  	[sflag:s0] =	ssyncadd.s32 @!p0 s1  }
0x20e: {  	[bflag:$0x3] =	sbarrier.arrive $0xFFFF  }
0x20f: {  	_ =	shalt  }

// kernel: sparse-core-data-format-call.cloned.1.call-start
scs
called_computation_lowered:
.L_overlay_start_0:
0x0: {  	s2 =	sld [smem:$0x3FD9]  }
0x1: {  	s3 =	sld [smem:$0x3FFE];
	_ =	sdelay $0x1  }
0x2: {  	s1 =	srdreg.scid  }
0x3: {  	s0 =	sand.u32 $0x1, s1  }
0x4: {  	s18 =	sshll.u32 s0, $0xA;
	s2 =	sadd.s32 s3, s2  }
0x5: {  	s2 =	sadd.s32 s2, s18  }
0x6: {  	[smem:$0x3FC6] =	sst s2  }
0x7: {  	_ = 	snop  }
0x8: {  	s2 =	sld [smem:$0x3FD0];
	(tm) =	ssettm $0x1  }
0x9: {  	s19 =	sld [smem:$0x3FFB];
	_ =	sdelay $0x3  }
0xa: {  	_ =	strace s19  }
0xb: {  	s3 =	sld [smem:$0x3FFC];
	_ =	sdelay $0x3  }
0xc: {  	_ =	strace s3  }
0xd: {  	s3 =	sld [smem:$0x3FFD];
	_ =	sdelay $0x3  }
0xe: {  	_ =	strace s3  }
0xf: {  	_ =	strace $0x8FFFFFFF  }
0x10: {  	s20 =	sld [smem:$0x3FDB];
	_ =	sdelay $0x1  }
0x11: {  	s4 =	simm.s32 $_scs_section_size  }
0x12: {  	s5 =	simm.s32 $_size__tile_overlayer_lowered;
	s6 =	simm.s32 $_tile_overlayer_lowered  }
0x13: {  	s23 =	simm.s32 $0x1BFF;
	s22 =	sshll.u32 s6, $0x1;
	s3 =	sadd.s32 s4, s20  }
0x14: {  	s7 =	simm.s32 $0x0;
	s21 =	sshll.u32 s5, $0x1;
	s5 =	sadd.s32 s22, s3  }
0x15: {  	[timem:s7], [sflag:s23] =	dma.local [hbm:s5], s21  }
0x16: {  	_ =	swait.ge [sflag:s23], s21  }
0x17: {  	s4 =	ssub.s32 $0x0, s21;
	[sflag:s23] =	ssyncset.done $0x0  }
0x18: {  	[sflag:s23] =	ssyncadd.s32 s4;
	_ =	sdelay $0x1  }
0x19: {  	s24 =	simm.s32 $0x1B8B  }
0x1a: {  	_ =	swait.ge [sflag:s24], $0x1  }
0x1b: {  	[sflag:s24] =	ssyncset.done $0x0  }
0x1c: {  	s26 =	simm.s32 $0x1B8E;
	s25 =	sld [smem:$0x3FFE];
	[sflag:s24] =	ssyncadd.s32 $0xFFFFFFFF  }
0x1d: {  	s27 =	simm.s32 $execute0_lowered;
	[smem:$0x3FD2] =	sst s26  }
0x1e: {  	s5 =	sshll.u32 s27, $0x1;
	_ =	strace $0x80000049;
	[dreg:$0x1] =	wrdreg $0xFFFFFFFF  }
0x1f: {  	s28 =	simm.s32 $_size_execute0_lowered;
	s3 =	sadd.s32 s3, s5;
	[dreg:$0x0] =	wrdreg $0x0  }
0x20: {  	s5 =	sshll.u32 s28, $0x1;
	[dreg:$0x2] =	wrdreg s3  }
0x21: {  	[dreg:$0x3] =	wrdreg s5  }
0x22: {  	[dreg:$0x4] =	wrdreg $0xC0  }
0x23: {  	_ =	task [dreg:s7], $0x5FFFF  }
0x24: {  	[dreg:$0x1] =	wrdreg $0xFFFFFFFF  }
0x25: {  	[dreg:$0x0] =	wrdreg $0x60  }
0x26: {  	[dreg:$0x2] =	wrdreg s25  }
0x27: {  	[dreg:$0x3] =	wrdreg s2  }
0x28: {  	[dreg:$0x4] =	wrdreg $0x9  }
0x29: {  	_ =	task.clear_ibuf [dreg:s7], $0x5FFFF;
	_ =	strace $0x90000049  }
0x2a: {  	s29 =	simm.s32 $0x9;
	_ =	strace $0x8000004B  }
0x2b: {  	_ =	swait.ge [sflag:s29], $0x1  }
0x2c: {  	[sflag:s29] =	ssyncadd.s32 $0xFFFFFFFF  }
0x2d: {  	_ =	strace $0x9000004B  }
0x2e: {  	_ =	sfence  }
0x2f: {  	s30 =	sld [smem:$0x0];
	_ =	sdelay $0x2  }
0x30: {  	s31 =	sshll.u32 s1, $0xD;
	s1 =	sshrl.u32 s1, $0x2  }
0x31: {  	s3 =	sand.u32 $0x4000, s31;
	s1 =	sadd.s32 s1, s30  }
0x32: {  	s0 =	sor.u32 s3, s0;
	s1 =	sshll.u32 s1, $0x11  }
0x33: {  	s0 =	sor.u32 s1, s0  }
0x34: {  	s0 =	sadd.s32 $0x8F2B, s0  }
0x35: {  	[sflag:s0] =	ssyncadd.remote.s32 $0x1  }
0x36: {  	_ =	sfence.sel $0xFFFF  }
0x37: {  	[dreg:$0x0] =	wrdreg $0xFFFFFFFF;
	(pc) =	sbr.abs _section_cstart, $3  }
0x38: {  	[dreg:$0x1] =	wrdreg $0xFFFFFFFF  }
0x39: {  	_ =	task.clear_ibuf [dreg:s7], $0x2FFFF;
	_ =	strace $0x9FFFFFFF  }
0x3a: {  	(tm) =	ssettm $0x7FFFFFFF  }
0x3b: {  	_ =	shalt  }
tec
execute0_lowered:
.L_overlay_start_1:
0x0: {  	(tag) =	ssettag $0x1  }
0x1: {  	s0 =	srdreg.scid  }
0x2: {  	s1 =	sshll.u32 s0, $0x4  }
0x3: {  	s0 =	stileid.u32;
	s1 =	sand.u32 $0x10, s1  }
0x4: {  	s1 =	sor.u32 s0, s1  }
0x5: {  	s6 =	rddreg [dreg:$0x0];
	s4 =	simm.s32 $0x1;
	s2 =	sshll.u32 s1, $0x7  }
0x6: {  	s7 =	simm.s32 $0x2;
	s12 =	simm.s32 $0x0;
	s1 =	ssub.s32 $0x4000, s2  }
0x7: {  	s8 =	simm.s32 $0x20000;
	s13 =	simm.s32 $0x0;
	s3 =	sand.u32 $0xF80, s1  }
0x8: {  	s9 =	simm.s32 $0x0;
	s5 =	sshrl.u32 s1, $0xC;
	p0 =	sne.s32 s3, $0x0  }
.Ltmp0:
0x9: {  	s1 =	rddreg [dreg:$0x2];
	s4 =	simm.s32 @!p0 $0x0;
	(pc) =	sbr.rel .LBB1_1-.Ltmp0, $4  }
0xa: {  	s11 =	simm.s32 $0x0;
	s3 =	rddreg [dreg:$0x1];
	s5 =	sadd.s32 s4, s5  }
0xb: {  	_ =	strace $0x8000004A;
	s4 =	simm.s32 $0x1;
	s5 =	smul.u32 $0x32, s5  }
0xc: {  	s6 =	sadd.s32 $0xA00, s6;
	s10 =	smov.u32 s2;
	[sflag:s4] =	ssyncpa.u1 $0x0  }
0xd: {  	p0 =	por $0x0, $0x0;
	[sflag:s7] =	ssyncpa.u1 $0x0;
	s7 =	sor.u32 $0x1, s5  }
.LBB1_4:
0xe: {  	s16 =	sshll.u32 s13, $0x3;
	s17 =	sand.u32 $0x78, s13  }
0xf: {  	s30 =	sand.u32 $0x1F800, s13;
	s12 =	sshll.u32 s12, $0x11;
	s16 =	sand.u32 $0x3C00, s16  }
0x10: {  	[tilespmem:s15+$0x810 ss:$0x81] =	vst.msk $0xffff, v2;
	s31 =	sand.u32 $0x7, s13;
	s16 =	sor.u32 s17, s16;
	s17 =	sadd.s32 s3, s30  }
0x11: {  	[tilespmem:s15+$0x1020 ss:$0x81] =	vst.msk $0xffff, v0;
	s13 =	sshll.u32 s31, $0x12;
	s12 =	sadd.s32 s12, s17;
	s16 =	sshrl.u32 s16, $0x3  }
0x12: {  	[tilespmem:s15+$0x0 ss:$0x81] =	vst.msk $0xffff, v1;
	s13 =	sor.u32 $0x400, s13;
	s12 =	sadd.s32 s16, s12  }
0x13: {  	[hbm4b:s12+s13] =	stream.strided.scatter [tilespmem:s14], [sflag:$0x2], $0x2000, s8, s13, $0x20;
	[tilespmem:$0x8080] =	vst v63  }
.LBB1_5:
0x14: {  	s14 =	sadd.s32 $0x1, s9  }
0x15: {  	s12 =	sadd.s32 $0x1000, s10;
	s16 =	smov.u32 s10;
	p2 =	sgt.s32 s14, $0x31  }
0x16: {  	s16 =	smov.u32 @p2 s12  }
0x17: {  	s14 =	simm.s32 @p2 $0x0;
	p2 =	sgt.s32 s16, $0x3FFF  }
0x18: {  	s16 =	smov.u32 @p2 s2;
	p2 =	sne.s32 s11, s7  }
.Ltmp1:
0x19: {  	p1 =	slt.u32 s11, $0x2;
	(pc) =	sbr.rel @!p2 .LBB1_6-.Ltmp1, $4  }
0x1a: {  	s15 =	simm.s32 @!p1 $0x2  }
0x1b: {  	s13 =	smov.u32 s10;
	p0 =	por !p0, !p0;
	_ =	swait.ge @!p1 [sflag:s15], $0x2000  }
0x1c: {  	s12 =	smov.u32 s9;
	[sflag:s15] =	ssyncset.done @!p1 $0x0;
	s9 =	smov.u32 s14  }
0x1d: {  	s11 =	sadd.s32 $0x1, s11;
	[sflag:s15] =	ssyncadd.s32 @!p1 $0xFFFFE000;
	s10 =	smov.u32 s16  }
.LBB1_1:
0x1e: {  	p1 =	sge.u32 s11, s5  }
0x1f: {  	s14 =	sand.u32 @!p1 $0x1FFFFFF, s9  }
0x20: {  	s15 =	smulhi.u32 @!p1 $0x4924925, s14;
	_ =	sdelay $0x1  }
0x21: {  	s15 =	smul.u32 @!p1 $0x38, s15  }
0x22: {  	s16 =	sxor.u32 @!p1 $0xFFFFFFFF, s11;
	s17 =	smul.u32 @!p1 $0x380, s10  }
0x23: {  	s31 =	sadd.s32 $0xFFFFFFFF, s11;
	s16 =	sshll.u32 @!p1 s16, $0xD;
	s14 =	ssub.s32 @!p1 s14, s15  }
0x24: {  	s15 =	sand.u32 @!p1 $0x2000, s16;
	s16 =	sadd.s32 @!p1 s6, s17;
	s14 =	sshll.u32 @!p1 s14, $0x4  }
0x25: {  	s17 =	simm.s32 @!p1 $0x1C00;
	s14 =	sadd.s32 @!p1 s14, s16;
	s16 =	simm.s32 @!p1 $0x40  }
0x26: {  	[tilespmem:s15], [sflag:$0x1] =	stream.strided.gather @!p1 [hbm4b:s14+s16], $0x2000, s17, s16, $0x38;
	[tilespmem:$0x8080] =	vst v63  }
0x27: {  	p1 =	sge.u32 s31, s5  }
.Ltmp2:
0x28: {  	_ = 	snop;
	(pc) =	sbr.rel @p1 .LBB1_5-.Ltmp2, $1  }
0x29: {  	_ =	sdelay $0x3  }
0x2a: {  	s14 =	simm.s32 $0x1  }
0x2b: {  	_ =	swait.ge [sflag:s4], $0x2000;
	s14 =	simm.s32 @!p0 $0x0  }
0x2c: {  	[sflag:s4] =	ssyncset.done $0x0;
	s15 =	sshll.u32 s14, $0xD  }
0x2d: {  	[sflag:s4] =	ssyncadd.s32 $0xFFFFE000;
	s18 =	sor.u32 $0x20, s15  }
0x2e: {  	s14 =	smul.u32 $0x8100, s14;
	v3 =	vld [tilespmem:s18+$0x10]  }
0x2f: {  	s30 =	sand.u32 $0x1, s11;
	v2 =	vld [tilespmem:s18+$0xFFFFFFF0]  }
0x30: {  	s15 =	smul.u32 $0x8100, s30;
	s14 =	sshrl.u32 s14, $0x2;
	v0 =	vld [tilespmem:s18+$0x0]  }
0x31: {  	v1 =	vld [tilespmem:s18+$0xFFFFFFE0];
	s16 =	sor.u32 $0x4000, s14  }
0x32: {  	s31 =	sshrl.u32 s15, $0x2;
	s15 =	sadd.s32 $0x0, s16  }
0x33: {  	s17 =	simm.s32 $0x4;
	s18 =	sadd.s32 $0x40, s18;
	s14 =	sor.u32 $0x4000, s31;
	[tilespmem:s15+$0x1830 ss:$0x81] =	vst.msk $0xffff, v3  }
.LBB1_3:
0x34: {  	v3 =	vld [tilespmem:s18+$0x10];
	p1 =	sne.s32 s17, $0x1FC;
	[tilespmem:s15+$0x810 ss:$0x81] =	vst.msk $0xffff, v2;
	s19 =	smov.u32 s17;
	s17 =	sadd.s32 $0x4, s17  }
.Ltmp3:
0x35: {  	v2 =	vld [tilespmem:s18+$0xFFFFFFF0];
	[tilespmem:s15+$0x1020 ss:$0x81] =	vst.msk $0xffff, v0;
	(pc) =	sbr.rel @p1 .LBB1_3-.Ltmp3, $4  }
0x36: {  	v0 =	vld [tilespmem:s18+$0x0];
	[tilespmem:s15+$0x0 ss:$0x81] =	vst.msk $0xffff, v1  }
0x37: {  	s15 =	sshra.s32 s19, $0x2;
	v1 =	vld [tilespmem:s18+$0xFFFFFFE0]  }
0x38: {  	s15 =	sadd.s32 s15, s16  }
0x39: {  	s18 =	sadd.s32 $0x40, s18;
	[tilespmem:s15+$0x1830 ss:$0x81] =	vst.msk $0xffff, v3  }
.Ltmp4:
0x3a: {  	_ = 	snop;
	(pc) =	sbr.rel .LBB1_4-.Ltmp4, $1  }
0x3b: {  	_ =	sdelay $0x3  }
.LBB1_6:
0x3c: {  	_ =	sfence.sel $0x180000  }
0x3d: {  	s2 =	simm.s32 $0x1;
	[bflag:$0x0] =	sbarrier.arrive $0xFFFF  }
0x3e: {  	s31 =	simm.s32 $0x2;
	[sflag:s2] =	ssyncpa.u1 $0x1  }
0x3f: {  	[sflag:s31] =	ssyncpa.u1 $0x1  }
0x40: {  	p0 =	sne.s32 s0, $0x0;
	_ =	strace $0x9000004A  }
0x41: {  	s0 =	sadd.s32 @!p0 $0x100000, s1;
	[bflag:$0x2] =	sbarrier.arrive $0xFFFF  }
0x42: {  	[sflag:s0] =	ssyncadd.tile.s32 @!p0 $0x1;
	_ =	shalt  }
.Lfunc_end1:
_tile_overlayer_lowered:
.L_overlay_start_2:
0x43: {  	(tag) =	ssettag $0x2  }
0x44: {  	s0 =	rddreg [dreg:$0x0];
	s2 =	stileid.u32  }
0x45: {  	s1 =	rddreg [dreg:$0x1];
	p0 =	sne.s32 s2, $0x0  }
0x46: {  	s3 =	rddreg [dreg:$0x2];
	[bflag:$0x3] =	sbarrier.arrive $0xFFFF;
	s2 =	simm.s32 @!p0 $0x1C01  }
0x47: {  	[timem:s3], [sflag:s2] =	dma.local @!p0 [hbm:s0], s1  }
0x48: {  	s0 =	simm.s32 @!p0 $0x1  }
0x49: {  	_ =	swait.ge @!p0 [sflag:s0], s1  }
0x4a: {  	s1 =	ssub.s32 @!p0 $0x0, s1;
	[sflag:s0] =	ssyncset.done @!p0 $0x0  }
0x4b: {  	[sflag:s0] =	ssyncadd.s32 @!p0 s1  }
0x4c: {  	[bflag:$0x3] =	sbarrier.arrive $0xFFFF  }
0x4d: {  	_ =	shalt  }

</sc_bundles>
